<compile_context>
chip_gen: v7x
topology: tpu7x:2x2x1
jax: 0.10.2.dev20260603
libtpu: 0.0.44.dev20260713+nightly
codegen_flags: <defaults>
</compile_context>

<pallas_src>
import functools

import jax
import jax.numpy as jnp
from jax import lax
from jax.experimental import pallas as pl
from jax.experimental.pallas import tpu as pltpu
from jax.experimental.pallas import tpu_sc as plsc

N_NODES = 10000
N_EDGES = 160000
D = 256
DQ = 64

NC = 2
NS = 16
CHUNK = 128
NCHUNKS = N_EDGES // CHUNK
CPT = 79
CPT_LAST = NCHUNKS - 15 * CPT
N_PAD = 10240
STRIPE = N_PAD // NS
DSTRIPE = 40


def _sc_aggregate(xf, edges_c):
    mesh = plsc.VectorSubcoreMesh(core_axis_name="c", subcore_axis_name="s")

    @functools.partial(
        pl.kernel,
        out_type=(
            jax.ShapeDtypeStruct((N_PAD, D), jnp.float32),
            jax.ShapeDtypeStruct((N_PAD, 16), jnp.float32),
            jax.ShapeDtypeStruct((N_PAD, 16), jnp.float32),
        ),
        mesh=mesh,
        compiler_params=pltpu.CompilerParams(use_tc_tiling_on_sc=False),
        scratch_types=[
            pltpu.VMEM((CPT, CHUNK), jnp.int32),
            pltpu.VMEM((CPT, CHUNK), jnp.int32),
            pltpu.VMEM((CPT, CHUNK), jnp.int32),
            pltpu.VMEM((CHUNK, DQ), jnp.float32),
            pltpu.VMEM((CHUNK, DQ), jnp.float32),
            pltpu.VMEM((CHUNK, DQ), jnp.float32),
            pltpu.VMEM((CHUNK, DQ), jnp.float32),
            pltpu.VMEM((CHUNK, 16), jnp.float32),
            pltpu.VMEM((32, DQ), jnp.float32),
            pltpu.VMEM((DSTRIPE, 16), jnp.float32),
            pltpu.VMEM_SHARED((N_PAD, DQ), jnp.float32),
            pltpu.VMEM_SHARED((N_PAD, 16), jnp.float32),
        ] + [pltpu.SemaphoreType.DMA] * 9,
    )
    def k(xf_hbm, edges_hbm,
          agg_hbm, deg0_hbm, deg1_hbm,
          src_v, dst_v, idx_v, rows0, rows1, rows2, rows3,
          ones_v, zb_v, zd_v, agg_sh, deg_sh,
          g0, g1, g2, g3, s0, s1, s2, s3, dsem):
        R = [rows0, rows1, rows2, rows3]
        G = [g0, g1, g2, g3]
        S = [s0, s1, s2, s3]
        c = lax.axis_index("c")
        s = lax.axis_index("s")
        cnt = jnp.where(s == NS - 1, CPT_LAST, CPT)
        nquads = cnt // 4

        zeros16 = jnp.zeros((16,), jnp.float32)
        ones16 = jnp.full((16,), 1.0, jnp.float32)

        def init_zb(i, _):
            for kk in range(DQ // 16):
                zb_v[i, pl.ds(kk * 16, 16)] = zeros16
            return 0
        lax.fori_loop(0, 32, init_zb, 0)

        def init_zd(i, _):
            zd_v[i, :] = zeros16
            return 0
        lax.fori_loop(0, DSTRIPE, init_zd, 0)

        def init_ones(i, _):
            ones_v[i, :] = ones16
            return 0
        lax.fori_loop(0, CHUNK, init_ones, 0)

        def zero_agg_stripe():
            def zero_one(r, _):
                pltpu.sync_copy(zb_v,
                                agg_sh.at[pl.ds(s * STRIPE + r * 32, 32)])
                return 0
            lax.fori_loop(0, STRIPE // 32, zero_one, 0)

        zero_agg_stripe()

        def zero_deg(r, _):
            pltpu.sync_copy(
                zd_v, deg_sh.at[pl.ds(s * STRIPE + r * DSTRIPE, DSTRIPE)])
            return 0
        lax.fori_loop(0, STRIPE // DSTRIPE, zero_deg, 0)

        def stage_full():
            pltpu.sync_copy(edges_hbm.at[pl.ds(s * CPT, CPT)], src_v)
            pltpu.sync_copy(edges_hbm.at[pl.ds(NCHUNKS + s * CPT, CPT)],
                            dst_v)

        def stage_last():
            pltpu.sync_copy(edges_hbm.at[pl.ds(15 * CPT, CPT_LAST)],
                            src_v.at[pl.ds(0, CPT_LAST)])
            pltpu.sync_copy(edges_hbm.at[pl.ds(NCHUNKS + 15 * CPT, CPT_LAST)],
                            dst_v.at[pl.ds(0, CPT_LAST)])

        pl.when(s < NS - 1)(stage_full)
        pl.when(s == NS - 1)(stage_last)

        def start_gather(j, buf, sem):
            pltpu.async_copy(xf_hbm.at[idx_v.at[j]], buf, sem)

        def wait_gather(j, buf, sem):
            pltpu.make_async_copy(xf_hbm.at[idx_v.at[j]], buf, sem).wait()

        def start_scat(j, buf, sem):
            pltpu.async_copy(buf, agg_sh.at[dst_v.at[j]], sem, add=True)

        def wait_scat(j, buf, sem):
            pltpu.make_async_copy(buf, agg_sh.at[dst_v.at[j]], sem).wait()

        def wait_deg(j):
            pltpu.make_async_copy(
                ones_v, deg_sh.at[dst_v.at[j]], dsem).wait()

        def run_pass(q, with_deg):
            def bld(r, _):
                for kk in range(CHUNK // 16):
                    sl = pl.ds(kk * 16, 16)
                    idx_v[r, sl] = jnp.left_shift(src_v[r, sl], 2) + q
                return 0
            lax.fori_loop(0, cnt, bld, 0)

            for i in range(4):
                start_gather(i, R[i], G[i])
            plsc.subcore_barrier()

            def quad(p, _):
                base4 = 4 * p
                for i in range(4):
                    ji = base4 + i
                    wait_gather(ji, R[i], G[i])
                    start_scat(ji, R[i], S[i])
                    if with_deg:
                        def dg(ji=ji, first=(i < 2)):
                            if first:
                                pl.when(p > 0)(lambda: wait_deg(ji))
                            else:
                                wait_deg(ji)
                            pltpu.async_copy(ones_v, deg_sh.at[dst_v.at[ji]],
                                             dsem, add=True)
                        pl.when((i & 1) == c)(dg)
                for i in range(4):
                    ji = base4 + i
                    wait_scat(ji, R[i], S[i])
                    pl.when(ji + 4 < cnt)(
                        lambda ji=ji, i=i: start_gather(ji + 4, R[i], G[i]))
                return 0
            lax.fori_loop(0, nquads, quad, 0)

            if with_deg:
                wait_deg(0)

            for r in range(3):
                def tail(r=r):
                    jt = 4 * nquads + r
                    wait_gather(jt, R[r], G[r])
                    pltpu.sync_copy(R[r], agg_sh.at[dst_v.at[jt]], add=True)
                    if with_deg:
                        def td():
                            pltpu.sync_copy(ones_v, deg_sh.at[dst_v.at[jt]],
                                            add=True)
                        pl.when((r & 1) == c)(td)
                pl.when(4 * nquads + r < cnt)(tail)

            plsc.subcore_barrier()

        def copy_agg_out(q):
            pltpu.sync_copy(agg_sh.at[pl.ds(s * STRIPE, STRIPE)],
                            agg_hbm.at[pl.ds(s * STRIPE, STRIPE),
                                       pl.ds(q * DQ, DQ)])

        def copy_deg_out(deg_hbm):
            pltpu.sync_copy(deg_sh.at[pl.ds(s * STRIPE, STRIPE)],
                            deg_hbm.at[pl.ds(s * STRIPE, STRIPE)])

        run_pass(2 * c, True)

        copy_agg_out(2 * c)
        pl.when(c == 0)(lambda: copy_deg_out(deg0_hbm))
        pl.when(c == 1)(lambda: copy_deg_out(deg1_hbm))
        zero_agg_stripe()
        plsc.subcore_barrier()

        run_pass(2 * c + 1, False)
        copy_agg_out(2 * c + 1)

    return k(xf, edges_c)


def _tc_body(a_ref, d0_ref, d1_ref, x_ref, w1_ref, ws_ref, o_ref):
    deg = jnp.maximum(d0_ref[:, :1] + d1_ref[:, :1], 1.0)
    acc = jnp.dot(x_ref[:], ws_ref[:], preferred_element_type=jnp.float32)
    acc += jnp.dot(a_ref[:], w1_ref[:],
                   preferred_element_type=jnp.float32) / deg
    o_ref[:] = acc


def _tc_epilogue(agg, deg0, deg1, x, w1_t, w2_t):
    blk = 2000
    grid = (N_NODES // blk,)
    return pl.pallas_call(
        _tc_body,
        grid=grid,
        in_specs=[
            pl.BlockSpec((blk, D), lambda i: (i, 0)),
            pl.BlockSpec((blk, 16), lambda i: (i, 0)),
            pl.BlockSpec((blk, 16), lambda i: (i, 0)),
            pl.BlockSpec((blk, D), lambda i: (i, 0)),
            pl.BlockSpec((D, D), lambda i: (0, 0)),
            pl.BlockSpec((D, D), lambda i: (0, 0)),
        ],
        out_specs=pl.BlockSpec((blk, D), lambda i: (i, 0)),
        out_shape=jax.ShapeDtypeStruct((N_NODES, D), jnp.float32),
    )(agg, deg0, deg1, x, w1_t, w2_t)


@jax.jit
def kernel(x, edge_index, W1, W2):
    edges_c = edge_index.astype(jnp.int32).reshape(2 * NCHUNKS, CHUNK)
    xf = x.reshape(N_NODES * 4, DQ)
    agg, deg0, deg1 = _sc_aggregate(xf, edges_c)
    return _tc_epilogue(agg, deg0, deg1, x, W1.T, W2.T)

# --- scband reference (transcript-rebuilt; emitter-appended) ---
"""Pipeline reference for scband-dist-sage-conv-46093589021299 (READ-ONLY COPY).

The authoritative reference and input builder live on the scoring server;
editing this copy changes nothing except your own understanding.
"""

import jax, jax.numpy as jnp
import numpy as np

N_NODES = 10000
N_EDGES = 160000
D_IN = 256
D_OUT = 256


def setup_inputs(seed: int = 0) -> dict:
    key = jax.random.key(seed)
    k1, k2, k3, k4 = jax.random.split(key, 4)
    x = jax.random.normal(k1, (N_NODES, D_IN), dtype=jnp.float32)
    edge_index = jax.random.randint(k2, (2, N_EDGES), 0, N_NODES, dtype=jnp.int64)
    # xavier_uniform with gain = calculate_gain('relu') = sqrt(2)
    gain = float(np.sqrt(2.0))
    limit = gain * float(np.sqrt(6.0 / (D_IN + D_OUT)))
    W1 = jax.random.uniform(k3, (D_OUT, D_IN), minval=-limit, maxval=limit, dtype=jnp.float32)
    W2 = jax.random.uniform(k4, (D_OUT, D_IN), minval=-limit, maxval=limit, dtype=jnp.float32)
    return {"x": x, "edge_index": edge_index, "W1": W1, "W2": W2}


def reference(x, edge_index, W1, W2):
    # Faithful single-device translation of DistSageConv.forward with
    # aggregator_type='sum' normalized by in-degree (i.e., mean aggregation),
    # where the distributed gather/shuffle/merge collapses to a scatter-add
    # over destination nodes. Dropout is identity (eval mode, p effectively 0).
    src = edge_index[0]
    dst = edge_index[1]
    n = x.shape[0]

    # in_feats (256) is NOT > out_feats (256), so fc1 is applied AFTER aggregation
    h = x

    # gather neighbor features and scatter-add into destination nodes
    msgs = jnp.take(h, src, axis=0)                      # gather  [E, D]
    agg = jnp.zeros((n, h.shape[1]), dtype=h.dtype).at[dst].add(msgs)  # scatter-add

    # in-degree normalization (graph asserts in_degree != 0; clamp for random graphs)
    deg = jnp.zeros((n,), dtype=h.dtype).at[dst].add(1.0)
    deg = jnp.maximum(deg, 1.0).reshape(n, 1)
    out6 = agg / deg

    # fc1 applied after aggregation since in_feats <= out_feats
    out6 = out6 @ W1.T

    # self term: self_gather is identity on the destination nodes here
    out4 = x @ W2.T

    final = out4 + out6
    return final

if __name__ == "__main__":
    import jax
    _d = setup_inputs()
    print(jax.jit(kernel)(*tuple(_d.values())))

</pallas_src>

<mosaic_0001>
#map = affine_map<(d0, d1) -> (0, 0)>
module attributes {stable_mosaic.version = 14 : i64} {
  func.func @k(%arg0: i32, %arg1: i32, %arg2: memref<40000x64xf32, #tpu.memory_space<hbm>>, %arg3: memref<2500x128xi32, #tpu.memory_space<hbm>>, %arg4: memref<10240x256xf32, #tpu.memory_space<hbm>>, %arg5: memref<10240x16xf32, #tpu.memory_space<hbm>>, %arg6: memref<10240x16xf32, #tpu.memory_space<hbm>>, %arg7: memref<79x128xi32, #tpu.memory_space<vmem>>, %arg8: memref<79x128xi32, #tpu.memory_space<vmem>>, %arg9: memref<79x128xi32, #tpu.memory_space<vmem>>, %arg10: memref<128x64xf32, #tpu.memory_space<vmem>>, %arg11: memref<128x64xf32, #tpu.memory_space<vmem>>, %arg12: memref<128x64xf32, #tpu.memory_space<vmem>>, %arg13: memref<128x64xf32, #tpu.memory_space<vmem>>, %arg14: memref<128x16xf32, #tpu.memory_space<vmem>>, %arg15: memref<32x64xf32, #tpu.memory_space<vmem>>, %arg16: memref<40x16xf32, #tpu.memory_space<vmem>>, %arg17: memref<10240x64xf32, #tpu.memory_space<vmem_shared>>, %arg18: memref<10240x16xf32, #tpu.memory_space<vmem_shared>>, %arg19: memref<!tpu.dma_semaphore, #tpu.memory_space<semaphore_mem>>, %arg20: memref<!tpu.dma_semaphore, #tpu.memory_space<semaphore_mem>>, %arg21: memref<!tpu.dma_semaphore, #tpu.memory_space<semaphore_mem>>, %arg22: memref<!tpu.dma_semaphore, #tpu.memory_space<semaphore_mem>>, %arg23: memref<!tpu.dma_semaphore, #tpu.memory_space<semaphore_mem>>, %arg24: memref<!tpu.dma_semaphore, #tpu.memory_space<semaphore_mem>>, %arg25: memref<!tpu.dma_semaphore, #tpu.memory_space<semaphore_mem>>, %arg26: memref<!tpu.dma_semaphore, #tpu.memory_space<semaphore_mem>>, %arg27: memref<!tpu.dma_semaphore, #tpu.memory_space<semaphore_mem>>) attributes {dimension_semantics = [#tpu.dimension_semantics<core_parallel>, #tpu.dimension_semantics<subcore_parallel>], iteration_bounds = array<i64: 2, 16>, scalar_prefetch = 0 : i64, scratch_operands = 21 : i64, tpu.core_type = #tpu.core_type<sc_vector_subcore>, window_params = [{transform_indices = #map}, {transform_indices = #map}, {transform_indices = #map}, {transform_indices = #map}, {transform_indices = #map}]} {
    %eq3A = arith.constant 15 : i32
    %eq3A_0 = arith.cmpi eq, %arg1, %eq3A : i32
    %jit3A = arith.constant 65 : i32
    %jit3A_1 = arith.constant 79 : i32
    %select_n3A = arith.select %eq3A_0, %jit3A, %jit3A_1 : i32
    %jit3A_2 = arith.constant 4 : i32
    %div3A = arith.divsi %select_n3A, %jit3A_2 : i32
    %sign3A = arith.constant 0 : i32
    %sign3A_3 = arith.cmpi sgt, %select_n3A, %sign3A : i32
    %sign3A_4 = arith.extui %sign3A_3 : i1 to i32
    %sign3A_5 = arith.constant 0 : i32
    %sign3A_6 = arith.cmpi slt, %select_n3A, %sign3A_5 : i32
    %sign3A_7 = arith.extui %sign3A_6 : i1 to i32
    %sign3A_8 = arith.subi %sign3A_4, %sign3A_7 : i32
    %sign3A_9 = arith.constant 0 : i32
    %sign3A_10 = arith.cmpi sgt, %jit3A_2, %sign3A_9 : i32
    %sign3A_11 = arith.extui %sign3A_10 : i1 to i32
    %sign3A_12 = arith.constant 0 : i32
    %sign3A_13 = arith.cmpi slt, %jit3A_2, %sign3A_12 : i32
    %sign3A_14 = arith.extui %sign3A_13 : i1 to i32
    %sign3A_15 = arith.subi %sign3A_11, %sign3A_14 : i32
    %ne3A = arith.cmpi ne, %sign3A_8, %sign3A_15 : i32
    %rem3A = arith.remsi %select_n3A, %jit3A_2 : i32
    %ne3A_16 = arith.constant 0 : i32
    %ne3A_17 = arith.cmpi ne, %rem3A, %ne3A_16 : i32
    %and3A = arith.andi %ne3A, %ne3A_17 : i1
    %sub3A = arith.constant 1 : i32
    %sub3A_18 = arith.subi %div3A, %sub3A : i32
    %select_n3A_19 = arith.select %and3A, %sub3A_18, %div3A : i32
    %broadcast_in_dim3A = arith.constant 0.000000e+00 : f32
    %broadcast_in_dim3A_20 = vector.broadcast %broadcast_in_dim3A : f32 to vector<16xf32>
    %broadcast_in_dim3A_21 = arith.constant 1.000000e+00 : f32
    %broadcast_in_dim3A_22 = vector.broadcast %broadcast_in_dim3A_21 : f32 to vector<16xf32>
    %scan3A = arith.constant 0 : i32
    %scan3A_23 = arith.constant 0 : i32
    %scan3A_24 = arith.constant 32 : i32
    %scan3A_25 = arith.addi %scan3A_23, %scan3A_24 : i32
    %scan3A_26 = arith.constant 1 : i32
    %scan3A_27 = scf.for %scan3A_263 = %scan3A_23 to %scan3A_25 step %scan3A_26 iter_args(%scan3A_264 = %scan3A) -> (i32)  : i32 {
      %swap3A = arith.index_cast %scan3A_263 : i32 to index
      %swap3A_265 = arith.constant 0 : index
      %swap3A_266 = tpu.vector_load %arg15[%swap3A, %swap3A_265] {strides = array<i32>} : memref<32x64xf32, #tpu.memory_space<vmem>>, vector<1x16xf32>,
      %swap3A_267 = vector.shape_cast %swap3A_266 : vector<1x16xf32> to vector<16xf32>
      %swap3A_268 = vector.shape_cast %broadcast_in_dim3A_20 : vector<16xf32> to vector<1x16xf32>
      tpu.vector_store %arg15[%swap3A, %swap3A_265], %swap3A_268 {strides = array<i32>} : memref<32x64xf32, #tpu.memory_space<vmem>>, vector<1x16xf32>,
      %swap3A_269 = arith.index_cast %scan3A_263 : i32 to index
      %swap3A_270 = arith.constant 16 : index
      %swap3A_271 = tpu.vector_load %arg15[%swap3A_269, %swap3A_270] {strides = array<i32>} : memref<32x64xf32, #tpu.memory_space<vmem>>, vector<1x16xf32>,
      %swap3A_272 = vector.shape_cast %swap3A_271 : vector<1x16xf32> to vector<16xf32>
      %swap3A_273 = vector.shape_cast %broadcast_in_dim3A_20 : vector<16xf32> to vector<1x16xf32>
      tpu.vector_store %arg15[%swap3A_269, %swap3A_270], %swap3A_273 {strides = array<i32>} : memref<32x64xf32, #tpu.memory_space<vmem>>, vector<1x16xf32>,
      %swap3A_274 = arith.index_cast %scan3A_263 : i32 to index
      %swap3A_275 = arith.constant 32 : index
      %swap3A_276 = tpu.vector_load %arg15[%swap3A_274, %swap3A_275] {strides = array<i32>} : memref<32x64xf32, #tpu.memory_space<vmem>>, vector<1x16xf32>,
      %swap3A_277 = vector.shape_cast %swap3A_276 : vector<1x16xf32> to vector<16xf32>
      %swap3A_278 = vector.shape_cast %broadcast_in_dim3A_20 : vector<16xf32> to vector<1x16xf32>
      tpu.vector_store %arg15[%swap3A_274, %swap3A_275], %swap3A_278 {strides = array<i32>} : memref<32x64xf32, #tpu.memory_space<vmem>>, vector<1x16xf32>,
      %swap3A_279 = arith.index_cast %scan3A_263 : i32 to index
      %swap3A_280 = arith.constant 48 : index
      %swap3A_281 = tpu.vector_load %arg15[%swap3A_279, %swap3A_280] {strides = array<i32>} : memref<32x64xf32, #tpu.memory_space<vmem>>, vector<1x16xf32>,
      %swap3A_282 = vector.shape_cast %swap3A_281 : vector<1x16xf32> to vector<16xf32>
      %swap3A_283 = vector.shape_cast %broadcast_in_dim3A_20 : vector<16xf32> to vector<1x16xf32>
      tpu.vector_store %arg15[%swap3A_279, %swap3A_280], %swap3A_283 {strides = array<i32>} : memref<32x64xf32, #tpu.memory_space<vmem>>, vector<1x16xf32>,
      %scan3A_284 = arith.constant 0 : i32
      scf.yield %scan3A_284 : i32
    }
    %scan3A_28 = arith.constant 32 : i32
    %scan3A_29 = arith.constant 0 : i32
    %scan3A_30 = arith.constant 0 : i32
    %scan3A_31 = arith.constant 40 : i32
    %scan3A_32 = arith.addi %scan3A_30, %scan3A_31 : i32
    %scan3A_33 = arith.constant 1 : i32
    %scan3A_34 = scf.for %scan3A_263 = %scan3A_30 to %scan3A_32 step %scan3A_33 iter_args(%scan3A_264 = %scan3A_29) -> (i32)  : i32 {
      %swap3A = arith.index_cast %scan3A_263 : i32 to index
      %swap3A_265 = arith.constant 0 : index
      %swap3A_266 = tpu.vector_load %arg16[%swap3A, %swap3A_265] {strides = array<i32>} : memref<40x16xf32, #tpu.memory_space<vmem>>, vector<1x16xf32>,
      %swap3A_267 = vector.shape_cast %swap3A_266 : vector<1x16xf32> to vector<16xf32>
      %swap3A_268 = vector.shape_cast %broadcast_in_dim3A_20 : vector<16xf32> to vector<1x16xf32>
      tpu.vector_store %arg16[%swap3A, %swap3A_265], %swap3A_268 {strides = array<i32>} : memref<40x16xf32, #tpu.memory_space<vmem>>, vector<1x16xf32>,
      %scan3A_269 = arith.constant 0 : i32
      scf.yield %scan3A_269 : i32
    }
    %scan3A_35 = arith.constant 40 : i32
    %scan3A_36 = arith.constant 0 : i32
    %scan3A_37 = arith.constant 0 : i32
    %scan3A_38 = arith.constant 128 : i32
    %scan3A_39 = arith.addi %scan3A_37, %scan3A_38 : i32
    %scan3A_40 = arith.constant 1 : i32
    %scan3A_41 = scf.for %scan3A_263 = %scan3A_37 to %scan3A_39 step %scan3A_40 iter_args(%scan3A_264 = %scan3A_36) -> (i32)  : i32 {
      %swap3A = arith.index_cast %scan3A_263 : i32 to index
      %swap3A_265 = arith.constant 0 : index
      %swap3A_266 = tpu.vector_load %arg14[%swap3A, %swap3A_265] {strides = array<i32>} : memref<128x16xf32, #tpu.memory_space<vmem>>, vector<1x16xf32>,
      %swap3A_267 = vector.shape_cast %swap3A_266 : vector<1x16xf32> to vector<16xf32>
      %swap3A_268 = vector.shape_cast %broadcast_in_dim3A_22 : vector<16xf32> to vector<1x16xf32>
      tpu.vector_store %arg14[%swap3A, %swap3A_265], %swap3A_268 {strides = array<i32>} : memref<128x16xf32, #tpu.memory_space<vmem>>, vector<1x16xf32>,
      %scan3A_269 = arith.constant 0 : i32
      scf.yield %scan3A_269 : i32
    }
    %scan3A_42 = arith.constant 128 : i32
    %scan3A_43 = arith.constant 0 : i32
    %scan3A_44 = arith.constant 0 : i32
    %scan3A_45 = arith.constant 20 : i32
    %scan3A_46 = arith.addi %scan3A_44, %scan3A_45 : i32
    %scan3A_47 = arith.constant 1 : i32
    %scan3A_48 = scf.for %scan3A_263 = %scan3A_44 to %scan3A_46 step %scan3A_47 iter_args(%scan3A_264 = %scan3A_43) -> (i32)  : i32 {
      %mul3A_265 = arith.constant 640 : i32
      %mul3A_266 = arith.muli %arg1, %mul3A_265 : i32
      %mul3A_267 = arith.constant 32 : i32
      %mul3A_268 = arith.muli %scan3A_263, %mul3A_267 : i32
      %add3A_269 = arith.addi %mul3A_266, %mul3A_268 : i32
      "tpu.region"() ({
        %run_scoped3A = tpu.sem_alloc : memref<!tpu.dma_semaphore, #tpu.memory_space<semaphore_mem>>
        %dma_start3A_271 = arith.constant 0 : i32
        %dma_start3A_272 = tpu.memref_slice %arg17[%add3A_269, %dma_start3A_271] : memref<10240x64xf32, #tpu.memory_space<vmem_shared>> -> memref<32x64xf32, #tpu.memory_space<vmem_shared>>
        %dma_start3A_273 = arith.constant 0 : i32
        %dma_start3A_274 = tpu.memref_slice %arg17[%add3A_269, %dma_start3A_273] : memref<10240x64xf32, #tpu.memory_space<vmem_shared>> -> memref<32x64xf32, #tpu.memory_space<vmem_shared>>
        tpu.enqueue_dma source(%arg15 : memref<32x64xf32, #tpu.memory_space<vmem>>) target(%dma_start3A_274 : memref<32x64xf32, #tpu.memory_space<vmem_shared>>) target_semaphore(%run_scoped3A : memref<!tpu.dma_semaphore, #tpu.memory_space<semaphore_mem>>)
        %dma_wait3A_275 = arith.constant 0 : i32
        %dma_wait3A_276 = tpu.memref_slice %arg17[%add3A_269, %dma_wait3A_275] : memref<10240x64xf32, #tpu.memory_space<vmem_shared>> -> memref<32x64xf32, #tpu.memory_space<vmem_shared>>
        %dma_wait3A_277 = arith.constant 0 : i32
        %dma_wait3A_278 = tpu.memref_slice %arg17[%add3A_269, %dma_wait3A_277] : memref<10240x64xf32, #tpu.memory_space<vmem_shared>> -> memref<32x64xf32, #tpu.memory_space<vmem_shared>>
        tpu.wait_dma2 semaphore(%run_scoped3A : memref<!tpu.dma_semaphore, #tpu.memory_space<semaphore_mem>>) src(%arg15 : memref<32x64xf32, #tpu.memory_space<vmem>>) dst(%dma_wait3A_278 : memref<32x64xf32, #tpu.memory_space<vmem_shared>>)
        tpu.yield
      }) : () -> ()
      %scan3A_270 = arith.constant 0 : i32
      scf.yield %scan3A_270 : i32
    }
    %scan3A_49 = arith.constant 20 : i32
    %scan3A_50 = arith.constant 0 : i32
    %scan3A_51 = arith.constant 0 : i32
    %scan3A_52 = arith.constant 16 : i32
    %scan3A_53 = arith.addi %scan3A_51, %scan3A_52 : i32
    %scan3A_54 = arith.constant 1 : i32
    %scan3A_55 = scf.for %scan3A_263 = %scan3A_51 to %scan3A_53 step %scan3A_54 iter_args(%scan3A_264 = %scan3A_50) -> (i32)  : i32 {
      %mul3A_265 = arith.constant 640 : i32
      %mul3A_266 = arith.muli %arg1, %mul3A_265 : i32
      %mul3A_267 = arith.constant 40 : i32
      %mul3A_268 = arith.muli %scan3A_263, %mul3A_267 : i32
      %add3A_269 = arith.addi %mul3A_266, %mul3A_268 : i32
      "tpu.region"() ({
        %run_scoped3A = tpu.sem_alloc : memref<!tpu.dma_semaphore, #tpu.memory_space<semaphore_mem>>
        %dma_start3A_271 = arith.constant 0 : i32
        %dma_start3A_272 = tpu.memref_slice %arg18[%add3A_269, %dma_start3A_271] : memref<10240x16xf32, #tpu.memory_space<vmem_shared>> -> memref<40x16xf32, #tpu.memory_space<vmem_shared>>
        %dma_start3A_273 = arith.constant 0 : i32
        %dma_start3A_274 = tpu.memref_slice %arg18[%add3A_269, %dma_start3A_273] : memref<10240x16xf32, #tpu.memory_space<vmem_shared>> -> memref<40x16xf32, #tpu.memory_space<vmem_shared>>
        tpu.enqueue_dma source(%arg16 : memref<40x16xf32, #tpu.memory_space<vmem>>) target(%dma_start3A_274 : memref<40x16xf32, #tpu.memory_space<vmem_shared>>) target_semaphore(%run_scoped3A : memref<!tpu.dma_semaphore, #tpu.memory_space<semaphore_mem>>)
        %dma_wait3A_275 = arith.constant 0 : i32
        %dma_wait3A_276 = tpu.memref_slice %arg18[%add3A_269, %dma_wait3A_275] : memref<10240x16xf32, #tpu.memory_space<vmem_shared>> -> memref<40x16xf32, #tpu.memory_space<vmem_shared>>
        %dma_wait3A_277 = arith.constant 0 : i32
        %dma_wait3A_278 = tpu.memref_slice %arg18[%add3A_269, %dma_wait3A_277] : memref<10240x16xf32, #tpu.memory_space<vmem_shared>> -> memref<40x16xf32, #tpu.memory_space<vmem_shared>>
        tpu.wait_dma2 semaphore(%run_scoped3A : memref<!tpu.dma_semaphore, #tpu.memory_space<semaphore_mem>>) src(%arg16 : memref<40x16xf32, #tpu.memory_space<vmem>>) dst(%dma_wait3A_278 : memref<40x16xf32, #tpu.memory_space<vmem_shared>>)
        tpu.yield
      }) : () -> ()
      %scan3A_270 = arith.constant 0 : i32
      scf.yield %scan3A_270 : i32
    }
    %scan3A_56 = arith.constant 16 : i32
    %lt3A = arith.constant 15 : i32
    %lt3A_57 = arith.cmpi slt, %arg1, %lt3A : i32
    %convert_element_type3A = arith.extui %lt3A_57 : i1 to i32
    %cond3A = arith.constant 0 : i32
    %cond3A_58 = arith.cmpi ne, %convert_element_type3A, %cond3A : i32
    scf.if %cond3A_58 {
      %mul3A_263 = arith.constant 79 : i32
      %mul3A_264 = arith.muli %arg1, %mul3A_263 : i32
      "tpu.region"() ({
        %run_scoped3A = tpu.sem_alloc : memref<!tpu.dma_semaphore, #tpu.memory_space<semaphore_mem>>
        %dma_start3A_269 = arith.constant 0 : i32
        %dma_start3A_270 = tpu.memref_slice %arg3[%mul3A_264, %dma_start3A_269] : memref<2500x128xi32, #tpu.memory_space<hbm>> -> memref<79x128xi32, #tpu.memory_space<hbm>>
        %dma_start3A_271 = arith.constant 0 : i32
        %dma_start3A_272 = tpu.memref_slice %arg3[%mul3A_264, %dma_start3A_271] : memref<2500x128xi32, #tpu.memory_space<hbm>> -> memref<79x128xi32, #tpu.memory_space<hbm>>
        tpu.enqueue_dma source(%dma_start3A_272 : memref<79x128xi32, #tpu.memory_space<hbm>>) target(%arg7 : memref<79x128xi32, #tpu.memory_space<vmem>>) target_semaphore(%run_scoped3A : memref<!tpu.dma_semaphore, #tpu.memory_space<semaphore_mem>>)
        %dma_wait3A_273 = arith.constant 0 : i32
        %dma_wait3A_274 = tpu.memref_slice %arg3[%mul3A_264, %dma_wait3A_273] : memref<2500x128xi32, #tpu.memory_space<hbm>> -> memref<79x128xi32, #tpu.memory_space<hbm>>
        %dma_wait3A_275 = arith.constant 0 : i32
        %dma_wait3A_276 = tpu.memref_slice %arg3[%mul3A_264, %dma_wait3A_275] : memref<2500x128xi32, #tpu.memory_space<hbm>> -> memref<79x128xi32, #tpu.memory_space<hbm>>
        tpu.wait_dma2 semaphore(%run_scoped3A : memref<!tpu.dma_semaphore, #tpu.memory_space<semaphore_mem>>) src(%dma_wait3A_276 : memref<79x128xi32, #tpu.memory_space<hbm>>) dst(%arg7 : memref<79x128xi32, #tpu.memory_space<vmem>>)
        tpu.yield
      }) : () -> ()
      %mul3A_265 = arith.constant 79 : i32
      %mul3A_266 = arith.muli %arg1, %mul3A_265 : i32
      %add3A_267 = arith.constant 1250 : i32
      %add3A_268 = arith.addi %add3A_267, %mul3A_266 : i32
      "tpu.region"() ({
        %run_scoped3A = tpu.sem_alloc : memref<!tpu.dma_semaphore, #tpu.memory_space<semaphore_mem>>
        %dma_start3A_269 = arith.constant 0 : i32
        %dma_start3A_270 = tpu.memref_slice %arg3[%add3A_268, %dma_start3A_269] : memref<2500x128xi32, #tpu.memory_space<hbm>> -> memref<79x128xi32, #tpu.memory_space<hbm>>
        %dma_start3A_271 = arith.constant 0 : i32
        %dma_start3A_272 = tpu.memref_slice %arg3[%add3A_268, %dma_start3A_271] : memref<2500x128xi32, #tpu.memory_space<hbm>> -> memref<79x128xi32, #tpu.memory_space<hbm>>
        tpu.enqueue_dma source(%dma_start3A_272 : memref<79x128xi32, #tpu.memory_space<hbm>>) target(%arg8 : memref<79x128xi32, #tpu.memory_space<vmem>>) target_semaphore(%run_scoped3A : memref<!tpu.dma_semaphore, #tpu.memory_space<semaphore_mem>>)
        %dma_wait3A_273 = arith.constant 0 : i32
        %dma_wait3A_274 = tpu.memref_slice %arg3[%add3A_268, %dma_wait3A_273] : memref<2500x128xi32, #tpu.memory_space<hbm>> -> memref<79x128xi32, #tpu.memory_space<hbm>>
        %dma_wait3A_275 = arith.constant 0 : i32
        %dma_wait3A_276 = tpu.memref_slice %arg3[%add3A_268, %dma_wait3A_275] : memref<2500x128xi32, #tpu.memory_space<hbm>> -> memref<79x128xi32, #tpu.memory_space<hbm>>
        tpu.wait_dma2 semaphore(%run_scoped3A : memref<!tpu.dma_semaphore, #tpu.memory_space<semaphore_mem>>) src(%dma_wait3A_276 : memref<79x128xi32, #tpu.memory_space<hbm>>) dst(%arg8 : memref<79x128xi32, #tpu.memory_space<vmem>>)
        tpu.yield
      }) : () -> ()
    } else {
    }
    %eq3A_59 = arith.constant 15 : i32
    %eq3A_60 = arith.cmpi eq, %arg1, %eq3A_59 : i32
    %convert_element_type3A_61 = arith.extui %eq3A_60 : i1 to i32
    %cond3A_62 = arith.constant 0 : i32
    %cond3A_63 = arith.cmpi ne, %convert_element_type3A_61, %cond3A_62 : i32
    scf.if %cond3A_63 {
      "tpu.region"() ({
        %run_scoped3A = tpu.sem_alloc : memref<!tpu.dma_semaphore, #tpu.memory_space<semaphore_mem>>
        %dma_start3A_263 = arith.constant 0 : i32
        %dma_start3A_264 = arith.constant 0 : i32
        %dma_start3A_265 = tpu.memref_slice %arg7[%dma_start3A_263, %dma_start3A_264] : memref<79x128xi32, #tpu.memory_space<vmem>> -> memref<65x128xi32, #tpu.memory_space<vmem>>
        %dma_start3A_266 = arith.constant 1185 : i32
        %dma_start3A_267 = arith.constant 0 : i32
        %dma_start3A_268 = tpu.memref_slice %arg3[%dma_start3A_266, %dma_start3A_267] : memref<2500x128xi32, #tpu.memory_space<hbm>> -> memref<65x128xi32, #tpu.memory_space<hbm>>
        %dma_start3A_269 = arith.constant 0 : i32
        %dma_start3A_270 = arith.constant 0 : i32
        %dma_start3A_271 = tpu.memref_slice %arg7[%dma_start3A_269, %dma_start3A_270] : memref<79x128xi32, #tpu.memory_space<vmem>> -> memref<65x128xi32, #tpu.memory_space<vmem>>
        %dma_start3A_272 = arith.constant 1185 : i32
        %dma_start3A_273 = arith.constant 0 : i32
        %dma_start3A_274 = tpu.memref_slice %arg3[%dma_start3A_272, %dma_start3A_273] : memref<2500x128xi32, #tpu.memory_space<hbm>> -> memref<65x128xi32, #tpu.memory_space<hbm>>
        tpu.enqueue_dma source(%dma_start3A_274 : memref<65x128xi32, #tpu.memory_space<hbm>>) target(%dma_start3A_271 : memref<65x128xi32, #tpu.memory_space<vmem>>) target_semaphore(%run_scoped3A : memref<!tpu.dma_semaphore, #tpu.memory_space<semaphore_mem>>)
        %dma_wait3A_275 = arith.constant 0 : i32
        %dma_wait3A_276 = arith.constant 0 : i32
        %dma_wait3A_277 = tpu.memref_slice %arg7[%dma_wait3A_275, %dma_wait3A_276] : memref<79x128xi32, #tpu.memory_space<vmem>> -> memref<65x128xi32, #tpu.memory_space<vmem>>
        %dma_wait3A_278 = arith.constant 1185 : i32
        %dma_wait3A_279 = arith.constant 0 : i32
        %dma_wait3A_280 = tpu.memref_slice %arg3[%dma_wait3A_278, %dma_wait3A_279] : memref<2500x128xi32, #tpu.memory_space<hbm>> -> memref<65x128xi32, #tpu.memory_space<hbm>>
        %dma_wait3A_281 = arith.constant 0 : i32
        %dma_wait3A_282 = arith.constant 0 : i32
        %dma_wait3A_283 = tpu.memref_slice %arg7[%dma_wait3A_281, %dma_wait3A_282] : memref<79x128xi32, #tpu.memory_space<vmem>> -> memref<65x128xi32, #tpu.memory_space<vmem>>
        %dma_wait3A_284 = arith.constant 1185 : i32
        %dma_wait3A_285 = arith.constant 0 : i32
        %dma_wait3A_286 = tpu.memref_slice %arg3[%dma_wait3A_284, %dma_wait3A_285] : memref<2500x128xi32, #tpu.memory_space<hbm>> -> memref<65x128xi32, #tpu.memory_space<hbm>>
        tpu.wait_dma2 semaphore(%run_scoped3A : memref<!tpu.dma_semaphore, #tpu.memory_space<semaphore_mem>>) src(%dma_wait3A_286 : memref<65x128xi32, #tpu.memory_space<hbm>>) dst(%dma_wait3A_283 : memref<65x128xi32, #tpu.memory_space<vmem>>)
        tpu.yield
      }) : () -> ()
      "tpu.region"() ({
        %run_scoped3A = tpu.sem_alloc : memref<!tpu.dma_semaphore, #tpu.memory_space<semaphore_mem>>
        %dma_start3A_263 = arith.constant 0 : i32
        %dma_start3A_264 = arith.constant 0 : i32
        %dma_start3A_265 = tpu.memref_slice %arg8[%dma_start3A_263, %dma_start3A_264] : memref<79x128xi32, #tpu.memory_space<vmem>> -> memref<65x128xi32, #tpu.memory_space<vmem>>
        %dma_start3A_266 = arith.constant 2435 : i32
        %dma_start3A_267 = arith.constant 0 : i32
        %dma_start3A_268 = tpu.memref_slice %arg3[%dma_start3A_266, %dma_start3A_267] : memref<2500x128xi32, #tpu.memory_space<hbm>> -> memref<65x128xi32, #tpu.memory_space<hbm>>
        %dma_start3A_269 = arith.constant 0 : i32
        %dma_start3A_270 = arith.constant 0 : i32
        %dma_start3A_271 = tpu.memref_slice %arg8[%dma_start3A_269, %dma_start3A_270] : memref<79x128xi32, #tpu.memory_space<vmem>> -> memref<65x128xi32, #tpu.memory_space<vmem>>
        %dma_start3A_272 = arith.constant 2435 : i32
        %dma_start3A_273 = arith.constant 0 : i32
        %dma_start3A_274 = tpu.memref_slice %arg3[%dma_start3A_272, %dma_start3A_273] : memref<2500x128xi32, #tpu.memory_space<hbm>> -> memref<65x128xi32, #tpu.memory_space<hbm>>
        tpu.enqueue_dma source(%dma_start3A_274 : memref<65x128xi32, #tpu.memory_space<hbm>>) target(%dma_start3A_271 : memref<65x128xi32, #tpu.memory_space<vmem>>) target_semaphore(%run_scoped3A : memref<!tpu.dma_semaphore, #tpu.memory_space<semaphore_mem>>)
        %dma_wait3A_275 = arith.constant 0 : i32
        %dma_wait3A_276 = arith.constant 0 : i32
        %dma_wait3A_277 = tpu.memref_slice %arg8[%dma_wait3A_275, %dma_wait3A_276] : memref<79x128xi32, #tpu.memory_space<vmem>> -> memref<65x128xi32, #tpu.memory_space<vmem>>
        %dma_wait3A_278 = arith.constant 2435 : i32
        %dma_wait3A_279 = arith.constant 0 : i32
        %dma_wait3A_280 = tpu.memref_slice %arg3[%dma_wait3A_278, %dma_wait3A_279] : memref<2500x128xi32, #tpu.memory_space<hbm>> -> memref<65x128xi32, #tpu.memory_space<hbm>>
        %dma_wait3A_281 = arith.constant 0 : i32
        %dma_wait3A_282 = arith.constant 0 : i32
        %dma_wait3A_283 = tpu.memref_slice %arg8[%dma_wait3A_281, %dma_wait3A_282] : memref<79x128xi32, #tpu.memory_space<vmem>> -> memref<65x128xi32, #tpu.memory_space<vmem>>
        %dma_wait3A_284 = arith.constant 2435 : i32
        %dma_wait3A_285 = arith.constant 0 : i32
        %dma_wait3A_286 = tpu.memref_slice %arg3[%dma_wait3A_284, %dma_wait3A_285] : memref<2500x128xi32, #tpu.memory_space<hbm>> -> memref<65x128xi32, #tpu.memory_space<hbm>>
        tpu.wait_dma2 semaphore(%run_scoped3A : memref<!tpu.dma_semaphore, #tpu.memory_space<semaphore_mem>>) src(%dma_wait3A_286 : memref<65x128xi32, #tpu.memory_space<hbm>>) dst(%dma_wait3A_283 : memref<65x128xi32, #tpu.memory_space<vmem>>)
        tpu.yield
      }) : () -> ()
    } else {
    }
    %mul3A = arith.constant 2 : i32
    %mul3A_64 = arith.muli %mul3A, %arg0 : i32
    %while3A = arith.constant 0 : i32
    %while3A_65 = arith.constant 0 : i32
    %while3A_66 = arith.subi %select_n3A, %while3A : i32
    %while3A_67 = arith.addi %while3A, %while3A_66 : i32
    %while3A_68 = arith.constant 1 : i32
    %while3A_69 = arith.divsi %while3A_66, %while3A_68 : i32
    %while3A_70 = arith.muli %while3A_69, %while3A_68 : i32
    %while3A_71 = arith.addi %while3A, %while3A_70 : i32
    %while3A_72 = arith.constant 1 : i32
    %while3A_73 = scf.for %while3A_263 = %while3A to %while3A_71 step %while3A_72 iter_args(%while3A_264 = %while3A_65) -> (i32)  : i32 {
      %get3A = arith.index_cast %while3A_263 : i32 to index
      %get3A_265 = arith.constant 0 : index
      %get3A_266 = tpu.vector_load %arg7[%get3A, %get3A_265] {strides = array<i32>} : memref<79x128xi32, #tpu.memory_space<vmem>>, vector<1x16xi32>,
      %get3A_267 = vector.shape_cast %get3A_266 : vector<1x16xi32> to vector<16xi32>
      %shift_left3A = arith.constant 2 : i32
      %shift_left3A_268 = vector.broadcast %shift_left3A : i32 to vector<16xi32>
      %shift_left3A_269 = arith.shli %get3A_267, %shift_left3A_268 : vector<16xi32>
      %add3A_270 = vector.broadcast %mul3A_64 : i32 to vector<16xi32>
      %add3A_271 = arith.addi %shift_left3A_269, %add3A_270 : vector<16xi32>
      %swap3A = arith.index_cast %while3A_263 : i32 to index
      %swap3A_272 = arith.constant 0 : index
      %swap3A_273 = tpu.vector_load %arg9[%swap3A, %swap3A_272] {strides = array<i32>} : memref<79x128xi32, #tpu.memory_space<vmem>>, vector<1x16xi32>,
      %swap3A_274 = vector.shape_cast %swap3A_273 : vector<1x16xi32> to vector<16xi32>
      %swap3A_275 = vector.shape_cast %add3A_271 : vector<16xi32> to vector<1x16xi32>
      tpu.vector_store %arg9[%swap3A, %swap3A_272], %swap3A_275 {strides = array<i32>} : memref<79x128xi32, #tpu.memory_space<vmem>>, vector<1x16xi32>,
      %get3A_276 = arith.index_cast %while3A_263 : i32 to index
      %get3A_277 = arith.constant 16 : index
      %get3A_278 = tpu.vector_load %arg7[%get3A_276, %get3A_277] {strides = array<i32>} : memref<79x128xi32, #tpu.memory_space<vmem>>, vector<1x16xi32>,
      %get3A_279 = vector.shape_cast %get3A_278 : vector<1x16xi32> to vector<16xi32>
      %shift_left3A_280 = arith.constant 2 : i32
      %shift_left3A_281 = vector.broadcast %shift_left3A_280 : i32 to vector<16xi32>
      %shift_left3A_282 = arith.shli %get3A_279, %shift_left3A_281 : vector<16xi32>
      %add3A_283 = vector.broadcast %mul3A_64 : i32 to vector<16xi32>
      %add3A_284 = arith.addi %shift_left3A_282, %add3A_283 : vector<16xi32>
      %swap3A_285 = arith.index_cast %while3A_263 : i32 to index
      %swap3A_286 = arith.constant 16 : index
      %swap3A_287 = tpu.vector_load %arg9[%swap3A_285, %swap3A_286] {strides = array<i32>} : memref<79x128xi32, #tpu.memory_space<vmem>>, vector<1x16xi32>,
      %swap3A_288 = vector.shape_cast %swap3A_287 : vector<1x16xi32> to vector<16xi32>
      %swap3A_289 = vector.shape_cast %add3A_284 : vector<16xi32> to vector<1x16xi32>
      tpu.vector_store %arg9[%swap3A_285, %swap3A_286], %swap3A_289 {strides = array<i32>} : memref<79x128xi32, #tpu.memory_space<vmem>>, vector<1x16xi32>,
      %get3A_290 = arith.index_cast %while3A_263 : i32 to index
      %get3A_291 = arith.constant 32 : index
      %get3A_292 = tpu.vector_load %arg7[%get3A_290, %get3A_291] {strides = array<i32>} : memref<79x128xi32, #tpu.memory_space<vmem>>, vector<1x16xi32>,
      %get3A_293 = vector.shape_cast %get3A_292 : vector<1x16xi32> to vector<16xi32>
      %shift_left3A_294 = arith.constant 2 : i32
      %shift_left3A_295 = vector.broadcast %shift_left3A_294 : i32 to vector<16xi32>
      %shift_left3A_296 = arith.shli %get3A_293, %shift_left3A_295 : vector<16xi32>
      %add3A_297 = vector.broadcast %mul3A_64 : i32 to vector<16xi32>
      %add3A_298 = arith.addi %shift_left3A_296, %add3A_297 : vector<16xi32>
      %swap3A_299 = arith.index_cast %while3A_263 : i32 to index
      %swap3A_300 = arith.constant 32 : index
      %swap3A_301 = tpu.vector_load %arg9[%swap3A_299, %swap3A_300] {strides = array<i32>} : memref<79x128xi32, #tpu.memory_space<vmem>>, vector<1x16xi32>,
      %swap3A_302 = vector.shape_cast %swap3A_301 : vector<1x16xi32> to vector<16xi32>
      %swap3A_303 = vector.shape_cast %add3A_298 : vector<16xi32> to vector<1x16xi32>
      tpu.vector_store %arg9[%swap3A_299, %swap3A_300], %swap3A_303 {strides = array<i32>} : memref<79x128xi32, #tpu.memory_space<vmem>>, vector<1x16xi32>,
      %get3A_304 = arith.index_cast %while3A_263 : i32 to index
      %get3A_305 = arith.constant 48 : index
      %get3A_306 = tpu.vector_load %arg7[%get3A_304, %get3A_305] {strides = array<i32>} : memref<79x128xi32, #tpu.memory_space<vmem>>, vector<1x16xi32>,
      %get3A_307 = vector.shape_cast %get3A_306 : vector<1x16xi32> to vector<16xi32>
      %shift_left3A_308 = arith.constant 2 : i32
      %shift_left3A_309 = vector.broadcast %shift_left3A_308 : i32 to vector<16xi32>
      %shift_left3A_310 = arith.shli %get3A_307, %shift_left3A_309 : vector<16xi32>
      %add3A_311 = vector.broadcast %mul3A_64 : i32 to vector<16xi32>
      %add3A_312 = arith.addi %shift_left3A_310, %add3A_311 : vector<16xi32>
      %swap3A_313 = arith.index_cast %while3A_263 : i32 to index
      %swap3A_314 = arith.constant 48 : index
      %swap3A_315 = tpu.vector_load %arg9[%swap3A_313, %swap3A_314] {strides = array<i32>} : memref<79x128xi32, #tpu.memory_space<vmem>>, vector<1x16xi32>,
      %swap3A_316 = vector.shape_cast %swap3A_315 : vector<1x16xi32> to vector<16xi32>
      %swap3A_317 = vector.shape_cast %add3A_312 : vector<16xi32> to vector<1x16xi32>
      tpu.vector_store %arg9[%swap3A_313, %swap3A_314], %swap3A_317 {strides = array<i32>} : memref<79x128xi32, #tpu.memory_space<vmem>>, vector<1x16xi32>,
      %get3A_318 = arith.index_cast %while3A_263 : i32 to index
      %get3A_319 = arith.constant 64 : index
      %get3A_320 = tpu.vector_load %arg7[%get3A_318, %get3A_319] {strides = array<i32>} : memref<79x128xi32, #tpu.memory_space<vmem>>, vector<1x16xi32>,
      %get3A_321 = vector.shape_cast %get3A_320 : vector<1x16xi32> to vector<16xi32>
      %shift_left3A_322 = arith.constant 2 : i32
      %shift_left3A_323 = vector.broadcast %shift_left3A_322 : i32 to vector<16xi32>
      %shift_left3A_324 = arith.shli %get3A_321, %shift_left3A_323 : vector<16xi32>
      %add3A_325 = vector.broadcast %mul3A_64 : i32 to vector<16xi32>
      %add3A_326 = arith.addi %shift_left3A_324, %add3A_325 : vector<16xi32>
      %swap3A_327 = arith.index_cast %while3A_263 : i32 to index
      %swap3A_328 = arith.constant 64 : index
      %swap3A_329 = tpu.vector_load %arg9[%swap3A_327, %swap3A_328] {strides = array<i32>} : memref<79x128xi32, #tpu.memory_space<vmem>>, vector<1x16xi32>,
      %swap3A_330 = vector.shape_cast %swap3A_329 : vector<1x16xi32> to vector<16xi32>
      %swap3A_331 = vector.shape_cast %add3A_326 : vector<16xi32> to vector<1x16xi32>
      tpu.vector_store %arg9[%swap3A_327, %swap3A_328], %swap3A_331 {strides = array<i32>} : memref<79x128xi32, #tpu.memory_space<vmem>>, vector<1x16xi32>,
      %get3A_332 = arith.index_cast %while3A_263 : i32 to index
      %get3A_333 = arith.constant 80 : index
      %get3A_334 = tpu.vector_load %arg7[%get3A_332, %get3A_333] {strides = array<i32>} : memref<79x128xi32, #tpu.memory_space<vmem>>, vector<1x16xi32>,
      %get3A_335 = vector.shape_cast %get3A_334 : vector<1x16xi32> to vector<16xi32>
      %shift_left3A_336 = arith.constant 2 : i32
      %shift_left3A_337 = vector.broadcast %shift_left3A_336 : i32 to vector<16xi32>
      %shift_left3A_338 = arith.shli %get3A_335, %shift_left3A_337 : vector<16xi32>
      %add3A_339 = vector.broadcast %mul3A_64 : i32 to vector<16xi32>
      %add3A_340 = arith.addi %shift_left3A_338, %add3A_339 : vector<16xi32>
      %swap3A_341 = arith.index_cast %while3A_263 : i32 to index
      %swap3A_342 = arith.constant 80 : index
      %swap3A_343 = tpu.vector_load %arg9[%swap3A_341, %swap3A_342] {strides = array<i32>} : memref<79x128xi32, #tpu.memory_space<vmem>>, vector<1x16xi32>,
      %swap3A_344 = vector.shape_cast %swap3A_343 : vector<1x16xi32> to vector<16xi32>
      %swap3A_345 = vector.shape_cast %add3A_340 : vector<16xi32> to vector<1x16xi32>
      tpu.vector_store %arg9[%swap3A_341, %swap3A_342], %swap3A_345 {strides = array<i32>} : memref<79x128xi32, #tpu.memory_space<vmem>>, vector<1x16xi32>,
      %get3A_346 = arith.index_cast %while3A_263 : i32 to index
      %get3A_347 = arith.constant 96 : index
      %get3A_348 = tpu.vector_load %arg7[%get3A_346, %get3A_347] {strides = array<i32>} : memref<79x128xi32, #tpu.memory_space<vmem>>, vector<1x16xi32>,
      %get3A_349 = vector.shape_cast %get3A_348 : vector<1x16xi32> to vector<16xi32>
      %shift_left3A_350 = arith.constant 2 : i32
      %shift_left3A_351 = vector.broadcast %shift_left3A_350 : i32 to vector<16xi32>
      %shift_left3A_352 = arith.shli %get3A_349, %shift_left3A_351 : vector<16xi32>
      %add3A_353 = vector.broadcast %mul3A_64 : i32 to vector<16xi32>
      %add3A_354 = arith.addi %shift_left3A_352, %add3A_353 : vector<16xi32>
      %swap3A_355 = arith.index_cast %while3A_263 : i32 to index
      %swap3A_356 = arith.constant 96 : index
      %swap3A_357 = tpu.vector_load %arg9[%swap3A_355, %swap3A_356] {strides = array<i32>} : memref<79x128xi32, #tpu.memory_space<vmem>>, vector<1x16xi32>,
      %swap3A_358 = vector.shape_cast %swap3A_357 : vector<1x16xi32> to vector<16xi32>
      %swap3A_359 = vector.shape_cast %add3A_354 : vector<16xi32> to vector<1x16xi32>
      tpu.vector_store %arg9[%swap3A_355, %swap3A_356], %swap3A_359 {strides = array<i32>} : memref<79x128xi32, #tpu.memory_space<vmem>>, vector<1x16xi32>,
      %get3A_360 = arith.index_cast %while3A_263 : i32 to index
      %get3A_361 = arith.constant 112 : index
      %get3A_362 = tpu.vector_load %arg7[%get3A_360, %get3A_361] {strides = array<i32>} : memref<79x128xi32, #tpu.memory_space<vmem>>, vector<1x16xi32>,
      %get3A_363 = vector.shape_cast %get3A_362 : vector<1x16xi32> to vector<16xi32>
      %shift_left3A_364 = arith.constant 2 : i32
      %shift_left3A_365 = vector.broadcast %shift_left3A_364 : i32 to vector<16xi32>
      %shift_left3A_366 = arith.shli %get3A_363, %shift_left3A_365 : vector<16xi32>
      %add3A_367 = vector.broadcast %mul3A_64 : i32 to vector<16xi32>
      %add3A_368 = arith.addi %shift_left3A_366, %add3A_367 : vector<16xi32>
      %swap3A_369 = arith.index_cast %while3A_263 : i32 to index
      %swap3A_370 = arith.constant 112 : index
      %swap3A_371 = tpu.vector_load %arg9[%swap3A_369, %swap3A_370] {strides = array<i32>} : memref<79x128xi32, #tpu.memory_space<vmem>>, vector<1x16xi32>,
      %swap3A_372 = vector.shape_cast %swap3A_371 : vector<1x16xi32> to vector<16xi32>
      %swap3A_373 = vector.shape_cast %add3A_368 : vector<16xi32> to vector<1x16xi32>
      tpu.vector_store %arg9[%swap3A_369, %swap3A_370], %swap3A_373 {strides = array<i32>} : memref<79x128xi32, #tpu.memory_space<vmem>>, vector<1x16xi32>,
      %while3A_374 = arith.constant 0 : i32
      scf.yield %while3A_374 : i32
    }
    %while3A_74 = arith.constant 1 : i32
    %while3A_75 = scf.for %while3A_263 = %while3A_71 to %while3A_67 step %while3A_74 iter_args(%while3A_264 = %while3A_73) -> (i32)  : i32 {
      %get3A = arith.index_cast %while3A_263 : i32 to index
      %get3A_265 = arith.constant 0 : index
      %get3A_266 = tpu.vector_load %arg7[%get3A, %get3A_265] {strides = array<i32>} : memref<79x128xi32, #tpu.memory_space<vmem>>, vector<1x16xi32>,
      %get3A_267 = vector.shape_cast %get3A_266 : vector<1x16xi32> to vector<16xi32>
      %shift_left3A = arith.constant 2 : i32
      %shift_left3A_268 = vector.broadcast %shift_left3A : i32 to vector<16xi32>
      %shift_left3A_269 = arith.shli %get3A_267, %shift_left3A_268 : vector<16xi32>
      %add3A_270 = vector.broadcast %mul3A_64 : i32 to vector<16xi32>
      %add3A_271 = arith.addi %shift_left3A_269, %add3A_270 : vector<16xi32>
      %swap3A = arith.index_cast %while3A_263 : i32 to index
      %swap3A_272 = arith.constant 0 : index
      %swap3A_273 = tpu.vector_load %arg9[%swap3A, %swap3A_272] {strides = array<i32>} : memref<79x128xi32, #tpu.memory_space<vmem>>, vector<1x16xi32>,
      %swap3A_274 = vector.shape_cast %swap3A_273 : vector<1x16xi32> to vector<16xi32>
      %swap3A_275 = vector.shape_cast %add3A_271 : vector<16xi32> to vector<1x16xi32>
      tpu.vector_store %arg9[%swap3A, %swap3A_272], %swap3A_275 {strides = array<i32>} : memref<79x128xi32, #tpu.memory_space<vmem>>, vector<1x16xi32>,
      %get3A_276 = arith.index_cast %while3A_263 : i32 to index
      %get3A_277 = arith.constant 16 : index
      %get3A_278 = tpu.vector_load %arg7[%get3A_276, %get3A_277] {strides = array<i32>} : memref<79x128xi32, #tpu.memory_space<vmem>>, vector<1x16xi32>,
      %get3A_279 = vector.shape_cast %get3A_278 : vector<1x16xi32> to vector<16xi32>
      %shift_left3A_280 = arith.constant 2 : i32
      %shift_left3A_281 = vector.broadcast %shift_left3A_280 : i32 to vector<16xi32>
      %shift_left3A_282 = arith.shli %get3A_279, %shift_left3A_281 : vector<16xi32>
      %add3A_283 = vector.broadcast %mul3A_64 : i32 to vector<16xi32>
      %add3A_284 = arith.addi %shift_left3A_282, %add3A_283 : vector<16xi32>
      %swap3A_285 = arith.index_cast %while3A_263 : i32 to index
      %swap3A_286 = arith.constant 16 : index
      %swap3A_287 = tpu.vector_load %arg9[%swap3A_285, %swap3A_286] {strides = array<i32>} : memref<79x128xi32, #tpu.memory_space<vmem>>, vector<1x16xi32>,
      %swap3A_288 = vector.shape_cast %swap3A_287 : vector<1x16xi32> to vector<16xi32>
      %swap3A_289 = vector.shape_cast %add3A_284 : vector<16xi32> to vector<1x16xi32>
      tpu.vector_store %arg9[%swap3A_285, %swap3A_286], %swap3A_289 {strides = array<i32>} : memref<79x128xi32, #tpu.memory_space<vmem>>, vector<1x16xi32>,
      %get3A_290 = arith.index_cast %while3A_263 : i32 to index
      %get3A_291 = arith.constant 32 : index
      %get3A_292 = tpu.vector_load %arg7[%get3A_290, %get3A_291] {strides = array<i32>} : memref<79x128xi32, #tpu.memory_space<vmem>>, vector<1x16xi32>,
      %get3A_293 = vector.shape_cast %get3A_292 : vector<1x16xi32> to vector<16xi32>
      %shift_left3A_294 = arith.constant 2 : i32
      %shift_left3A_295 = vector.broadcast %shift_left3A_294 : i32 to vector<16xi32>
      %shift_left3A_296 = arith.shli %get3A_293, %shift_left3A_295 : vector<16xi32>
      %add3A_297 = vector.broadcast %mul3A_64 : i32 to vector<16xi32>
      %add3A_298 = arith.addi %shift_left3A_296, %add3A_297 : vector<16xi32>
      %swap3A_299 = arith.index_cast %while3A_263 : i32 to index
      %swap3A_300 = arith.constant 32 : index
      %swap3A_301 = tpu.vector_load %arg9[%swap3A_299, %swap3A_300] {strides = array<i32>} : memref<79x128xi32, #tpu.memory_space<vmem>>, vector<1x16xi32>,
      %swap3A_302 = vector.shape_cast %swap3A_301 : vector<1x16xi32> to vector<16xi32>
      %swap3A_303 = vector.shape_cast %add3A_298 : vector<16xi32> to vector<1x16xi32>
      tpu.vector_store %arg9[%swap3A_299, %swap3A_300], %swap3A_303 {strides = array<i32>} : memref<79x128xi32, #tpu.memory_space<vmem>>, vector<1x16xi32>,
      %get3A_304 = arith.index_cast %while3A_263 : i32 to index
      %get3A_305 = arith.constant 48 : index
      %get3A_306 = tpu.vector_load %arg7[%get3A_304, %get3A_305] {strides = array<i32>} : memref<79x128xi32, #tpu.memory_space<vmem>>, vector<1x16xi32>,
      %get3A_307 = vector.shape_cast %get3A_306 : vector<1x16xi32> to vector<16xi32>
      %shift_left3A_308 = arith.constant 2 : i32
      %shift_left3A_309 = vector.broadcast %shift_left3A_308 : i32 to vector<16xi32>
      %shift_left3A_310 = arith.shli %get3A_307, %shift_left3A_309 : vector<16xi32>
      %add3A_311 = vector.broadcast %mul3A_64 : i32 to vector<16xi32>
      %add3A_312 = arith.addi %shift_left3A_310, %add3A_311 : vector<16xi32>
      %swap3A_313 = arith.index_cast %while3A_263 : i32 to index
      %swap3A_314 = arith.constant 48 : index
      %swap3A_315 = tpu.vector_load %arg9[%swap3A_313, %swap3A_314] {strides = array<i32>} : memref<79x128xi32, #tpu.memory_space<vmem>>, vector<1x16xi32>,
      %swap3A_316 = vector.shape_cast %swap3A_315 : vector<1x16xi32> to vector<16xi32>
      %swap3A_317 = vector.shape_cast %add3A_312 : vector<16xi32> to vector<1x16xi32>
      tpu.vector_store %arg9[%swap3A_313, %swap3A_314], %swap3A_317 {strides = array<i32>} : memref<79x128xi32, #tpu.memory_space<vmem>>, vector<1x16xi32>,
      %get3A_318 = arith.index_cast %while3A_263 : i32 to index
      %get3A_319 = arith.constant 64 : index
      %get3A_320 = tpu.vector_load %arg7[%get3A_318, %get3A_319] {strides = array<i32>} : memref<79x128xi32, #tpu.memory_space<vmem>>, vector<1x16xi32>,
      %get3A_321 = vector.shape_cast %get3A_320 : vector<1x16xi32> to vector<16xi32>
      %shift_left3A_322 = arith.constant 2 : i32
      %shift_left3A_323 = vector.broadcast %shift_left3A_322 : i32 to vector<16xi32>
      %shift_left3A_324 = arith.shli %get3A_321, %shift_left3A_323 : vector<16xi32>
      %add3A_325 = vector.broadcast %mul3A_64 : i32 to vector<16xi32>
      %add3A_326 = arith.addi %shift_left3A_324, %add3A_325 : vector<16xi32>
      %swap3A_327 = arith.index_cast %while3A_263 : i32 to index
      %swap3A_328 = arith.constant 64 : index
      %swap3A_329 = tpu.vector_load %arg9[%swap3A_327, %swap3A_328] {strides = array<i32>} : memref<79x128xi32, #tpu.memory_space<vmem>>, vector<1x16xi32>,
      %swap3A_330 = vector.shape_cast %swap3A_329 : vector<1x16xi32> to vector<16xi32>
      %swap3A_331 = vector.shape_cast %add3A_326 : vector<16xi32> to vector<1x16xi32>
      tpu.vector_store %arg9[%swap3A_327, %swap3A_328], %swap3A_331 {strides = array<i32>} : memref<79x128xi32, #tpu.memory_space<vmem>>, vector<1x16xi32>,
      %get3A_332 = arith.index_cast %while3A_263 : i32 to index
      %get3A_333 = arith.constant 80 : index
      %get3A_334 = tpu.vector_load %arg7[%get3A_332, %get3A_333] {strides = array<i32>} : memref<79x128xi32, #tpu.memory_space<vmem>>, vector<1x16xi32>,
      %get3A_335 = vector.shape_cast %get3A_334 : vector<1x16xi32> to vector<16xi32>
      %shift_left3A_336 = arith.constant 2 : i32
      %shift_left3A_337 = vector.broadcast %shift_left3A_336 : i32 to vector<16xi32>
      %shift_left3A_338 = arith.shli %get3A_335, %shift_left3A_337 : vector<16xi32>
      %add3A_339 = vector.broadcast %mul3A_64 : i32 to vector<16xi32>
      %add3A_340 = arith.addi %shift_left3A_338, %add3A_339 : vector<16xi32>
      %swap3A_341 = arith.index_cast %while3A_263 : i32 to index
      %swap3A_342 = arith.constant 80 : index
      %swap3A_343 = tpu.vector_load %arg9[%swap3A_341, %swap3A_342] {strides = array<i32>} : memref<79x128xi32, #tpu.memory_space<vmem>>, vector<1x16xi32>,
      %swap3A_344 = vector.shape_cast %swap3A_343 : vector<1x16xi32> to vector<16xi32>
      %swap3A_345 = vector.shape_cast %add3A_340 : vector<16xi32> to vector<1x16xi32>
      tpu.vector_store %arg9[%swap3A_341, %swap3A_342], %swap3A_345 {strides = array<i32>} : memref<79x128xi32, #tpu.memory_space<vmem>>, vector<1x16xi32>,
      %get3A_346 = arith.index_cast %while3A_263 : i32 to index
      %get3A_347 = arith.constant 96 : index
      %get3A_348 = tpu.vector_load %arg7[%get3A_346, %get3A_347] {strides = array<i32>} : memref<79x128xi32, #tpu.memory_space<vmem>>, vector<1x16xi32>,
      %get3A_349 = vector.shape_cast %get3A_348 : vector<1x16xi32> to vector<16xi32>
      %shift_left3A_350 = arith.constant 2 : i32
      %shift_left3A_351 = vector.broadcast %shift_left3A_350 : i32 to vector<16xi32>
      %shift_left3A_352 = arith.shli %get3A_349, %shift_left3A_351 : vector<16xi32>
      %add3A_353 = vector.broadcast %mul3A_64 : i32 to vector<16xi32>
      %add3A_354 = arith.addi %shift_left3A_352, %add3A_353 : vector<16xi32>
      %swap3A_355 = arith.index_cast %while3A_263 : i32 to index
      %swap3A_356 = arith.constant 96 : index
      %swap3A_357 = tpu.vector_load %arg9[%swap3A_355, %swap3A_356] {strides = array<i32>} : memref<79x128xi32, #tpu.memory_space<vmem>>, vector<1x16xi32>,
      %swap3A_358 = vector.shape_cast %swap3A_357 : vector<1x16xi32> to vector<16xi32>
      %swap3A_359 = vector.shape_cast %add3A_354 : vector<16xi32> to vector<1x16xi32>
      tpu.vector_store %arg9[%swap3A_355, %swap3A_356], %swap3A_359 {strides = array<i32>} : memref<79x128xi32, #tpu.memory_space<vmem>>, vector<1x16xi32>,
      %get3A_360 = arith.index_cast %while3A_263 : i32 to index
      %get3A_361 = arith.constant 112 : index
      %get3A_362 = tpu.vector_load %arg7[%get3A_360, %get3A_361] {strides = array<i32>} : memref<79x128xi32, #tpu.memory_space<vmem>>, vector<1x16xi32>,
      %get3A_363 = vector.shape_cast %get3A_362 : vector<1x16xi32> to vector<16xi32>
      %shift_left3A_364 = arith.constant 2 : i32
      %shift_left3A_365 = vector.broadcast %shift_left3A_364 : i32 to vector<16xi32>
      %shift_left3A_366 = arith.shli %get3A_363, %shift_left3A_365 : vector<16xi32>
      %add3A_367 = vector.broadcast %mul3A_64 : i32 to vector<16xi32>
      %add3A_368 = arith.addi %shift_left3A_366, %add3A_367 : vector<16xi32>
      %swap3A_369 = arith.index_cast %while3A_263 : i32 to index
      %swap3A_370 = arith.constant 112 : index
      %swap3A_371 = tpu.vector_load %arg9[%swap3A_369, %swap3A_370] {strides = array<i32>} : memref<79x128xi32, #tpu.memory_space<vmem>>, vector<1x16xi32>,
      %swap3A_372 = vector.shape_cast %swap3A_371 : vector<1x16xi32> to vector<16xi32>
      %swap3A_373 = vector.shape_cast %add3A_368 : vector<16xi32> to vector<1x16xi32>
      tpu.vector_store %arg9[%swap3A_369, %swap3A_370], %swap3A_373 {strides = array<i32>} : memref<79x128xi32, #tpu.memory_space<vmem>>, vector<1x16xi32>,
      %while3A_374 = arith.constant 0 : i32
      scf.yield %while3A_374 : i32
    }
    %dma_start3A = arith.constant 0 : i32
    %dma_start3A_76 = arith.constant 0 : i32
    %dma_start3A_77 = tpu.memref_slice %arg9[%dma_start3A, %dma_start3A_76] : memref<79x128xi32, #tpu.memory_space<vmem>> -> memref<1x128xi32, #tpu.memory_space<vmem>>
    %dma_start3A_78 = tpu.memref_squeeze %dma_start3A_77 : memref<1x128xi32, #tpu.memory_space<vmem>> -> memref<128xi32, #tpu.memory_space<vmem>>
    %dma_start3A_79 = arith.constant 0 : i32
    %dma_start3A_80 = arith.constant 0 : i32
    %dma_start3A_81 = tpu.memref_slice %arg2[%dma_start3A_79, %dma_start3A_80] : memref<40000x64xf32, #tpu.memory_space<hbm>> -> memref<40000x64xf32, #tpu.memory_space<hbm>>
    tpu.enqueue_indirect_dma source(%dma_start3A_81 : memref<40000x64xf32, #tpu.memory_space<hbm>>) target(%arg10 : memref<128x64xf32, #tpu.memory_space<vmem>>) offsets(%dma_start3A_78 : memref<128xi32, #tpu.memory_space<vmem>>) semaphore(%arg19 : memref<!tpu.dma_semaphore, #tpu.memory_space<semaphore_mem>>)
    %dma_start3A_82 = arith.constant 1 : i32
    %dma_start3A_83 = arith.constant 0 : i32
    %dma_start3A_84 = tpu.memref_slice %arg9[%dma_start3A_82, %dma_start3A_83] : memref<79x128xi32, #tpu.memory_space<vmem>> -> memref<1x128xi32, #tpu.memory_space<vmem>>
    %dma_start3A_85 = tpu.memref_squeeze %dma_start3A_84 : memref<1x128xi32, #tpu.memory_space<vmem>> -> memref<128xi32, #tpu.memory_space<vmem>>
    %dma_start3A_86 = arith.constant 0 : i32
    %dma_start3A_87 = arith.constant 0 : i32
    %dma_start3A_88 = tpu.memref_slice %arg2[%dma_start3A_86, %dma_start3A_87] : memref<40000x64xf32, #tpu.memory_space<hbm>> -> memref<40000x64xf32, #tpu.memory_space<hbm>>
    tpu.enqueue_indirect_dma source(%dma_start3A_88 : memref<40000x64xf32, #tpu.memory_space<hbm>>) target(%arg11 : memref<128x64xf32, #tpu.memory_space<vmem>>) offsets(%dma_start3A_85 : memref<128xi32, #tpu.memory_space<vmem>>) semaphore(%arg20 : memref<!tpu.dma_semaphore, #tpu.memory_space<semaphore_mem>>)
    %dma_start3A_89 = arith.constant 2 : i32
    %dma_start3A_90 = arith.constant 0 : i32
    %dma_start3A_91 = tpu.memref_slice %arg9[%dma_start3A_89, %dma_start3A_90] : memref<79x128xi32, #tpu.memory_space<vmem>> -> memref<1x128xi32, #tpu.memory_space<vmem>>
    %dma_start3A_92 = tpu.memref_squeeze %dma_start3A_91 : memref<1x128xi32, #tpu.memory_space<vmem>> -> memref<128xi32, #tpu.memory_space<vmem>>
    %dma_start3A_93 = arith.constant 0 : i32
    %dma_start3A_94 = arith.constant 0 : i32
    %dma_start3A_95 = tpu.memref_slice %arg2[%dma_start3A_93, %dma_start3A_94] : memref<40000x64xf32, #tpu.memory_space<hbm>> -> memref<40000x64xf32, #tpu.memory_space<hbm>>
    tpu.enqueue_indirect_dma source(%dma_start3A_95 : memref<40000x64xf32, #tpu.memory_space<hbm>>) target(%arg12 : memref<128x64xf32, #tpu.memory_space<vmem>>) offsets(%dma_start3A_92 : memref<128xi32, #tpu.memory_space<vmem>>) semaphore(%arg21 : memref<!tpu.dma_semaphore, #tpu.memory_space<semaphore_mem>>)
    %dma_start3A_96 = arith.constant 3 : i32
    %dma_start3A_97 = arith.constant 0 : i32
    %dma_start3A_98 = tpu.memref_slice %arg9[%dma_start3A_96, %dma_start3A_97] : memref<79x128xi32, #tpu.memory_space<vmem>> -> memref<1x128xi32, #tpu.memory_space<vmem>>
    %dma_start3A_99 = tpu.memref_squeeze %dma_start3A_98 : memref<1x128xi32, #tpu.memory_space<vmem>> -> memref<128xi32, #tpu.memory_space<vmem>>
    %dma_start3A_100 = arith.constant 0 : i32
    %dma_start3A_101 = arith.constant 0 : i32
    %dma_start3A_102 = tpu.memref_slice %arg2[%dma_start3A_100, %dma_start3A_101] : memref<40000x64xf32, #tpu.memory_space<hbm>> -> memref<40000x64xf32, #tpu.memory_space<hbm>>
    tpu.enqueue_indirect_dma source(%dma_start3A_102 : memref<40000x64xf32, #tpu.memory_space<hbm>>) target(%arg13 : memref<128x64xf32, #tpu.memory_space<vmem>>) offsets(%dma_start3A_99 : memref<128xi32, #tpu.memory_space<vmem>>) semaphore(%arg22 : memref<!tpu.dma_semaphore, #tpu.memory_space<semaphore_mem>>)
    %barrier3A = arith.constant 0 : index
    tpu.barrier barrier_id(%barrier3A)
    %while3A_103 = arith.constant 0 : i32
    %while3A_104 = arith.constant 0 : i32
    %while3A_105 = arith.subi %select_n3A_19, %while3A_103 : i32
    %while3A_106 = arith.addi %while3A_103, %while3A_105 : i32
    %while3A_107 = arith.constant 1 : i32
    %while3A_108 = arith.divsi %while3A_105, %while3A_107 : i32
    %while3A_109 = arith.muli %while3A_108, %while3A_107 : i32
    %while3A_110 = arith.addi %while3A_103, %while3A_109 : i32
    %while3A_111 = arith.constant 1 : i32
    %while3A_112 = scf.for %while3A_263 = %while3A_103 to %while3A_110 step %while3A_111 iter_args(%while3A_264 = %while3A_104) -> (i32)  : i32 {
      %mul3A_265 = arith.constant 4 : i32
      %mul3A_266 = arith.muli %mul3A_265, %while3A_263 : i32
      %add3A_267 = arith.constant 0 : i32
      %add3A_268 = arith.addi %mul3A_266, %add3A_267 : i32
      %dma_wait3A_269 = arith.constant 0 : i32
      %dma_wait3A_270 = tpu.memref_slice %arg9[%add3A_268, %dma_wait3A_269] : memref<79x128xi32, #tpu.memory_space<vmem>> -> memref<1x128xi32, #tpu.memory_space<vmem>>
      %dma_wait3A_271 = tpu.memref_squeeze %dma_wait3A_270 : memref<1x128xi32, #tpu.memory_space<vmem>> -> memref<128xi32, #tpu.memory_space<vmem>>
      %dma_wait3A_272 = arith.constant 0 : i32
      %dma_wait3A_273 = arith.constant 0 : i32
      %dma_wait3A_274 = tpu.memref_slice %arg2[%dma_wait3A_272, %dma_wait3A_273] : memref<40000x64xf32, #tpu.memory_space<hbm>> -> memref<40000x64xf32, #tpu.memory_space<hbm>>
      tpu.wait_indirect_dma semaphore(%arg19 : memref<!tpu.dma_semaphore, #tpu.memory_space<semaphore_mem>>) src(%dma_wait3A_274 : memref<40000x64xf32, #tpu.memory_space<hbm>>) dst(%arg10 : memref<128x64xf32, #tpu.memory_space<vmem>>)
      %dma_start3A_275 = arith.constant 0 : i32
      %dma_start3A_276 = tpu.memref_slice %arg8[%add3A_268, %dma_start3A_275] : memref<79x128xi32, #tpu.memory_space<vmem>> -> memref<1x128xi32, #tpu.memory_space<vmem>>
      %dma_start3A_277 = tpu.memref_squeeze %dma_start3A_276 : memref<1x128xi32, #tpu.memory_space<vmem>> -> memref<128xi32, #tpu.memory_space<vmem>>
      %dma_start3A_278 = arith.constant 0 : i32
      %dma_start3A_279 = arith.constant 0 : i32
      %dma_start3A_280 = tpu.memref_slice %arg17[%dma_start3A_278, %dma_start3A_279] : memref<10240x64xf32, #tpu.memory_space<vmem_shared>> -> memref<10240x64xf32, #tpu.memory_space<vmem_shared>>
      tpu.enqueue_indirect_dma source(%arg10 : memref<128x64xf32, #tpu.memory_space<vmem>>) target(%dma_start3A_280 : memref<10240x64xf32, #tpu.memory_space<vmem_shared>>) offsets(%dma_start3A_277 : memref<128xi32, #tpu.memory_space<vmem>>) semaphore(%arg23 : memref<!tpu.dma_semaphore, #tpu.memory_space<semaphore_mem>>) {add = true}
      %eq3A_281 = arith.constant 0 : i32
      %eq3A_282 = arith.cmpi eq, %arg0, %eq3A_281 : i32
      %convert_element_type3A_283 = arith.extui %eq3A_282 : i1 to i32
      %cond3A_284 = arith.constant 0 : i32
      %cond3A_285 = arith.cmpi ne, %convert_element_type3A_283, %cond3A_284 : i32
      scf.if %cond3A_285 {
        %gt3A = arith.constant 0 : i32
        %gt3A_400 = arith.cmpi sgt, %while3A_263, %gt3A : i32
        %convert_element_type3A_401 = arith.extui %gt3A_400 : i1 to i32
        %cond3A_402 = arith.constant 0 : i32
        %cond3A_403 = arith.cmpi ne, %convert_element_type3A_401, %cond3A_402 : i32
        scf.if %cond3A_403 {
          %dma_wait3A_410 = arith.constant 0 : i32
          %dma_wait3A_411 = tpu.memref_slice %arg8[%add3A_268, %dma_wait3A_410] : memref<79x128xi32, #tpu.memory_space<vmem>> -> memref<1x128xi32, #tpu.memory_space<vmem>>
          %dma_wait3A_412 = tpu.memref_squeeze %dma_wait3A_411 : memref<1x128xi32, #tpu.memory_space<vmem>> -> memref<128xi32, #tpu.memory_space<vmem>>
          %dma_wait3A_413 = arith.constant 0 : i32
          %dma_wait3A_414 = arith.constant 0 : i32
          %dma_wait3A_415 = tpu.memref_slice %arg18[%dma_wait3A_413, %dma_wait3A_414] : memref<10240x16xf32, #tpu.memory_space<vmem_shared>> -> memref<10240x16xf32, #tpu.memory_space<vmem_shared>>
          tpu.wait_indirect_dma semaphore(%arg27 : memref<!tpu.dma_semaphore, #tpu.memory_space<semaphore_mem>>) src(%arg14 : memref<128x16xf32, #tpu.memory_space<vmem>>) dst(%dma_wait3A_415 : memref<10240x16xf32, #tpu.memory_space<vmem_shared>>)
        } else {
        }
        %dma_start3A_404 = arith.constant 0 : i32
        %dma_start3A_405 = tpu.memref_slice %arg8[%add3A_268, %dma_start3A_404] : memref<79x128xi32, #tpu.memory_space<vmem>> -> memref<1x128xi32, #tpu.memory_space<vmem>>
        %dma_start3A_406 = tpu.memref_squeeze %dma_start3A_405 : memref<1x128xi32, #tpu.memory_space<vmem>> -> memref<128xi32, #tpu.memory_space<vmem>>
        %dma_start3A_407 = arith.constant 0 : i32
        %dma_start3A_408 = arith.constant 0 : i32
        %dma_start3A_409 = tpu.memref_slice %arg18[%dma_start3A_407, %dma_start3A_408] : memref<10240x16xf32, #tpu.memory_space<vmem_shared>> -> memref<10240x16xf32, #tpu.memory_space<vmem_shared>>
        tpu.enqueue_indirect_dma source(%arg14 : memref<128x16xf32, #tpu.memory_space<vmem>>) target(%dma_start3A_409 : memref<10240x16xf32, #tpu.memory_space<vmem_shared>>) offsets(%dma_start3A_406 : memref<128xi32, #tpu.memory_space<vmem>>) semaphore(%arg27 : memref<!tpu.dma_semaphore, #tpu.memory_space<semaphore_mem>>) {add = true}
      } else {
      }
      %add3A_286 = arith.constant 1 : i32
      %add3A_287 = arith.addi %mul3A_266, %add3A_286 : i32
      %dma_wait3A_288 = arith.constant 0 : i32
      %dma_wait3A_289 = tpu.memref_slice %arg9[%add3A_287, %dma_wait3A_288] : memref<79x128xi32, #tpu.memory_space<vmem>> -> memref<1x128xi32, #tpu.memory_space<vmem>>
      %dma_wait3A_290 = tpu.memref_squeeze %dma_wait3A_289 : memref<1x128xi32, #tpu.memory_space<vmem>> -> memref<128xi32, #tpu.memory_space<vmem>>
      %dma_wait3A_291 = arith.constant 0 : i32
      %dma_wait3A_292 = arith.constant 0 : i32
      %dma_wait3A_293 = tpu.memref_slice %arg2[%dma_wait3A_291, %dma_wait3A_292] : memref<40000x64xf32, #tpu.memory_space<hbm>> -> memref<40000x64xf32, #tpu.memory_space<hbm>>
      tpu.wait_indirect_dma semaphore(%arg20 : memref<!tpu.dma_semaphore, #tpu.memory_space<semaphore_mem>>) src(%dma_wait3A_293 : memref<40000x64xf32, #tpu.memory_space<hbm>>) dst(%arg11 : memref<128x64xf32, #tpu.memory_space<vmem>>)
      %dma_start3A_294 = arith.constant 0 : i32
      %dma_start3A_295 = tpu.memref_slice %arg8[%add3A_287, %dma_start3A_294] : memref<79x128xi32, #tpu.memory_space<vmem>> -> memref<1x128xi32, #tpu.memory_space<vmem>>
      %dma_start3A_296 = tpu.memref_squeeze %dma_start3A_295 : memref<1x128xi32, #tpu.memory_space<vmem>> -> memref<128xi32, #tpu.memory_space<vmem>>
      %dma_start3A_297 = arith.constant 0 : i32
      %dma_start3A_298 = arith.constant 0 : i32
      %dma_start3A_299 = tpu.memref_slice %arg17[%dma_start3A_297, %dma_start3A_298] : memref<10240x64xf32, #tpu.memory_space<vmem_shared>> -> memref<10240x64xf32, #tpu.memory_space<vmem_shared>>
      tpu.enqueue_indirect_dma source(%arg11 : memref<128x64xf32, #tpu.memory_space<vmem>>) target(%dma_start3A_299 : memref<10240x64xf32, #tpu.memory_space<vmem_shared>>) offsets(%dma_start3A_296 : memref<128xi32, #tpu.memory_space<vmem>>) semaphore(%arg24 : memref<!tpu.dma_semaphore, #tpu.memory_space<semaphore_mem>>) {add = true}
      %eq3A_300 = arith.constant 1 : i32
      %eq3A_301 = arith.cmpi eq, %arg0, %eq3A_300 : i32
      %convert_element_type3A_302 = arith.extui %eq3A_301 : i1 to i32
      %cond3A_303 = arith.constant 0 : i32
      %cond3A_304 = arith.cmpi ne, %convert_element_type3A_302, %cond3A_303 : i32
      scf.if %cond3A_304 {
        %gt3A = arith.constant 0 : i32
        %gt3A_400 = arith.cmpi sgt, %while3A_263, %gt3A : i32
        %convert_element_type3A_401 = arith.extui %gt3A_400 : i1 to i32
        %cond3A_402 = arith.constant 0 : i32
        %cond3A_403 = arith.cmpi ne, %convert_element_type3A_401, %cond3A_402 : i32
        scf.if %cond3A_403 {
          %dma_wait3A_410 = arith.constant 0 : i32
          %dma_wait3A_411 = tpu.memref_slice %arg8[%add3A_287, %dma_wait3A_410] : memref<79x128xi32, #tpu.memory_space<vmem>> -> memref<1x128xi32, #tpu.memory_space<vmem>>
          %dma_wait3A_412 = tpu.memref_squeeze %dma_wait3A_411 : memref<1x128xi32, #tpu.memory_space<vmem>> -> memref<128xi32, #tpu.memory_space<vmem>>
          %dma_wait3A_413 = arith.constant 0 : i32
          %dma_wait3A_414 = arith.constant 0 : i32
          %dma_wait3A_415 = tpu.memref_slice %arg18[%dma_wait3A_413, %dma_wait3A_414] : memref<10240x16xf32, #tpu.memory_space<vmem_shared>> -> memref<10240x16xf32, #tpu.memory_space<vmem_shared>>
          tpu.wait_indirect_dma semaphore(%arg27 : memref<!tpu.dma_semaphore, #tpu.memory_space<semaphore_mem>>) src(%arg14 : memref<128x16xf32, #tpu.memory_space<vmem>>) dst(%dma_wait3A_415 : memref<10240x16xf32, #tpu.memory_space<vmem_shared>>)
        } else {
        }
        %dma_start3A_404 = arith.constant 0 : i32
        %dma_start3A_405 = tpu.memref_slice %arg8[%add3A_287, %dma_start3A_404] : memref<79x128xi32, #tpu.memory_space<vmem>> -> memref<1x128xi32, #tpu.memory_space<vmem>>
        %dma_start3A_406 = tpu.memref_squeeze %dma_start3A_405 : memref<1x128xi32, #tpu.memory_space<vmem>> -> memref<128xi32, #tpu.memory_space<vmem>>
        %dma_start3A_407 = arith.constant 0 : i32
        %dma_start3A_408 = arith.constant 0 : i32
        %dma_start3A_409 = tpu.memref_slice %arg18[%dma_start3A_407, %dma_start3A_408] : memref<10240x16xf32, #tpu.memory_space<vmem_shared>> -> memref<10240x16xf32, #tpu.memory_space<vmem_shared>>
        tpu.enqueue_indirect_dma source(%arg14 : memref<128x16xf32, #tpu.memory_space<vmem>>) target(%dma_start3A_409 : memref<10240x16xf32, #tpu.memory_space<vmem_shared>>) offsets(%dma_start3A_406 : memref<128xi32, #tpu.memory_space<vmem>>) semaphore(%arg27 : memref<!tpu.dma_semaphore, #tpu.memory_space<semaphore_mem>>) {add = true}
      } else {
      }
      %add3A_305 = arith.constant 2 : i32
      %add3A_306 = arith.addi %mul3A_266, %add3A_305 : i32
      %dma_wait3A_307 = arith.constant 0 : i32
      %dma_wait3A_308 = tpu.memref_slice %arg9[%add3A_306, %dma_wait3A_307] : memref<79x128xi32, #tpu.memory_space<vmem>> -> memref<1x128xi32, #tpu.memory_space<vmem>>
      %dma_wait3A_309 = tpu.memref_squeeze %dma_wait3A_308 : memref<1x128xi32, #tpu.memory_space<vmem>> -> memref<128xi32, #tpu.memory_space<vmem>>
      %dma_wait3A_310 = arith.constant 0 : i32
      %dma_wait3A_311 = arith.constant 0 : i32
      %dma_wait3A_312 = tpu.memref_slice %arg2[%dma_wait3A_310, %dma_wait3A_311] : memref<40000x64xf32, #tpu.memory_space<hbm>> -> memref<40000x64xf32, #tpu.memory_space<hbm>>
      tpu.wait_indirect_dma semaphore(%arg21 : memref<!tpu.dma_semaphore, #tpu.memory_space<semaphore_mem>>) src(%dma_wait3A_312 : memref<40000x64xf32, #tpu.memory_space<hbm>>) dst(%arg12 : memref<128x64xf32, #tpu.memory_space<vmem>>)
      %dma_start3A_313 = arith.constant 0 : i32
      %dma_start3A_314 = tpu.memref_slice %arg8[%add3A_306, %dma_start3A_313] : memref<79x128xi32, #tpu.memory_space<vmem>> -> memref<1x128xi32, #tpu.memory_space<vmem>>
      %dma_start3A_315 = tpu.memref_squeeze %dma_start3A_314 : memref<1x128xi32, #tpu.memory_space<vmem>> -> memref<128xi32, #tpu.memory_space<vmem>>
      %dma_start3A_316 = arith.constant 0 : i32
      %dma_start3A_317 = arith.constant 0 : i32
      %dma_start3A_318 = tpu.memref_slice %arg17[%dma_start3A_316, %dma_start3A_317] : memref<10240x64xf32, #tpu.memory_space<vmem_shared>> -> memref<10240x64xf32, #tpu.memory_space<vmem_shared>>
      tpu.enqueue_indirect_dma source(%arg12 : memref<128x64xf32, #tpu.memory_space<vmem>>) target(%dma_start3A_318 : memref<10240x64xf32, #tpu.memory_space<vmem_shared>>) offsets(%dma_start3A_315 : memref<128xi32, #tpu.memory_space<vmem>>) semaphore(%arg25 : memref<!tpu.dma_semaphore, #tpu.memory_space<semaphore_mem>>) {add = true}
      %eq3A_319 = arith.constant 0 : i32
      %eq3A_320 = arith.cmpi eq, %arg0, %eq3A_319 : i32
      %convert_element_type3A_321 = arith.extui %eq3A_320 : i1 to i32
      %cond3A_322 = arith.constant 0 : i32
      %cond3A_323 = arith.cmpi ne, %convert_element_type3A_321, %cond3A_322 : i32
      scf.if %cond3A_323 {
        %dma_wait3A_400 = arith.constant 0 : i32
        %dma_wait3A_401 = tpu.memref_slice %arg8[%add3A_306, %dma_wait3A_400] : memref<79x128xi32, #tpu.memory_space<vmem>> -> memref<1x128xi32, #tpu.memory_space<vmem>>
        %dma_wait3A_402 = tpu.memref_squeeze %dma_wait3A_401 : memref<1x128xi32, #tpu.memory_space<vmem>> -> memref<128xi32, #tpu.memory_space<vmem>>
        %dma_wait3A_403 = arith.constant 0 : i32
        %dma_wait3A_404 = arith.constant 0 : i32
        %dma_wait3A_405 = tpu.memref_slice %arg18[%dma_wait3A_403, %dma_wait3A_404] : memref<10240x16xf32, #tpu.memory_space<vmem_shared>> -> memref<10240x16xf32, #tpu.memory_space<vmem_shared>>
        tpu.wait_indirect_dma semaphore(%arg27 : memref<!tpu.dma_semaphore, #tpu.memory_space<semaphore_mem>>) src(%arg14 : memref<128x16xf32, #tpu.memory_space<vmem>>) dst(%dma_wait3A_405 : memref<10240x16xf32, #tpu.memory_space<vmem_shared>>)
        %dma_start3A_406 = arith.constant 0 : i32
        %dma_start3A_407 = tpu.memref_slice %arg8[%add3A_306, %dma_start3A_406] : memref<79x128xi32, #tpu.memory_space<vmem>> -> memref<1x128xi32, #tpu.memory_space<vmem>>
        %dma_start3A_408 = tpu.memref_squeeze %dma_start3A_407 : memref<1x128xi32, #tpu.memory_space<vmem>> -> memref<128xi32, #tpu.memory_space<vmem>>
        %dma_start3A_409 = arith.constant 0 : i32
        %dma_start3A_410 = arith.constant 0 : i32
        %dma_start3A_411 = tpu.memref_slice %arg18[%dma_start3A_409, %dma_start3A_410] : memref<10240x16xf32, #tpu.memory_space<vmem_shared>> -> memref<10240x16xf32, #tpu.memory_space<vmem_shared>>
        tpu.enqueue_indirect_dma source(%arg14 : memref<128x16xf32, #tpu.memory_space<vmem>>) target(%dma_start3A_411 : memref<10240x16xf32, #tpu.memory_space<vmem_shared>>) offsets(%dma_start3A_408 : memref<128xi32, #tpu.memory_space<vmem>>) semaphore(%arg27 : memref<!tpu.dma_semaphore, #tpu.memory_space<semaphore_mem>>) {add = true}
      } else {
      }
      %add3A_324 = arith.constant 3 : i32
      %add3A_325 = arith.addi %mul3A_266, %add3A_324 : i32
      %dma_wait3A_326 = arith.constant 0 : i32
      %dma_wait3A_327 = tpu.memref_slice %arg9[%add3A_325, %dma_wait3A_326] : memref<79x128xi32, #tpu.memory_space<vmem>> -> memref<1x128xi32, #tpu.memory_space<vmem>>
      %dma_wait3A_328 = tpu.memref_squeeze %dma_wait3A_327 : memref<1x128xi32, #tpu.memory_space<vmem>> -> memref<128xi32, #tpu.memory_space<vmem>>
      %dma_wait3A_329 = arith.constant 0 : i32
      %dma_wait3A_330 = arith.constant 0 : i32
      %dma_wait3A_331 = tpu.memref_slice %arg2[%dma_wait3A_329, %dma_wait3A_330] : memref<40000x64xf32, #tpu.memory_space<hbm>> -> memref<40000x64xf32, #tpu.memory_space<hbm>>
      tpu.wait_indirect_dma semaphore(%arg22 : memref<!tpu.dma_semaphore, #tpu.memory_space<semaphore_mem>>) src(%dma_wait3A_331 : memref<40000x64xf32, #tpu.memory_space<hbm>>) dst(%arg13 : memref<128x64xf32, #tpu.memory_space<vmem>>)
      %dma_start3A_332 = arith.constant 0 : i32
      %dma_start3A_333 = tpu.memref_slice %arg8[%add3A_325, %dma_start3A_332] : memref<79x128xi32, #tpu.memory_space<vmem>> -> memref<1x128xi32, #tpu.memory_space<vmem>>
      %dma_start3A_334 = tpu.memref_squeeze %dma_start3A_333 : memref<1x128xi32, #tpu.memory_space<vmem>> -> memref<128xi32, #tpu.memory_space<vmem>>
      %dma_start3A_335 = arith.constant 0 : i32
      %dma_start3A_336 = arith.constant 0 : i32
      %dma_start3A_337 = tpu.memref_slice %arg17[%dma_start3A_335, %dma_start3A_336] : memref<10240x64xf32, #tpu.memory_space<vmem_shared>> -> memref<10240x64xf32, #tpu.memory_space<vmem_shared>>
      tpu.enqueue_indirect_dma source(%arg13 : memref<128x64xf32, #tpu.memory_space<vmem>>) target(%dma_start3A_337 : memref<10240x64xf32, #tpu.memory_space<vmem_shared>>) offsets(%dma_start3A_334 : memref<128xi32, #tpu.memory_space<vmem>>) semaphore(%arg26 : memref<!tpu.dma_semaphore, #tpu.memory_space<semaphore_mem>>) {add = true}
      %eq3A_338 = arith.constant 1 : i32
      %eq3A_339 = arith.cmpi eq, %arg0, %eq3A_338 : i32
      %convert_element_type3A_340 = arith.extui %eq3A_339 : i1 to i32
      %cond3A_341 = arith.constant 0 : i32
      %cond3A_342 = arith.cmpi ne, %convert_element_type3A_340, %cond3A_341 : i32
      scf.if %cond3A_342 {
        %dma_wait3A_400 = arith.constant 0 : i32
        %dma_wait3A_401 = tpu.memref_slice %arg8[%add3A_325, %dma_wait3A_400] : memref<79x128xi32, #tpu.memory_space<vmem>> -> memref<1x128xi32, #tpu.memory_space<vmem>>
        %dma_wait3A_402 = tpu.memref_squeeze %dma_wait3A_401 : memref<1x128xi32, #tpu.memory_space<vmem>> -> memref<128xi32, #tpu.memory_space<vmem>>
        %dma_wait3A_403 = arith.constant 0 : i32
        %dma_wait3A_404 = arith.constant 0 : i32
        %dma_wait3A_405 = tpu.memref_slice %arg18[%dma_wait3A_403, %dma_wait3A_404] : memref<10240x16xf32, #tpu.memory_space<vmem_shared>> -> memref<10240x16xf32, #tpu.memory_space<vmem_shared>>
        tpu.wait_indirect_dma semaphore(%arg27 : memref<!tpu.dma_semaphore, #tpu.memory_space<semaphore_mem>>) src(%arg14 : memref<128x16xf32, #tpu.memory_space<vmem>>) dst(%dma_wait3A_405 : memref<10240x16xf32, #tpu.memory_space<vmem_shared>>)
        %dma_start3A_406 = arith.constant 0 : i32
        %dma_start3A_407 = tpu.memref_slice %arg8[%add3A_325, %dma_start3A_406] : memref<79x128xi32, #tpu.memory_space<vmem>> -> memref<1x128xi32, #tpu.memory_space<vmem>>
        %dma_start3A_408 = tpu.memref_squeeze %dma_start3A_407 : memref<1x128xi32, #tpu.memory_space<vmem>> -> memref<128xi32, #tpu.memory_space<vmem>>
        %dma_start3A_409 = arith.constant 0 : i32
        %dma_start3A_410 = arith.constant 0 : i32
        %dma_start3A_411 = tpu.memref_slice %arg18[%dma_start3A_409, %dma_start3A_410] : memref<10240x16xf32, #tpu.memory_space<vmem_shared>> -> memref<10240x16xf32, #tpu.memory_space<vmem_shared>>
        tpu.enqueue_indirect_dma source(%arg14 : memref<128x16xf32, #tpu.memory_space<vmem>>) target(%dma_start3A_411 : memref<10240x16xf32, #tpu.memory_space<vmem_shared>>) offsets(%dma_start3A_408 : memref<128xi32, #tpu.memory_space<vmem>>) semaphore(%arg27 : memref<!tpu.dma_semaphore, #tpu.memory_space<semaphore_mem>>) {add = true}
      } else {
      }
      %add3A_343 = arith.constant 0 : i32
      %add3A_344 = arith.addi %mul3A_266, %add3A_343 : i32
      %dma_wait3A_345 = arith.constant 0 : i32
      %dma_wait3A_346 = tpu.memref_slice %arg8[%add3A_344, %dma_wait3A_345] : memref<79x128xi32, #tpu.memory_space<vmem>> -> memref<1x128xi32, #tpu.memory_space<vmem>>
      %dma_wait3A_347 = tpu.memref_squeeze %dma_wait3A_346 : memref<1x128xi32, #tpu.memory_space<vmem>> -> memref<128xi32, #tpu.memory_space<vmem>>
      %dma_wait3A_348 = arith.constant 0 : i32
      %dma_wait3A_349 = arith.constant 0 : i32
      %dma_wait3A_350 = tpu.memref_slice %arg17[%dma_wait3A_348, %dma_wait3A_349] : memref<10240x64xf32, #tpu.memory_space<vmem_shared>> -> memref<10240x64xf32, #tpu.memory_space<vmem_shared>>
      tpu.wait_indirect_dma semaphore(%arg23 : memref<!tpu.dma_semaphore, #tpu.memory_space<semaphore_mem>>) src(%arg10 : memref<128x64xf32, #tpu.memory_space<vmem>>) dst(%dma_wait3A_350 : memref<10240x64xf32, #tpu.memory_space<vmem_shared>>)
      %add3A_351 = arith.constant 4 : i32
      %add3A_352 = arith.addi %add3A_344, %add3A_351 : i32
      %lt3A_353 = arith.cmpi slt, %add3A_352, %select_n3A : i32
      %convert_element_type3A_354 = arith.extui %lt3A_353 : i1 to i32
      %cond3A_355 = arith.constant 0 : i32
      %cond3A_356 = arith.cmpi ne, %convert_element_type3A_354, %cond3A_355 : i32
      scf.if %cond3A_356 {
        %add3A_400 = arith.constant 4 : i32
        %add3A_401 = arith.addi %add3A_344, %add3A_400 : i32
        %dma_start3A_402 = arith.constant 0 : i32
        %dma_start3A_403 = tpu.memref_slice %arg9[%add3A_401, %dma_start3A_402] : memref<79x128xi32, #tpu.memory_space<vmem>> -> memref<1x128xi32, #tpu.memory_space<vmem>>
        %dma_start3A_404 = tpu.memref_squeeze %dma_start3A_403 : memref<1x128xi32, #tpu.memory_space<vmem>> -> memref<128xi32, #tpu.memory_space<vmem>>
        %dma_start3A_405 = arith.constant 0 : i32
        %dma_start3A_406 = arith.constant 0 : i32
        %dma_start3A_407 = tpu.memref_slice %arg2[%dma_start3A_405, %dma_start3A_406] : memref<40000x64xf32, #tpu.memory_space<hbm>> -> memref<40000x64xf32, #tpu.memory_space<hbm>>
        tpu.enqueue_indirect_dma source(%dma_start3A_407 : memref<40000x64xf32, #tpu.memory_space<hbm>>) target(%arg10 : memref<128x64xf32, #tpu.memory_space<vmem>>) offsets(%dma_start3A_404 : memref<128xi32, #tpu.memory_space<vmem>>) semaphore(%arg19 : memref<!tpu.dma_semaphore, #tpu.memory_space<semaphore_mem>>)
      } else {
      }
      %add3A_357 = arith.constant 1 : i32
      %add3A_358 = arith.addi %mul3A_266, %add3A_357 : i32
      %dma_wait3A_359 = arith.constant 0 : i32
      %dma_wait3A_360 = tpu.memref_slice %arg8[%add3A_358, %dma_wait3A_359] : memref<79x128xi32, #tpu.memory_space<vmem>> -> memref<1x128xi32, #tpu.memory_space<vmem>>
      %dma_wait3A_361 = tpu.memref_squeeze %dma_wait3A_360 : memref<1x128xi32, #tpu.memory_space<vmem>> -> memref<128xi32, #tpu.memory_space<vmem>>
      %dma_wait3A_362 = arith.constant 0 : i32
      %dma_wait3A_363 = arith.constant 0 : i32
      %dma_wait3A_364 = tpu.memref_slice %arg17[%dma_wait3A_362, %dma_wait3A_363] : memref<10240x64xf32, #tpu.memory_space<vmem_shared>> -> memref<10240x64xf32, #tpu.memory_space<vmem_shared>>
      tpu.wait_indirect_dma semaphore(%arg24 : memref<!tpu.dma_semaphore, #tpu.memory_space<semaphore_mem>>) src(%arg11 : memref<128x64xf32, #tpu.memory_space<vmem>>) dst(%dma_wait3A_364 : memref<10240x64xf32, #tpu.memory_space<vmem_shared>>)
      %add3A_365 = arith.constant 4 : i32
      %add3A_366 = arith.addi %add3A_358, %add3A_365 : i32
      %lt3A_367 = arith.cmpi slt, %add3A_366, %select_n3A : i32
      %convert_element_type3A_368 = arith.extui %lt3A_367 : i1 to i32
      %cond3A_369 = arith.constant 0 : i32
      %cond3A_370 = arith.cmpi ne, %convert_element_type3A_368, %cond3A_369 : i32
      scf.if %cond3A_370 {
        %add3A_400 = arith.constant 4 : i32
        %add3A_401 = arith.addi %add3A_358, %add3A_400 : i32
        %dma_start3A_402 = arith.constant 0 : i32
        %dma_start3A_403 = tpu.memref_slice %arg9[%add3A_401, %dma_start3A_402] : memref<79x128xi32, #tpu.memory_space<vmem>> -> memref<1x128xi32, #tpu.memory_space<vmem>>
        %dma_start3A_404 = tpu.memref_squeeze %dma_start3A_403 : memref<1x128xi32, #tpu.memory_space<vmem>> -> memref<128xi32, #tpu.memory_space<vmem>>
        %dma_start3A_405 = arith.constant 0 : i32
        %dma_start3A_406 = arith.constant 0 : i32
        %dma_start3A_407 = tpu.memref_slice %arg2[%dma_start3A_405, %dma_start3A_406] : memref<40000x64xf32, #tpu.memory_space<hbm>> -> memref<40000x64xf32, #tpu.memory_space<hbm>>
        tpu.enqueue_indirect_dma source(%dma_start3A_407 : memref<40000x64xf32, #tpu.memory_space<hbm>>) target(%arg11 : memref<128x64xf32, #tpu.memory_space<vmem>>) offsets(%dma_start3A_404 : memref<128xi32, #tpu.memory_space<vmem>>) semaphore(%arg20 : memref<!tpu.dma_semaphore, #tpu.memory_space<semaphore_mem>>)
      } else {
      }
      %add3A_371 = arith.constant 2 : i32
      %add3A_372 = arith.addi %mul3A_266, %add3A_371 : i32
      %dma_wait3A_373 = arith.constant 0 : i32
      %dma_wait3A_374 = tpu.memref_slice %arg8[%add3A_372, %dma_wait3A_373] : memref<79x128xi32, #tpu.memory_space<vmem>> -> memref<1x128xi32, #tpu.memory_space<vmem>>
      %dma_wait3A_375 = tpu.memref_squeeze %dma_wait3A_374 : memref<1x128xi32, #tpu.memory_space<vmem>> -> memref<128xi32, #tpu.memory_space<vmem>>
      %dma_wait3A_376 = arith.constant 0 : i32
      %dma_wait3A_377 = arith.constant 0 : i32
      %dma_wait3A_378 = tpu.memref_slice %arg17[%dma_wait3A_376, %dma_wait3A_377] : memref<10240x64xf32, #tpu.memory_space<vmem_shared>> -> memref<10240x64xf32, #tpu.memory_space<vmem_shared>>
      tpu.wait_indirect_dma semaphore(%arg25 : memref<!tpu.dma_semaphore, #tpu.memory_space<semaphore_mem>>) src(%arg12 : memref<128x64xf32, #tpu.memory_space<vmem>>) dst(%dma_wait3A_378 : memref<10240x64xf32, #tpu.memory_space<vmem_shared>>)
      %add3A_379 = arith.constant 4 : i32
      %add3A_380 = arith.addi %add3A_372, %add3A_379 : i32
      %lt3A_381 = arith.cmpi slt, %add3A_380, %select_n3A : i32
      %convert_element_type3A_382 = arith.extui %lt3A_381 : i1 to i32
      %cond3A_383 = arith.constant 0 : i32
      %cond3A_384 = arith.cmpi ne, %convert_element_type3A_382, %cond3A_383 : i32
      scf.if %cond3A_384 {
        %add3A_400 = arith.constant 4 : i32
        %add3A_401 = arith.addi %add3A_372, %add3A_400 : i32
        %dma_start3A_402 = arith.constant 0 : i32
        %dma_start3A_403 = tpu.memref_slice %arg9[%add3A_401, %dma_start3A_402] : memref<79x128xi32, #tpu.memory_space<vmem>> -> memref<1x128xi32, #tpu.memory_space<vmem>>
        %dma_start3A_404 = tpu.memref_squeeze %dma_start3A_403 : memref<1x128xi32, #tpu.memory_space<vmem>> -> memref<128xi32, #tpu.memory_space<vmem>>
        %dma_start3A_405 = arith.constant 0 : i32
        %dma_start3A_406 = arith.constant 0 : i32
        %dma_start3A_407 = tpu.memref_slice %arg2[%dma_start3A_405, %dma_start3A_406] : memref<40000x64xf32, #tpu.memory_space<hbm>> -> memref<40000x64xf32, #tpu.memory_space<hbm>>
        tpu.enqueue_indirect_dma source(%dma_start3A_407 : memref<40000x64xf32, #tpu.memory_space<hbm>>) target(%arg12 : memref<128x64xf32, #tpu.memory_space<vmem>>) offsets(%dma_start3A_404 : memref<128xi32, #tpu.memory_space<vmem>>) semaphore(%arg21 : memref<!tpu.dma_semaphore, #tpu.memory_space<semaphore_mem>>)
      } else {
      }
      %add3A_385 = arith.constant 3 : i32
      %add3A_386 = arith.addi %mul3A_266, %add3A_385 : i32
      %dma_wait3A_387 = arith.constant 0 : i32
      %dma_wait3A_388 = tpu.memref_slice %arg8[%add3A_386, %dma_wait3A_387] : memref<79x128xi32, #tpu.memory_space<vmem>> -> memref<1x128xi32, #tpu.memory_space<vmem>>
      %dma_wait3A_389 = tpu.memref_squeeze %dma_wait3A_388 : memref<1x128xi32, #tpu.memory_space<vmem>> -> memref<128xi32, #tpu.memory_space<vmem>>
      %dma_wait3A_390 = arith.constant 0 : i32
      %dma_wait3A_391 = arith.constant 0 : i32
      %dma_wait3A_392 = tpu.memref_slice %arg17[%dma_wait3A_390, %dma_wait3A_391] : memref<10240x64xf32, #tpu.memory_space<vmem_shared>> -> memref<10240x64xf32, #tpu.memory_space<vmem_shared>>
      tpu.wait_indirect_dma semaphore(%arg26 : memref<!tpu.dma_semaphore, #tpu.memory_space<semaphore_mem>>) src(%arg13 : memref<128x64xf32, #tpu.memory_space<vmem>>) dst(%dma_wait3A_392 : memref<10240x64xf32, #tpu.memory_space<vmem_shared>>)
      %add3A_393 = arith.constant 4 : i32
      %add3A_394 = arith.addi %add3A_386, %add3A_393 : i32
      %lt3A_395 = arith.cmpi slt, %add3A_394, %select_n3A : i32
      %convert_element_type3A_396 = arith.extui %lt3A_395 : i1 to i32
      %cond3A_397 = arith.constant 0 : i32
      %cond3A_398 = arith.cmpi ne, %convert_element_type3A_396, %cond3A_397 : i32
      scf.if %cond3A_398 {
        %add3A_400 = arith.constant 4 : i32
        %add3A_401 = arith.addi %add3A_386, %add3A_400 : i32
        %dma_start3A_402 = arith.constant 0 : i32
        %dma_start3A_403 = tpu.memref_slice %arg9[%add3A_401, %dma_start3A_402] : memref<79x128xi32, #tpu.memory_space<vmem>> -> memref<1x128xi32, #tpu.memory_space<vmem>>
        %dma_start3A_404 = tpu.memref_squeeze %dma_start3A_403 : memref<1x128xi32, #tpu.memory_space<vmem>> -> memref<128xi32, #tpu.memory_space<vmem>>
        %dma_start3A_405 = arith.constant 0 : i32
        %dma_start3A_406 = arith.constant 0 : i32
        %dma_start3A_407 = tpu.memref_slice %arg2[%dma_start3A_405, %dma_start3A_406] : memref<40000x64xf32, #tpu.memory_space<hbm>> -> memref<40000x64xf32, #tpu.memory_space<hbm>>
        tpu.enqueue_indirect_dma source(%dma_start3A_407 : memref<40000x64xf32, #tpu.memory_space<hbm>>) target(%arg13 : memref<128x64xf32, #tpu.memory_space<vmem>>) offsets(%dma_start3A_404 : memref<128xi32, #tpu.memory_space<vmem>>) semaphore(%arg22 : memref<!tpu.dma_semaphore, #tpu.memory_space<semaphore_mem>>)
      } else {
      }
      %while3A_399 = arith.constant 0 : i32
      scf.yield %while3A_399 : i32
    }
    %while3A_113 = arith.constant 1 : i32
    %while3A_114 = scf.for %while3A_263 = %while3A_110 to %while3A_106 step %while3A_113 iter_args(%while3A_264 = %while3A_112) -> (i32)  : i32 {
      %mul3A_265 = arith.constant 4 : i32
      %mul3A_266 = arith.muli %mul3A_265, %while3A_263 : i32
      %add3A_267 = arith.constant 0 : i32
      %add3A_268 = arith.addi %mul3A_266, %add3A_267 : i32
      %dma_wait3A_269 = arith.constant 0 : i32
      %dma_wait3A_270 = tpu.memref_slice %arg9[%add3A_268, %dma_wait3A_269] : memref<79x128xi32, #tpu.memory_space<vmem>> -> memref<1x128xi32, #tpu.memory_space<vmem>>
      %dma_wait3A_271 = tpu.memref_squeeze %dma_wait3A_270 : memref<1x128xi32, #tpu.memory_space<vmem>> -> memref<128xi32, #tpu.memory_space<vmem>>
      %dma_wait3A_272 = arith.constant 0 : i32
      %dma_wait3A_273 = arith.constant 0 : i32
      %dma_wait3A_274 = tpu.memref_slice %arg2[%dma_wait3A_272, %dma_wait3A_273] : memref<40000x64xf32, #tpu.memory_space<hbm>> -> memref<40000x64xf32, #tpu.memory_space<hbm>>
      tpu.wait_indirect_dma semaphore(%arg19 : memref<!tpu.dma_semaphore, #tpu.memory_space<semaphore_mem>>) src(%dma_wait3A_274 : memref<40000x64xf32, #tpu.memory_space<hbm>>) dst(%arg10 : memref<128x64xf32, #tpu.memory_space<vmem>>)
      %dma_start3A_275 = arith.constant 0 : i32
      %dma_start3A_276 = tpu.memref_slice %arg8[%add3A_268, %dma_start3A_275] : memref<79x128xi32, #tpu.memory_space<vmem>> -> memref<1x128xi32, #tpu.memory_space<vmem>>
      %dma_start3A_277 = tpu.memref_squeeze %dma_start3A_276 : memref<1x128xi32, #tpu.memory_space<vmem>> -> memref<128xi32, #tpu.memory_space<vmem>>
      %dma_start3A_278 = arith.constant 0 : i32
      %dma_start3A_279 = arith.constant 0 : i32
      %dma_start3A_280 = tpu.memref_slice %arg17[%dma_start3A_278, %dma_start3A_279] : memref<10240x64xf32, #tpu.memory_space<vmem_shared>> -> memref<10240x64xf32, #tpu.memory_space<vmem_shared>>
      tpu.enqueue_indirect_dma source(%arg10 : memref<128x64xf32, #tpu.memory_space<vmem>>) target(%dma_start3A_280 : memref<10240x64xf32, #tpu.memory_space<vmem_shared>>) offsets(%dma_start3A_277 : memref<128xi32, #tpu.memory_space<vmem>>) semaphore(%arg23 : memref<!tpu.dma_semaphore, #tpu.memory_space<semaphore_mem>>) {add = true}
      %eq3A_281 = arith.constant 0 : i32
      %eq3A_282 = arith.cmpi eq, %arg0, %eq3A_281 : i32
      %convert_element_type3A_283 = arith.extui %eq3A_282 : i1 to i32
      %cond3A_284 = arith.constant 0 : i32
      %cond3A_285 = arith.cmpi ne, %convert_element_type3A_283, %cond3A_284 : i32
      scf.if %cond3A_285 {
        %gt3A = arith.constant 0 : i32
        %gt3A_400 = arith.cmpi sgt, %while3A_263, %gt3A : i32
        %convert_element_type3A_401 = arith.extui %gt3A_400 : i1 to i32
        %cond3A_402 = arith.constant 0 : i32
        %cond3A_403 = arith.cmpi ne, %convert_element_type3A_401, %cond3A_402 : i32
        scf.if %cond3A_403 {
          %dma_wait3A_410 = arith.constant 0 : i32
          %dma_wait3A_411 = tpu.memref_slice %arg8[%add3A_268, %dma_wait3A_410] : memref<79x128xi32, #tpu.memory_space<vmem>> -> memref<1x128xi32, #tpu.memory_space<vmem>>
          %dma_wait3A_412 = tpu.memref_squeeze %dma_wait3A_411 : memref<1x128xi32, #tpu.memory_space<vmem>> -> memref<128xi32, #tpu.memory_space<vmem>>
          %dma_wait3A_413 = arith.constant 0 : i32
          %dma_wait3A_414 = arith.constant 0 : i32
          %dma_wait3A_415 = tpu.memref_slice %arg18[%dma_wait3A_413, %dma_wait3A_414] : memref<10240x16xf32, #tpu.memory_space<vmem_shared>> -> memref<10240x16xf32, #tpu.memory_space<vmem_shared>>
          tpu.wait_indirect_dma semaphore(%arg27 : memref<!tpu.dma_semaphore, #tpu.memory_space<semaphore_mem>>) src(%arg14 : memref<128x16xf32, #tpu.memory_space<vmem>>) dst(%dma_wait3A_415 : memref<10240x16xf32, #tpu.memory_space<vmem_shared>>)
        } else {
        }
        %dma_start3A_404 = arith.constant 0 : i32
        %dma_start3A_405 = tpu.memref_slice %arg8[%add3A_268, %dma_start3A_404] : memref<79x128xi32, #tpu.memory_space<vmem>> -> memref<1x128xi32, #tpu.memory_space<vmem>>
        %dma_start3A_406 = tpu.memref_squeeze %dma_start3A_405 : memref<1x128xi32, #tpu.memory_space<vmem>> -> memref<128xi32, #tpu.memory_space<vmem>>
        %dma_start3A_407 = arith.constant 0 : i32
        %dma_start3A_408 = arith.constant 0 : i32
        %dma_start3A_409 = tpu.memref_slice %arg18[%dma_start3A_407, %dma_start3A_408] : memref<10240x16xf32, #tpu.memory_space<vmem_shared>> -> memref<10240x16xf32, #tpu.memory_space<vmem_shared>>
        tpu.enqueue_indirect_dma source(%arg14 : memref<128x16xf32, #tpu.memory_space<vmem>>) target(%dma_start3A_409 : memref<10240x16xf32, #tpu.memory_space<vmem_shared>>) offsets(%dma_start3A_406 : memref<128xi32, #tpu.memory_space<vmem>>) semaphore(%arg27 : memref<!tpu.dma_semaphore, #tpu.memory_space<semaphore_mem>>) {add = true}
      } else {
      }
      %add3A_286 = arith.constant 1 : i32
      %add3A_287 = arith.addi %mul3A_266, %add3A_286 : i32
      %dma_wait3A_288 = arith.constant 0 : i32
      %dma_wait3A_289 = tpu.memref_slice %arg9[%add3A_287, %dma_wait3A_288] : memref<79x128xi32, #tpu.memory_space<vmem>> -> memref<1x128xi32, #tpu.memory_space<vmem>>
      %dma_wait3A_290 = tpu.memref_squeeze %dma_wait3A_289 : memref<1x128xi32, #tpu.memory_space<vmem>> -> memref<128xi32, #tpu.memory_space<vmem>>
      %dma_wait3A_291 = arith.constant 0 : i32
      %dma_wait3A_292 = arith.constant 0 : i32
      %dma_wait3A_293 = tpu.memref_slice %arg2[%dma_wait3A_291, %dma_wait3A_292] : memref<40000x64xf32, #tpu.memory_space<hbm>> -> memref<40000x64xf32, #tpu.memory_space<hbm>>
      tpu.wait_indirect_dma semaphore(%arg20 : memref<!tpu.dma_semaphore, #tpu.memory_space<semaphore_mem>>) src(%dma_wait3A_293 : memref<40000x64xf32, #tpu.memory_space<hbm>>) dst(%arg11 : memref<128x64xf32, #tpu.memory_space<vmem>>)
      %dma_start3A_294 = arith.constant 0 : i32
      %dma_start3A_295 = tpu.memref_slice %arg8[%add3A_287, %dma_start3A_294] : memref<79x128xi32, #tpu.memory_space<vmem>> -> memref<1x128xi32, #tpu.memory_space<vmem>>
      %dma_start3A_296 = tpu.memref_squeeze %dma_start3A_295 : memref<1x128xi32, #tpu.memory_space<vmem>> -> memref<128xi32, #tpu.memory_space<vmem>>
      %dma_start3A_297 = arith.constant 0 : i32
      %dma_start3A_298 = arith.constant 0 : i32
      %dma_start3A_299 = tpu.memref_slice %arg17[%dma_start3A_297, %dma_start3A_298] : memref<10240x64xf32, #tpu.memory_space<vmem_shared>> -> memref<10240x64xf32, #tpu.memory_space<vmem_shared>>
      tpu.enqueue_indirect_dma source(%arg11 : memref<128x64xf32, #tpu.memory_space<vmem>>) target(%dma_start3A_299 : memref<10240x64xf32, #tpu.memory_space<vmem_shared>>) offsets(%dma_start3A_296 : memref<128xi32, #tpu.memory_space<vmem>>) semaphore(%arg24 : memref<!tpu.dma_semaphore, #tpu.memory_space<semaphore_mem>>) {add = true}
      %eq3A_300 = arith.constant 1 : i32
      %eq3A_301 = arith.cmpi eq, %arg0, %eq3A_300 : i32
      %convert_element_type3A_302 = arith.extui %eq3A_301 : i1 to i32
      %cond3A_303 = arith.constant 0 : i32
      %cond3A_304 = arith.cmpi ne, %convert_element_type3A_302, %cond3A_303 : i32
      scf.if %cond3A_304 {
        %gt3A = arith.constant 0 : i32
        %gt3A_400 = arith.cmpi sgt, %while3A_263, %gt3A : i32
        %convert_element_type3A_401 = arith.extui %gt3A_400 : i1 to i32
        %cond3A_402 = arith.constant 0 : i32
        %cond3A_403 = arith.cmpi ne, %convert_element_type3A_401, %cond3A_402 : i32
        scf.if %cond3A_403 {
          %dma_wait3A_410 = arith.constant 0 : i32
          %dma_wait3A_411 = tpu.memref_slice %arg8[%add3A_287, %dma_wait3A_410] : memref<79x128xi32, #tpu.memory_space<vmem>> -> memref<1x128xi32, #tpu.memory_space<vmem>>
          %dma_wait3A_412 = tpu.memref_squeeze %dma_wait3A_411 : memref<1x128xi32, #tpu.memory_space<vmem>> -> memref<128xi32, #tpu.memory_space<vmem>>
          %dma_wait3A_413 = arith.constant 0 : i32
          %dma_wait3A_414 = arith.constant 0 : i32
          %dma_wait3A_415 = tpu.memref_slice %arg18[%dma_wait3A_413, %dma_wait3A_414] : memref<10240x16xf32, #tpu.memory_space<vmem_shared>> -> memref<10240x16xf32, #tpu.memory_space<vmem_shared>>
          tpu.wait_indirect_dma semaphore(%arg27 : memref<!tpu.dma_semaphore, #tpu.memory_space<semaphore_mem>>) src(%arg14 : memref<128x16xf32, #tpu.memory_space<vmem>>) dst(%dma_wait3A_415 : memref<10240x16xf32, #tpu.memory_space<vmem_shared>>)
        } else {
        }
        %dma_start3A_404 = arith.constant 0 : i32
        %dma_start3A_405 = tpu.memref_slice %arg8[%add3A_287, %dma_start3A_404] : memref<79x128xi32, #tpu.memory_space<vmem>> -> memref<1x128xi32, #tpu.memory_space<vmem>>
        %dma_start3A_406 = tpu.memref_squeeze %dma_start3A_405 : memref<1x128xi32, #tpu.memory_space<vmem>> -> memref<128xi32, #tpu.memory_space<vmem>>
        %dma_start3A_407 = arith.constant 0 : i32
        %dma_start3A_408 = arith.constant 0 : i32
        %dma_start3A_409 = tpu.memref_slice %arg18[%dma_start3A_407, %dma_start3A_408] : memref<10240x16xf32, #tpu.memory_space<vmem_shared>> -> memref<10240x16xf32, #tpu.memory_space<vmem_shared>>
        tpu.enqueue_indirect_dma source(%arg14 : memref<128x16xf32, #tpu.memory_space<vmem>>) target(%dma_start3A_409 : memref<10240x16xf32, #tpu.memory_space<vmem_shared>>) offsets(%dma_start3A_406 : memref<128xi32, #tpu.memory_space<vmem>>) semaphore(%arg27 : memref<!tpu.dma_semaphore, #tpu.memory_space<semaphore_mem>>) {add = true}
      } else {
      }
      %add3A_305 = arith.constant 2 : i32
      %add3A_306 = arith.addi %mul3A_266, %add3A_305 : i32
      %dma_wait3A_307 = arith.constant 0 : i32
      %dma_wait3A_308 = tpu.memref_slice %arg9[%add3A_306, %dma_wait3A_307] : memref<79x128xi32, #tpu.memory_space<vmem>> -> memref<1x128xi32, #tpu.memory_space<vmem>>
      %dma_wait3A_309 = tpu.memref_squeeze %dma_wait3A_308 : memref<1x128xi32, #tpu.memory_space<vmem>> -> memref<128xi32, #tpu.memory_space<vmem>>
      %dma_wait3A_310 = arith.constant 0 : i32
      %dma_wait3A_311 = arith.constant 0 : i32
      %dma_wait3A_312 = tpu.memref_slice %arg2[%dma_wait3A_310, %dma_wait3A_311] : memref<40000x64xf32, #tpu.memory_space<hbm>> -> memref<40000x64xf32, #tpu.memory_space<hbm>>
      tpu.wait_indirect_dma semaphore(%arg21 : memref<!tpu.dma_semaphore, #tpu.memory_space<semaphore_mem>>) src(%dma_wait3A_312 : memref<40000x64xf32, #tpu.memory_space<hbm>>) dst(%arg12 : memref<128x64xf32, #tpu.memory_space<vmem>>)
      %dma_start3A_313 = arith.constant 0 : i32
      %dma_start3A_314 = tpu.memref_slice %arg8[%add3A_306, %dma_start3A_313] : memref<79x128xi32, #tpu.memory_space<vmem>> -> memref<1x128xi32, #tpu.memory_space<vmem>>
      %dma_start3A_315 = tpu.memref_squeeze %dma_start3A_314 : memref<1x128xi32, #tpu.memory_space<vmem>> -> memref<128xi32, #tpu.memory_space<vmem>>
      %dma_start3A_316 = arith.constant 0 : i32
      %dma_start3A_317 = arith.constant 0 : i32
      %dma_start3A_318 = tpu.memref_slice %arg17[%dma_start3A_316, %dma_start3A_317] : memref<10240x64xf32, #tpu.memory_space<vmem_shared>> -> memref<10240x64xf32, #tpu.memory_space<vmem_shared>>
      tpu.enqueue_indirect_dma source(%arg12 : memref<128x64xf32, #tpu.memory_space<vmem>>) target(%dma_start3A_318 : memref<10240x64xf32, #tpu.memory_space<vmem_shared>>) offsets(%dma_start3A_315 : memref<128xi32, #tpu.memory_space<vmem>>) semaphore(%arg25 : memref<!tpu.dma_semaphore, #tpu.memory_space<semaphore_mem>>) {add = true}
      %eq3A_319 = arith.constant 0 : i32
      %eq3A_320 = arith.cmpi eq, %arg0, %eq3A_319 : i32
      %convert_element_type3A_321 = arith.extui %eq3A_320 : i1 to i32
      %cond3A_322 = arith.constant 0 : i32
      %cond3A_323 = arith.cmpi ne, %convert_element_type3A_321, %cond3A_322 : i32
      scf.if %cond3A_323 {
        %dma_wait3A_400 = arith.constant 0 : i32
        %dma_wait3A_401 = tpu.memref_slice %arg8[%add3A_306, %dma_wait3A_400] : memref<79x128xi32, #tpu.memory_space<vmem>> -> memref<1x128xi32, #tpu.memory_space<vmem>>
        %dma_wait3A_402 = tpu.memref_squeeze %dma_wait3A_401 : memref<1x128xi32, #tpu.memory_space<vmem>> -> memref<128xi32, #tpu.memory_space<vmem>>
        %dma_wait3A_403 = arith.constant 0 : i32
        %dma_wait3A_404 = arith.constant 0 : i32
        %dma_wait3A_405 = tpu.memref_slice %arg18[%dma_wait3A_403, %dma_wait3A_404] : memref<10240x16xf32, #tpu.memory_space<vmem_shared>> -> memref<10240x16xf32, #tpu.memory_space<vmem_shared>>
        tpu.wait_indirect_dma semaphore(%arg27 : memref<!tpu.dma_semaphore, #tpu.memory_space<semaphore_mem>>) src(%arg14 : memref<128x16xf32, #tpu.memory_space<vmem>>) dst(%dma_wait3A_405 : memref<10240x16xf32, #tpu.memory_space<vmem_shared>>)
        %dma_start3A_406 = arith.constant 0 : i32
        %dma_start3A_407 = tpu.memref_slice %arg8[%add3A_306, %dma_start3A_406] : memref<79x128xi32, #tpu.memory_space<vmem>> -> memref<1x128xi32, #tpu.memory_space<vmem>>
        %dma_start3A_408 = tpu.memref_squeeze %dma_start3A_407 : memref<1x128xi32, #tpu.memory_space<vmem>> -> memref<128xi32, #tpu.memory_space<vmem>>
        %dma_start3A_409 = arith.constant 0 : i32
        %dma_start3A_410 = arith.constant 0 : i32
        %dma_start3A_411 = tpu.memref_slice %arg18[%dma_start3A_409, %dma_start3A_410] : memref<10240x16xf32, #tpu.memory_space<vmem_shared>> -> memref<10240x16xf32, #tpu.memory_space<vmem_shared>>
        tpu.enqueue_indirect_dma source(%arg14 : memref<128x16xf32, #tpu.memory_space<vmem>>) target(%dma_start3A_411 : memref<10240x16xf32, #tpu.memory_space<vmem_shared>>) offsets(%dma_start3A_408 : memref<128xi32, #tpu.memory_space<vmem>>) semaphore(%arg27 : memref<!tpu.dma_semaphore, #tpu.memory_space<semaphore_mem>>) {add = true}
      } else {
      }
      %add3A_324 = arith.constant 3 : i32
      %add3A_325 = arith.addi %mul3A_266, %add3A_324 : i32
      %dma_wait3A_326 = arith.constant 0 : i32
      %dma_wait3A_327 = tpu.memref_slice %arg9[%add3A_325, %dma_wait3A_326] : memref<79x128xi32, #tpu.memory_space<vmem>> -> memref<1x128xi32, #tpu.memory_space<vmem>>
      %dma_wait3A_328 = tpu.memref_squeeze %dma_wait3A_327 : memref<1x128xi32, #tpu.memory_space<vmem>> -> memref<128xi32, #tpu.memory_space<vmem>>
      %dma_wait3A_329 = arith.constant 0 : i32
      %dma_wait3A_330 = arith.constant 0 : i32
      %dma_wait3A_331 = tpu.memref_slice %arg2[%dma_wait3A_329, %dma_wait3A_330] : memref<40000x64xf32, #tpu.memory_space<hbm>> -> memref<40000x64xf32, #tpu.memory_space<hbm>>
      tpu.wait_indirect_dma semaphore(%arg22 : memref<!tpu.dma_semaphore, #tpu.memory_space<semaphore_mem>>) src(%dma_wait3A_331 : memref<40000x64xf32, #tpu.memory_space<hbm>>) dst(%arg13 : memref<128x64xf32, #tpu.memory_space<vmem>>)
      %dma_start3A_332 = arith.constant 0 : i32
      %dma_start3A_333 = tpu.memref_slice %arg8[%add3A_325, %dma_start3A_332] : memref<79x128xi32, #tpu.memory_space<vmem>> -> memref<1x128xi32, #tpu.memory_space<vmem>>
      %dma_start3A_334 = tpu.memref_squeeze %dma_start3A_333 : memref<1x128xi32, #tpu.memory_space<vmem>> -> memref<128xi32, #tpu.memory_space<vmem>>
      %dma_start3A_335 = arith.constant 0 : i32
      %dma_start3A_336 = arith.constant 0 : i32
      %dma_start3A_337 = tpu.memref_slice %arg17[%dma_start3A_335, %dma_start3A_336] : memref<10240x64xf32, #tpu.memory_space<vmem_shared>> -> memref<10240x64xf32, #tpu.memory_space<vmem_shared>>
      tpu.enqueue_indirect_dma source(%arg13 : memref<128x64xf32, #tpu.memory_space<vmem>>) target(%dma_start3A_337 : memref<10240x64xf32, #tpu.memory_space<vmem_shared>>) offsets(%dma_start3A_334 : memref<128xi32, #tpu.memory_space<vmem>>) semaphore(%arg26 : memref<!tpu.dma_semaphore, #tpu.memory_space<semaphore_mem>>) {add = true}
      %eq3A_338 = arith.constant 1 : i32
      %eq3A_339 = arith.cmpi eq, %arg0, %eq3A_338 : i32
      %convert_element_type3A_340 = arith.extui %eq3A_339 : i1 to i32
      %cond3A_341 = arith.constant 0 : i32
      %cond3A_342 = arith.cmpi ne, %convert_element_type3A_340, %cond3A_341 : i32
      scf.if %cond3A_342 {
        %dma_wait3A_400 = arith.constant 0 : i32
        %dma_wait3A_401 = tpu.memref_slice %arg8[%add3A_325, %dma_wait3A_400] : memref<79x128xi32, #tpu.memory_space<vmem>> -> memref<1x128xi32, #tpu.memory_space<vmem>>
        %dma_wait3A_402 = tpu.memref_squeeze %dma_wait3A_401 : memref<1x128xi32, #tpu.memory_space<vmem>> -> memref<128xi32, #tpu.memory_space<vmem>>
        %dma_wait3A_403 = arith.constant 0 : i32
        %dma_wait3A_404 = arith.constant 0 : i32
        %dma_wait3A_405 = tpu.memref_slice %arg18[%dma_wait3A_403, %dma_wait3A_404] : memref<10240x16xf32, #tpu.memory_space<vmem_shared>> -> memref<10240x16xf32, #tpu.memory_space<vmem_shared>>
        tpu.wait_indirect_dma semaphore(%arg27 : memref<!tpu.dma_semaphore, #tpu.memory_space<semaphore_mem>>) src(%arg14 : memref<128x16xf32, #tpu.memory_space<vmem>>) dst(%dma_wait3A_405 : memref<10240x16xf32, #tpu.memory_space<vmem_shared>>)
        %dma_start3A_406 = arith.constant 0 : i32
        %dma_start3A_407 = tpu.memref_slice %arg8[%add3A_325, %dma_start3A_406] : memref<79x128xi32, #tpu.memory_space<vmem>> -> memref<1x128xi32, #tpu.memory_space<vmem>>
        %dma_start3A_408 = tpu.memref_squeeze %dma_start3A_407 : memref<1x128xi32, #tpu.memory_space<vmem>> -> memref<128xi32, #tpu.memory_space<vmem>>
        %dma_start3A_409 = arith.constant 0 : i32
        %dma_start3A_410 = arith.constant 0 : i32
        %dma_start3A_411 = tpu.memref_slice %arg18[%dma_start3A_409, %dma_start3A_410] : memref<10240x16xf32, #tpu.memory_space<vmem_shared>> -> memref<10240x16xf32, #tpu.memory_space<vmem_shared>>
        tpu.enqueue_indirect_dma source(%arg14 : memref<128x16xf32, #tpu.memory_space<vmem>>) target(%dma_start3A_411 : memref<10240x16xf32, #tpu.memory_space<vmem_shared>>) offsets(%dma_start3A_408 : memref<128xi32, #tpu.memory_space<vmem>>) semaphore(%arg27 : memref<!tpu.dma_semaphore, #tpu.memory_space<semaphore_mem>>) {add = true}
      } else {
      }
      %add3A_343 = arith.constant 0 : i32
      %add3A_344 = arith.addi %mul3A_266, %add3A_343 : i32
      %dma_wait3A_345 = arith.constant 0 : i32
      %dma_wait3A_346 = tpu.memref_slice %arg8[%add3A_344, %dma_wait3A_345] : memref<79x128xi32, #tpu.memory_space<vmem>> -> memref<1x128xi32, #tpu.memory_space<vmem>>
      %dma_wait3A_347 = tpu.memref_squeeze %dma_wait3A_346 : memref<1x128xi32, #tpu.memory_space<vmem>> -> memref<128xi32, #tpu.memory_space<vmem>>
      %dma_wait3A_348 = arith.constant 0 : i32
      %dma_wait3A_349 = arith.constant 0 : i32
      %dma_wait3A_350 = tpu.memref_slice %arg17[%dma_wait3A_348, %dma_wait3A_349] : memref<10240x64xf32, #tpu.memory_space<vmem_shared>> -> memref<10240x64xf32, #tpu.memory_space<vmem_shared>>
      tpu.wait_indirect_dma semaphore(%arg23 : memref<!tpu.dma_semaphore, #tpu.memory_space<semaphore_mem>>) src(%arg10 : memref<128x64xf32, #tpu.memory_space<vmem>>) dst(%dma_wait3A_350 : memref<10240x64xf32, #tpu.memory_space<vmem_shared>>)
      %add3A_351 = arith.constant 4 : i32
      %add3A_352 = arith.addi %add3A_344, %add3A_351 : i32
      %lt3A_353 = arith.cmpi slt, %add3A_352, %select_n3A : i32
      %convert_element_type3A_354 = arith.extui %lt3A_353 : i1 to i32
      %cond3A_355 = arith.constant 0 : i32
      %cond3A_356 = arith.cmpi ne, %convert_element_type3A_354, %cond3A_355 : i32
      scf.if %cond3A_356 {
        %add3A_400 = arith.constant 4 : i32
        %add3A_401 = arith.addi %add3A_344, %add3A_400 : i32
        %dma_start3A_402 = arith.constant 0 : i32
        %dma_start3A_403 = tpu.memref_slice %arg9[%add3A_401, %dma_start3A_402] : memref<79x128xi32, #tpu.memory_space<vmem>> -> memref<1x128xi32, #tpu.memory_space<vmem>>
        %dma_start3A_404 = tpu.memref_squeeze %dma_start3A_403 : memref<1x128xi32, #tpu.memory_space<vmem>> -> memref<128xi32, #tpu.memory_space<vmem>>
        %dma_start3A_405 = arith.constant 0 : i32
        %dma_start3A_406 = arith.constant 0 : i32
        %dma_start3A_407 = tpu.memref_slice %arg2[%dma_start3A_405, %dma_start3A_406] : memref<40000x64xf32, #tpu.memory_space<hbm>> -> memref<40000x64xf32, #tpu.memory_space<hbm>>
        tpu.enqueue_indirect_dma source(%dma_start3A_407 : memref<40000x64xf32, #tpu.memory_space<hbm>>) target(%arg10 : memref<128x64xf32, #tpu.memory_space<vmem>>) offsets(%dma_start3A_404 : memref<128xi32, #tpu.memory_space<vmem>>) semaphore(%arg19 : memref<!tpu.dma_semaphore, #tpu.memory_space<semaphore_mem>>)
      } else {
      }
      %add3A_357 = arith.constant 1 : i32
      %add3A_358 = arith.addi %mul3A_266, %add3A_357 : i32
      %dma_wait3A_359 = arith.constant 0 : i32
      %dma_wait3A_360 = tpu.memref_slice %arg8[%add3A_358, %dma_wait3A_359] : memref<79x128xi32, #tpu.memory_space<vmem>> -> memref<1x128xi32, #tpu.memory_space<vmem>>
      %dma_wait3A_361 = tpu.memref_squeeze %dma_wait3A_360 : memref<1x128xi32, #tpu.memory_space<vmem>> -> memref<128xi32, #tpu.memory_space<vmem>>
      %dma_wait3A_362 = arith.constant 0 : i32
      %dma_wait3A_363 = arith.constant 0 : i32
      %dma_wait3A_364 = tpu.memref_slice %arg17[%dma_wait3A_362, %dma_wait3A_363] : memref<10240x64xf32, #tpu.memory_space<vmem_shared>> -> memref<10240x64xf32, #tpu.memory_space<vmem_shared>>
      tpu.wait_indirect_dma semaphore(%arg24 : memref<!tpu.dma_semaphore, #tpu.memory_space<semaphore_mem>>) src(%arg11 : memref<128x64xf32, #tpu.memory_space<vmem>>) dst(%dma_wait3A_364 : memref<10240x64xf32, #tpu.memory_space<vmem_shared>>)
      %add3A_365 = arith.constant 4 : i32
      %add3A_366 = arith.addi %add3A_358, %add3A_365 : i32
      %lt3A_367 = arith.cmpi slt, %add3A_366, %select_n3A : i32
      %convert_element_type3A_368 = arith.extui %lt3A_367 : i1 to i32
      %cond3A_369 = arith.constant 0 : i32
      %cond3A_370 = arith.cmpi ne, %convert_element_type3A_368, %cond3A_369 : i32
      scf.if %cond3A_370 {
        %add3A_400 = arith.constant 4 : i32
        %add3A_401 = arith.addi %add3A_358, %add3A_400 : i32
        %dma_start3A_402 = arith.constant 0 : i32
        %dma_start3A_403 = tpu.memref_slice %arg9[%add3A_401, %dma_start3A_402] : memref<79x128xi32, #tpu.memory_space<vmem>> -> memref<1x128xi32, #tpu.memory_space<vmem>>
        %dma_start3A_404 = tpu.memref_squeeze %dma_start3A_403 : memref<1x128xi32, #tpu.memory_space<vmem>> -> memref<128xi32, #tpu.memory_space<vmem>>
        %dma_start3A_405 = arith.constant 0 : i32
        %dma_start3A_406 = arith.constant 0 : i32
        %dma_start3A_407 = tpu.memref_slice %arg2[%dma_start3A_405, %dma_start3A_406] : memref<40000x64xf32, #tpu.memory_space<hbm>> -> memref<40000x64xf32, #tpu.memory_space<hbm>>
        tpu.enqueue_indirect_dma source(%dma_start3A_407 : memref<40000x64xf32, #tpu.memory_space<hbm>>) target(%arg11 : memref<128x64xf32, #tpu.memory_space<vmem>>) offsets(%dma_start3A_404 : memref<128xi32, #tpu.memory_space<vmem>>) semaphore(%arg20 : memref<!tpu.dma_semaphore, #tpu.memory_space<semaphore_mem>>)
      } else {
      }
      %add3A_371 = arith.constant 2 : i32
      %add3A_372 = arith.addi %mul3A_266, %add3A_371 : i32
      %dma_wait3A_373 = arith.constant 0 : i32
      %dma_wait3A_374 = tpu.memref_slice %arg8[%add3A_372, %dma_wait3A_373] : memref<79x128xi32, #tpu.memory_space<vmem>> -> memref<1x128xi32, #tpu.memory_space<vmem>>
      %dma_wait3A_375 = tpu.memref_squeeze %dma_wait3A_374 : memref<1x128xi32, #tpu.memory_space<vmem>> -> memref<128xi32, #tpu.memory_space<vmem>>
      %dma_wait3A_376 = arith.constant 0 : i32
      %dma_wait3A_377 = arith.constant 0 : i32
      %dma_wait3A_378 = tpu.memref_slice %arg17[%dma_wait3A_376, %dma_wait3A_377] : memref<10240x64xf32, #tpu.memory_space<vmem_shared>> -> memref<10240x64xf32, #tpu.memory_space<vmem_shared>>
      tpu.wait_indirect_dma semaphore(%arg25 : memref<!tpu.dma_semaphore, #tpu.memory_space<semaphore_mem>>) src(%arg12 : memref<128x64xf32, #tpu.memory_space<vmem>>) dst(%dma_wait3A_378 : memref<10240x64xf32, #tpu.memory_space<vmem_shared>>)
      %add3A_379 = arith.constant 4 : i32
      %add3A_380 = arith.addi %add3A_372, %add3A_379 : i32
      %lt3A_381 = arith.cmpi slt, %add3A_380, %select_n3A : i32
      %convert_element_type3A_382 = arith.extui %lt3A_381 : i1 to i32
      %cond3A_383 = arith.constant 0 : i32
      %cond3A_384 = arith.cmpi ne, %convert_element_type3A_382, %cond3A_383 : i32
      scf.if %cond3A_384 {
        %add3A_400 = arith.constant 4 : i32
        %add3A_401 = arith.addi %add3A_372, %add3A_400 : i32
        %dma_start3A_402 = arith.constant 0 : i32
        %dma_start3A_403 = tpu.memref_slice %arg9[%add3A_401, %dma_start3A_402] : memref<79x128xi32, #tpu.memory_space<vmem>> -> memref<1x128xi32, #tpu.memory_space<vmem>>
        %dma_start3A_404 = tpu.memref_squeeze %dma_start3A_403 : memref<1x128xi32, #tpu.memory_space<vmem>> -> memref<128xi32, #tpu.memory_space<vmem>>
        %dma_start3A_405 = arith.constant 0 : i32
        %dma_start3A_406 = arith.constant 0 : i32
        %dma_start3A_407 = tpu.memref_slice %arg2[%dma_start3A_405, %dma_start3A_406] : memref<40000x64xf32, #tpu.memory_space<hbm>> -> memref<40000x64xf32, #tpu.memory_space<hbm>>
        tpu.enqueue_indirect_dma source(%dma_start3A_407 : memref<40000x64xf32, #tpu.memory_space<hbm>>) target(%arg12 : memref<128x64xf32, #tpu.memory_space<vmem>>) offsets(%dma_start3A_404 : memref<128xi32, #tpu.memory_space<vmem>>) semaphore(%arg21 : memref<!tpu.dma_semaphore, #tpu.memory_space<semaphore_mem>>)
      } else {
      }
      %add3A_385 = arith.constant 3 : i32
      %add3A_386 = arith.addi %mul3A_266, %add3A_385 : i32
      %dma_wait3A_387 = arith.constant 0 : i32
      %dma_wait3A_388 = tpu.memref_slice %arg8[%add3A_386, %dma_wait3A_387] : memref<79x128xi32, #tpu.memory_space<vmem>> -> memref<1x128xi32, #tpu.memory_space<vmem>>
      %dma_wait3A_389 = tpu.memref_squeeze %dma_wait3A_388 : memref<1x128xi32, #tpu.memory_space<vmem>> -> memref<128xi32, #tpu.memory_space<vmem>>
      %dma_wait3A_390 = arith.constant 0 : i32
      %dma_wait3A_391 = arith.constant 0 : i32
      %dma_wait3A_392 = tpu.memref_slice %arg17[%dma_wait3A_390, %dma_wait3A_391] : memref<10240x64xf32, #tpu.memory_space<vmem_shared>> -> memref<10240x64xf32, #tpu.memory_space<vmem_shared>>
      tpu.wait_indirect_dma semaphore(%arg26 : memref<!tpu.dma_semaphore, #tpu.memory_space<semaphore_mem>>) src(%arg13 : memref<128x64xf32, #tpu.memory_space<vmem>>) dst(%dma_wait3A_392 : memref<10240x64xf32, #tpu.memory_space<vmem_shared>>)
      %add3A_393 = arith.constant 4 : i32
      %add3A_394 = arith.addi %add3A_386, %add3A_393 : i32
      %lt3A_395 = arith.cmpi slt, %add3A_394, %select_n3A : i32
      %convert_element_type3A_396 = arith.extui %lt3A_395 : i1 to i32
      %cond3A_397 = arith.constant 0 : i32
      %cond3A_398 = arith.cmpi ne, %convert_element_type3A_396, %cond3A_397 : i32
      scf.if %cond3A_398 {
        %add3A_400 = arith.constant 4 : i32
        %add3A_401 = arith.addi %add3A_386, %add3A_400 : i32
        %dma_start3A_402 = arith.constant 0 : i32
        %dma_start3A_403 = tpu.memref_slice %arg9[%add3A_401, %dma_start3A_402] : memref<79x128xi32, #tpu.memory_space<vmem>> -> memref<1x128xi32, #tpu.memory_space<vmem>>
        %dma_start3A_404 = tpu.memref_squeeze %dma_start3A_403 : memref<1x128xi32, #tpu.memory_space<vmem>> -> memref<128xi32, #tpu.memory_space<vmem>>
        %dma_start3A_405 = arith.constant 0 : i32
        %dma_start3A_406 = arith.constant 0 : i32
        %dma_start3A_407 = tpu.memref_slice %arg2[%dma_start3A_405, %dma_start3A_406] : memref<40000x64xf32, #tpu.memory_space<hbm>> -> memref<40000x64xf32, #tpu.memory_space<hbm>>
        tpu.enqueue_indirect_dma source(%dma_start3A_407 : memref<40000x64xf32, #tpu.memory_space<hbm>>) target(%arg13 : memref<128x64xf32, #tpu.memory_space<vmem>>) offsets(%dma_start3A_404 : memref<128xi32, #tpu.memory_space<vmem>>) semaphore(%arg22 : memref<!tpu.dma_semaphore, #tpu.memory_space<semaphore_mem>>)
      } else {
      }
      %while3A_399 = arith.constant 0 : i32
      scf.yield %while3A_399 : i32
    }
    %dma_wait3A = arith.constant 0 : i32
    %dma_wait3A_115 = arith.constant 0 : i32
    %dma_wait3A_116 = tpu.memref_slice %arg8[%dma_wait3A, %dma_wait3A_115] : memref<79x128xi32, #tpu.memory_space<vmem>> -> memref<1x128xi32, #tpu.memory_space<vmem>>
    %dma_wait3A_117 = tpu.memref_squeeze %dma_wait3A_116 : memref<1x128xi32, #tpu.memory_space<vmem>> -> memref<128xi32, #tpu.memory_space<vmem>>
    %dma_wait3A_118 = arith.constant 0 : i32
    %dma_wait3A_119 = arith.constant 0 : i32
    %dma_wait3A_120 = tpu.memref_slice %arg18[%dma_wait3A_118, %dma_wait3A_119] : memref<10240x16xf32, #tpu.memory_space<vmem_shared>> -> memref<10240x16xf32, #tpu.memory_space<vmem_shared>>
    tpu.wait_indirect_dma semaphore(%arg27 : memref<!tpu.dma_semaphore, #tpu.memory_space<semaphore_mem>>) src(%arg14 : memref<128x16xf32, #tpu.memory_space<vmem>>) dst(%dma_wait3A_120 : memref<10240x16xf32, #tpu.memory_space<vmem_shared>>)
    %mul3A_121 = arith.constant 4 : i32
    %mul3A_122 = arith.muli %mul3A_121, %select_n3A_19 : i32
    %add3A = arith.constant 0 : i32
    %add3A_123 = arith.addi %mul3A_122, %add3A : i32
    %lt3A_124 = arith.cmpi slt, %add3A_123, %select_n3A : i32
    %convert_element_type3A_125 = arith.extui %lt3A_124 : i1 to i32
    %cond3A_126 = arith.constant 0 : i32
    %cond3A_127 = arith.cmpi ne, %convert_element_type3A_125, %cond3A_126 : i32
    scf.if %cond3A_127 {
      %mul3A_263 = arith.constant 4 : i32
      %mul3A_264 = arith.muli %mul3A_263, %select_n3A_19 : i32
      %add3A_265 = arith.constant 0 : i32
      %add3A_266 = arith.addi %mul3A_264, %add3A_265 : i32
      %dma_wait3A_267 = arith.constant 0 : i32
      %dma_wait3A_268 = tpu.memref_slice %arg9[%add3A_266, %dma_wait3A_267] : memref<79x128xi32, #tpu.memory_space<vmem>> -> memref<1x128xi32, #tpu.memory_space<vmem>>
      %dma_wait3A_269 = tpu.memref_squeeze %dma_wait3A_268 : memref<1x128xi32, #tpu.memory_space<vmem>> -> memref<128xi32, #tpu.memory_space<vmem>>
      %dma_wait3A_270 = arith.constant 0 : i32
      %dma_wait3A_271 = arith.constant 0 : i32
      %dma_wait3A_272 = tpu.memref_slice %arg2[%dma_wait3A_270, %dma_wait3A_271] : memref<40000x64xf32, #tpu.memory_space<hbm>> -> memref<40000x64xf32, #tpu.memory_space<hbm>>
      tpu.wait_indirect_dma semaphore(%arg19 : memref<!tpu.dma_semaphore, #tpu.memory_space<semaphore_mem>>) src(%dma_wait3A_272 : memref<40000x64xf32, #tpu.memory_space<hbm>>) dst(%arg10 : memref<128x64xf32, #tpu.memory_space<vmem>>)
      "tpu.region"() ({
        %run_scoped3A = tpu.sem_alloc : memref<!tpu.dma_semaphore, #tpu.memory_space<semaphore_mem>>
        %dma_start3A_278 = arith.constant 0 : i32
        %dma_start3A_279 = tpu.memref_slice %arg8[%add3A_266, %dma_start3A_278] : memref<79x128xi32, #tpu.memory_space<vmem>> -> memref<1x128xi32, #tpu.memory_space<vmem>>
        %dma_start3A_280 = tpu.memref_squeeze %dma_start3A_279 : memref<1x128xi32, #tpu.memory_space<vmem>> -> memref<128xi32, #tpu.memory_space<vmem>>
        %dma_start3A_281 = arith.constant 0 : i32
        %dma_start3A_282 = arith.constant 0 : i32
        %dma_start3A_283 = tpu.memref_slice %arg17[%dma_start3A_281, %dma_start3A_282] : memref<10240x64xf32, #tpu.memory_space<vmem_shared>> -> memref<10240x64xf32, #tpu.memory_space<vmem_shared>>
        tpu.enqueue_indirect_dma source(%arg10 : memref<128x64xf32, #tpu.memory_space<vmem>>) target(%dma_start3A_283 : memref<10240x64xf32, #tpu.memory_space<vmem_shared>>) offsets(%dma_start3A_280 : memref<128xi32, #tpu.memory_space<vmem>>) semaphore(%run_scoped3A : memref<!tpu.dma_semaphore, #tpu.memory_space<semaphore_mem>>) {add = true}
        %dma_wait3A_284 = arith.constant 0 : i32
        %dma_wait3A_285 = tpu.memref_slice %arg8[%add3A_266, %dma_wait3A_284] : memref<79x128xi32, #tpu.memory_space<vmem>> -> memref<1x128xi32, #tpu.memory_space<vmem>>
        %dma_wait3A_286 = tpu.memref_squeeze %dma_wait3A_285 : memref<1x128xi32, #tpu.memory_space<vmem>> -> memref<128xi32, #tpu.memory_space<vmem>>
        %dma_wait3A_287 = arith.constant 0 : i32
        %dma_wait3A_288 = arith.constant 0 : i32
        %dma_wait3A_289 = tpu.memref_slice %arg17[%dma_wait3A_287, %dma_wait3A_288] : memref<10240x64xf32, #tpu.memory_space<vmem_shared>> -> memref<10240x64xf32, #tpu.memory_space<vmem_shared>>
        tpu.wait_indirect_dma semaphore(%run_scoped3A : memref<!tpu.dma_semaphore, #tpu.memory_space<semaphore_mem>>) src(%arg10 : memref<128x64xf32, #tpu.memory_space<vmem>>) dst(%dma_wait3A_289 : memref<10240x64xf32, #tpu.memory_space<vmem_shared>>)
        tpu.yield
      }) : () -> ()
      %eq3A_273 = arith.constant 0 : i32
      %eq3A_274 = arith.cmpi eq, %arg0, %eq3A_273 : i32
      %convert_element_type3A_275 = arith.extui %eq3A_274 : i1 to i32
      %cond3A_276 = arith.constant 0 : i32
      %cond3A_277 = arith.cmpi ne, %convert_element_type3A_275, %cond3A_276 : i32
      scf.if %cond3A_277 {
        "tpu.region"() ({
          %run_scoped3A = tpu.sem_alloc : memref<!tpu.dma_semaphore, #tpu.memory_space<semaphore_mem>>
          %dma_start3A_278 = arith.constant 0 : i32
          %dma_start3A_279 = tpu.memref_slice %arg8[%add3A_266, %dma_start3A_278] : memref<79x128xi32, #tpu.memory_space<vmem>> -> memref<1x128xi32, #tpu.memory_space<vmem>>
          %dma_start3A_280 = tpu.memref_squeeze %dma_start3A_279 : memref<1x128xi32, #tpu.memory_space<vmem>> -> memref<128xi32, #tpu.memory_space<vmem>>
          %dma_start3A_281 = arith.constant 0 : i32
          %dma_start3A_282 = arith.constant 0 : i32
          %dma_start3A_283 = tpu.memref_slice %arg18[%dma_start3A_281, %dma_start3A_282] : memref<10240x16xf32, #tpu.memory_space<vmem_shared>> -> memref<10240x16xf32, #tpu.memory_space<vmem_shared>>
          tpu.enqueue_indirect_dma source(%arg14 : memref<128x16xf32, #tpu.memory_space<vmem>>) target(%dma_start3A_283 : memref<10240x16xf32, #tpu.memory_space<vmem_shared>>) offsets(%dma_start3A_280 : memref<128xi32, #tpu.memory_space<vmem>>) semaphore(%run_scoped3A : memref<!tpu.dma_semaphore, #tpu.memory_space<semaphore_mem>>) {add = true}
          %dma_wait3A_284 = arith.constant 0 : i32
          %dma_wait3A_285 = tpu.memref_slice %arg8[%add3A_266, %dma_wait3A_284] : memref<79x128xi32, #tpu.memory_space<vmem>> -> memref<1x128xi32, #tpu.memory_space<vmem>>
          %dma_wait3A_286 = tpu.memref_squeeze %dma_wait3A_285 : memref<1x128xi32, #tpu.memory_space<vmem>> -> memref<128xi32, #tpu.memory_space<vmem>>
          %dma_wait3A_287 = arith.constant 0 : i32
          %dma_wait3A_288 = arith.constant 0 : i32
          %dma_wait3A_289 = tpu.memref_slice %arg18[%dma_wait3A_287, %dma_wait3A_288] : memref<10240x16xf32, #tpu.memory_space<vmem_shared>> -> memref<10240x16xf32, #tpu.memory_space<vmem_shared>>
          tpu.wait_indirect_dma semaphore(%run_scoped3A : memref<!tpu.dma_semaphore, #tpu.memory_space<semaphore_mem>>) src(%arg14 : memref<128x16xf32, #tpu.memory_space<vmem>>) dst(%dma_wait3A_289 : memref<10240x16xf32, #tpu.memory_space<vmem_shared>>)
          tpu.yield
        }) : () -> ()
      } else {
      }
    } else {
    }
    %mul3A_128 = arith.constant 4 : i32
    %mul3A_129 = arith.muli %mul3A_128, %select_n3A_19 : i32
    %add3A_130 = arith.constant 1 : i32
    %add3A_131 = arith.addi %mul3A_129, %add3A_130 : i32
    %lt3A_132 = arith.cmpi slt, %add3A_131, %select_n3A : i32
    %convert_element_type3A_133 = arith.extui %lt3A_132 : i1 to i32
    %cond3A_134 = arith.constant 0 : i32
    %cond3A_135 = arith.cmpi ne, %convert_element_type3A_133, %cond3A_134 : i32
    scf.if %cond3A_135 {
      %mul3A_263 = arith.constant 4 : i32
      %mul3A_264 = arith.muli %mul3A_263, %select_n3A_19 : i32
      %add3A_265 = arith.constant 1 : i32
      %add3A_266 = arith.addi %mul3A_264, %add3A_265 : i32
      %dma_wait3A_267 = arith.constant 0 : i32
      %dma_wait3A_268 = tpu.memref_slice %arg9[%add3A_266, %dma_wait3A_267] : memref<79x128xi32, #tpu.memory_space<vmem>> -> memref<1x128xi32, #tpu.memory_space<vmem>>
      %dma_wait3A_269 = tpu.memref_squeeze %dma_wait3A_268 : memref<1x128xi32, #tpu.memory_space<vmem>> -> memref<128xi32, #tpu.memory_space<vmem>>
      %dma_wait3A_270 = arith.constant 0 : i32
      %dma_wait3A_271 = arith.constant 0 : i32
      %dma_wait3A_272 = tpu.memref_slice %arg2[%dma_wait3A_270, %dma_wait3A_271] : memref<40000x64xf32, #tpu.memory_space<hbm>> -> memref<40000x64xf32, #tpu.memory_space<hbm>>
      tpu.wait_indirect_dma semaphore(%arg20 : memref<!tpu.dma_semaphore, #tpu.memory_space<semaphore_mem>>) src(%dma_wait3A_272 : memref<40000x64xf32, #tpu.memory_space<hbm>>) dst(%arg11 : memref<128x64xf32, #tpu.memory_space<vmem>>)
      "tpu.region"() ({
        %run_scoped3A = tpu.sem_alloc : memref<!tpu.dma_semaphore, #tpu.memory_space<semaphore_mem>>
        %dma_start3A_278 = arith.constant 0 : i32
        %dma_start3A_279 = tpu.memref_slice %arg8[%add3A_266, %dma_start3A_278] : memref<79x128xi32, #tpu.memory_space<vmem>> -> memref<1x128xi32, #tpu.memory_space<vmem>>
        %dma_start3A_280 = tpu.memref_squeeze %dma_start3A_279 : memref<1x128xi32, #tpu.memory_space<vmem>> -> memref<128xi32, #tpu.memory_space<vmem>>
        %dma_start3A_281 = arith.constant 0 : i32
        %dma_start3A_282 = arith.constant 0 : i32
        %dma_start3A_283 = tpu.memref_slice %arg17[%dma_start3A_281, %dma_start3A_282] : memref<10240x64xf32, #tpu.memory_space<vmem_shared>> -> memref<10240x64xf32, #tpu.memory_space<vmem_shared>>
        tpu.enqueue_indirect_dma source(%arg11 : memref<128x64xf32, #tpu.memory_space<vmem>>) target(%dma_start3A_283 : memref<10240x64xf32, #tpu.memory_space<vmem_shared>>) offsets(%dma_start3A_280 : memref<128xi32, #tpu.memory_space<vmem>>) semaphore(%run_scoped3A : memref<!tpu.dma_semaphore, #tpu.memory_space<semaphore_mem>>) {add = true}
        %dma_wait3A_284 = arith.constant 0 : i32
        %dma_wait3A_285 = tpu.memref_slice %arg8[%add3A_266, %dma_wait3A_284] : memref<79x128xi32, #tpu.memory_space<vmem>> -> memref<1x128xi32, #tpu.memory_space<vmem>>
        %dma_wait3A_286 = tpu.memref_squeeze %dma_wait3A_285 : memref<1x128xi32, #tpu.memory_space<vmem>> -> memref<128xi32, #tpu.memory_space<vmem>>
        %dma_wait3A_287 = arith.constant 0 : i32
        %dma_wait3A_288 = arith.constant 0 : i32
        %dma_wait3A_289 = tpu.memref_slice %arg17[%dma_wait3A_287, %dma_wait3A_288] : memref<10240x64xf32, #tpu.memory_space<vmem_shared>> -> memref<10240x64xf32, #tpu.memory_space<vmem_shared>>
        tpu.wait_indirect_dma semaphore(%run_scoped3A : memref<!tpu.dma_semaphore, #tpu.memory_space<semaphore_mem>>) src(%arg11 : memref<128x64xf32, #tpu.memory_space<vmem>>) dst(%dma_wait3A_289 : memref<10240x64xf32, #tpu.memory_space<vmem_shared>>)
        tpu.yield
      }) : () -> ()
      %eq3A_273 = arith.constant 1 : i32
      %eq3A_274 = arith.cmpi eq, %arg0, %eq3A_273 : i32
      %convert_element_type3A_275 = arith.extui %eq3A_274 : i1 to i32
      %cond3A_276 = arith.constant 0 : i32
      %cond3A_277 = arith.cmpi ne, %convert_element_type3A_275, %cond3A_276 : i32
      scf.if %cond3A_277 {
        "tpu.region"() ({
          %run_scoped3A = tpu.sem_alloc : memref<!tpu.dma_semaphore, #tpu.memory_space<semaphore_mem>>
          %dma_start3A_278 = arith.constant 0 : i32
          %dma_start3A_279 = tpu.memref_slice %arg8[%add3A_266, %dma_start3A_278] : memref<79x128xi32, #tpu.memory_space<vmem>> -> memref<1x128xi32, #tpu.memory_space<vmem>>
          %dma_start3A_280 = tpu.memref_squeeze %dma_start3A_279 : memref<1x128xi32, #tpu.memory_space<vmem>> -> memref<128xi32, #tpu.memory_space<vmem>>
          %dma_start3A_281 = arith.constant 0 : i32
          %dma_start3A_282 = arith.constant 0 : i32
          %dma_start3A_283 = tpu.memref_slice %arg18[%dma_start3A_281, %dma_start3A_282] : memref<10240x16xf32, #tpu.memory_space<vmem_shared>> -> memref<10240x16xf32, #tpu.memory_space<vmem_shared>>
          tpu.enqueue_indirect_dma source(%arg14 : memref<128x16xf32, #tpu.memory_space<vmem>>) target(%dma_start3A_283 : memref<10240x16xf32, #tpu.memory_space<vmem_shared>>) offsets(%dma_start3A_280 : memref<128xi32, #tpu.memory_space<vmem>>) semaphore(%run_scoped3A : memref<!tpu.dma_semaphore, #tpu.memory_space<semaphore_mem>>) {add = true}
          %dma_wait3A_284 = arith.constant 0 : i32
          %dma_wait3A_285 = tpu.memref_slice %arg8[%add3A_266, %dma_wait3A_284] : memref<79x128xi32, #tpu.memory_space<vmem>> -> memref<1x128xi32, #tpu.memory_space<vmem>>
          %dma_wait3A_286 = tpu.memref_squeeze %dma_wait3A_285 : memref<1x128xi32, #tpu.memory_space<vmem>> -> memref<128xi32, #tpu.memory_space<vmem>>
          %dma_wait3A_287 = arith.constant 0 : i32
          %dma_wait3A_288 = arith.constant 0 : i32
          %dma_wait3A_289 = tpu.memref_slice %arg18[%dma_wait3A_287, %dma_wait3A_288] : memref<10240x16xf32, #tpu.memory_space<vmem_shared>> -> memref<10240x16xf32, #tpu.memory_space<vmem_shared>>
          tpu.wait_indirect_dma semaphore(%run_scoped3A : memref<!tpu.dma_semaphore, #tpu.memory_space<semaphore_mem>>) src(%arg14 : memref<128x16xf32, #tpu.memory_space<vmem>>) dst(%dma_wait3A_289 : memref<10240x16xf32, #tpu.memory_space<vmem_shared>>)
          tpu.yield
        }) : () -> ()
      } else {
      }
    } else {
    }
    %mul3A_136 = arith.constant 4 : i32
    %mul3A_137 = arith.muli %mul3A_136, %select_n3A_19 : i32
    %add3A_138 = arith.constant 2 : i32
    %add3A_139 = arith.addi %mul3A_137, %add3A_138 : i32
    %lt3A_140 = arith.cmpi slt, %add3A_139, %select_n3A : i32
    %convert_element_type3A_141 = arith.extui %lt3A_140 : i1 to i32
    %cond3A_142 = arith.constant 0 : i32
    %cond3A_143 = arith.cmpi ne, %convert_element_type3A_141, %cond3A_142 : i32
    scf.if %cond3A_143 {
      %mul3A_263 = arith.constant 4 : i32
      %mul3A_264 = arith.muli %mul3A_263, %select_n3A_19 : i32
      %add3A_265 = arith.constant 2 : i32
      %add3A_266 = arith.addi %mul3A_264, %add3A_265 : i32
      %dma_wait3A_267 = arith.constant 0 : i32
      %dma_wait3A_268 = tpu.memref_slice %arg9[%add3A_266, %dma_wait3A_267] : memref<79x128xi32, #tpu.memory_space<vmem>> -> memref<1x128xi32, #tpu.memory_space<vmem>>
      %dma_wait3A_269 = tpu.memref_squeeze %dma_wait3A_268 : memref<1x128xi32, #tpu.memory_space<vmem>> -> memref<128xi32, #tpu.memory_space<vmem>>
      %dma_wait3A_270 = arith.constant 0 : i32
      %dma_wait3A_271 = arith.constant 0 : i32
      %dma_wait3A_272 = tpu.memref_slice %arg2[%dma_wait3A_270, %dma_wait3A_271] : memref<40000x64xf32, #tpu.memory_space<hbm>> -> memref<40000x64xf32, #tpu.memory_space<hbm>>
      tpu.wait_indirect_dma semaphore(%arg21 : memref<!tpu.dma_semaphore, #tpu.memory_space<semaphore_mem>>) src(%dma_wait3A_272 : memref<40000x64xf32, #tpu.memory_space<hbm>>) dst(%arg12 : memref<128x64xf32, #tpu.memory_space<vmem>>)
      "tpu.region"() ({
        %run_scoped3A = tpu.sem_alloc : memref<!tpu.dma_semaphore, #tpu.memory_space<semaphore_mem>>
        %dma_start3A_278 = arith.constant 0 : i32
        %dma_start3A_279 = tpu.memref_slice %arg8[%add3A_266, %dma_start3A_278] : memref<79x128xi32, #tpu.memory_space<vmem>> -> memref<1x128xi32, #tpu.memory_space<vmem>>
        %dma_start3A_280 = tpu.memref_squeeze %dma_start3A_279 : memref<1x128xi32, #tpu.memory_space<vmem>> -> memref<128xi32, #tpu.memory_space<vmem>>
        %dma_start3A_281 = arith.constant 0 : i32
        %dma_start3A_282 = arith.constant 0 : i32
        %dma_start3A_283 = tpu.memref_slice %arg17[%dma_start3A_281, %dma_start3A_282] : memref<10240x64xf32, #tpu.memory_space<vmem_shared>> -> memref<10240x64xf32, #tpu.memory_space<vmem_shared>>
        tpu.enqueue_indirect_dma source(%arg12 : memref<128x64xf32, #tpu.memory_space<vmem>>) target(%dma_start3A_283 : memref<10240x64xf32, #tpu.memory_space<vmem_shared>>) offsets(%dma_start3A_280 : memref<128xi32, #tpu.memory_space<vmem>>) semaphore(%run_scoped3A : memref<!tpu.dma_semaphore, #tpu.memory_space<semaphore_mem>>) {add = true}
        %dma_wait3A_284 = arith.constant 0 : i32
        %dma_wait3A_285 = tpu.memref_slice %arg8[%add3A_266, %dma_wait3A_284] : memref<79x128xi32, #tpu.memory_space<vmem>> -> memref<1x128xi32, #tpu.memory_space<vmem>>
        %dma_wait3A_286 = tpu.memref_squeeze %dma_wait3A_285 : memref<1x128xi32, #tpu.memory_space<vmem>> -> memref<128xi32, #tpu.memory_space<vmem>>
        %dma_wait3A_287 = arith.constant 0 : i32
        %dma_wait3A_288 = arith.constant 0 : i32
        %dma_wait3A_289 = tpu.memref_slice %arg17[%dma_wait3A_287, %dma_wait3A_288] : memref<10240x64xf32, #tpu.memory_space<vmem_shared>> -> memref<10240x64xf32, #tpu.memory_space<vmem_shared>>
        tpu.wait_indirect_dma semaphore(%run_scoped3A : memref<!tpu.dma_semaphore, #tpu.memory_space<semaphore_mem>>) src(%arg12 : memref<128x64xf32, #tpu.memory_space<vmem>>) dst(%dma_wait3A_289 : memref<10240x64xf32, #tpu.memory_space<vmem_shared>>)
        tpu.yield
      }) : () -> ()
      %eq3A_273 = arith.constant 0 : i32
      %eq3A_274 = arith.cmpi eq, %arg0, %eq3A_273 : i32
      %convert_element_type3A_275 = arith.extui %eq3A_274 : i1 to i32
      %cond3A_276 = arith.constant 0 : i32
      %cond3A_277 = arith.cmpi ne, %convert_element_type3A_275, %cond3A_276 : i32
      scf.if %cond3A_277 {
        "tpu.region"() ({
          %run_scoped3A = tpu.sem_alloc : memref<!tpu.dma_semaphore, #tpu.memory_space<semaphore_mem>>
          %dma_start3A_278 = arith.constant 0 : i32
          %dma_start3A_279 = tpu.memref_slice %arg8[%add3A_266, %dma_start3A_278] : memref<79x128xi32, #tpu.memory_space<vmem>> -> memref<1x128xi32, #tpu.memory_space<vmem>>
          %dma_start3A_280 = tpu.memref_squeeze %dma_start3A_279 : memref<1x128xi32, #tpu.memory_space<vmem>> -> memref<128xi32, #tpu.memory_space<vmem>>
          %dma_start3A_281 = arith.constant 0 : i32
          %dma_start3A_282 = arith.constant 0 : i32
          %dma_start3A_283 = tpu.memref_slice %arg18[%dma_start3A_281, %dma_start3A_282] : memref<10240x16xf32, #tpu.memory_space<vmem_shared>> -> memref<10240x16xf32, #tpu.memory_space<vmem_shared>>
          tpu.enqueue_indirect_dma source(%arg14 : memref<128x16xf32, #tpu.memory_space<vmem>>) target(%dma_start3A_283 : memref<10240x16xf32, #tpu.memory_space<vmem_shared>>) offsets(%dma_start3A_280 : memref<128xi32, #tpu.memory_space<vmem>>) semaphore(%run_scoped3A : memref<!tpu.dma_semaphore, #tpu.memory_space<semaphore_mem>>) {add = true}
          %dma_wait3A_284 = arith.constant 0 : i32
          %dma_wait3A_285 = tpu.memref_slice %arg8[%add3A_266, %dma_wait3A_284] : memref<79x128xi32, #tpu.memory_space<vmem>> -> memref<1x128xi32, #tpu.memory_space<vmem>>
          %dma_wait3A_286 = tpu.memref_squeeze %dma_wait3A_285 : memref<1x128xi32, #tpu.memory_space<vmem>> -> memref<128xi32, #tpu.memory_space<vmem>>
          %dma_wait3A_287 = arith.constant 0 : i32
          %dma_wait3A_288 = arith.constant 0 : i32
          %dma_wait3A_289 = tpu.memref_slice %arg18[%dma_wait3A_287, %dma_wait3A_288] : memref<10240x16xf32, #tpu.memory_space<vmem_shared>> -> memref<10240x16xf32, #tpu.memory_space<vmem_shared>>
          tpu.wait_indirect_dma semaphore(%run_scoped3A : memref<!tpu.dma_semaphore, #tpu.memory_space<semaphore_mem>>) src(%arg14 : memref<128x16xf32, #tpu.memory_space<vmem>>) dst(%dma_wait3A_289 : memref<10240x16xf32, #tpu.memory_space<vmem_shared>>)
          tpu.yield
        }) : () -> ()
      } else {
      }
    } else {
    }
    %barrier3A_144 = arith.constant 0 : index
    tpu.barrier barrier_id(%barrier3A_144)
    %mul3A_145 = arith.constant 2 : i32
    %mul3A_146 = arith.muli %mul3A_145, %arg0 : i32
    %mul3A_147 = arith.constant 640 : i32
    %mul3A_148 = arith.muli %arg1, %mul3A_147 : i32
    %mul3A_149 = arith.constant 640 : i32
    %mul3A_150 = arith.muli %arg1, %mul3A_149 : i32
    %mul3A_151 = arith.constant 64 : i32
    %mul3A_152 = arith.muli %mul3A_146, %mul3A_151 : i32
    "tpu.region"() ({
      %run_scoped3A = tpu.sem_alloc : memref<!tpu.dma_semaphore, #tpu.memory_space<semaphore_mem>>
      %dma_start3A_263 = tpu.memref_slice %arg4[%mul3A_150, %mul3A_152] : memref<10240x256xf32, #tpu.memory_space<hbm>> -> memref<640x64xf32, #tpu.memory_space<hbm>>
      %dma_start3A_264 = arith.constant 0 : i32
      %dma_start3A_265 = tpu.memref_slice %arg17[%mul3A_148, %dma_start3A_264] : memref<10240x64xf32, #tpu.memory_space<vmem_shared>> -> memref<640x64xf32, #tpu.memory_space<vmem_shared>>
      tpu.enqueue_dma source(%dma_start3A_265 : memref<640x64xf32, #tpu.memory_space<vmem_shared>>) target(%dma_start3A_263 : memref<640x64xf32, #tpu.memory_space<hbm>>) target_semaphore(%run_scoped3A : memref<!tpu.dma_semaphore, #tpu.memory_space<semaphore_mem>>)
      %dma_wait3A_266 = tpu.memref_slice %arg4[%mul3A_150, %mul3A_152] : memref<10240x256xf32, #tpu.memory_space<hbm>> -> memref<640x64xf32, #tpu.memory_space<hbm>>
      %dma_wait3A_267 = arith.constant 0 : i32
      %dma_wait3A_268 = tpu.memref_slice %arg17[%mul3A_148, %dma_wait3A_267] : memref<10240x64xf32, #tpu.memory_space<vmem_shared>> -> memref<640x64xf32, #tpu.memory_space<vmem_shared>>
      tpu.wait_dma2 semaphore(%run_scoped3A : memref<!tpu.dma_semaphore, #tpu.memory_space<semaphore_mem>>) src(%dma_wait3A_268 : memref<640x64xf32, #tpu.memory_space<vmem_shared>>) dst(%dma_wait3A_266 : memref<640x64xf32, #tpu.memory_space<hbm>>)
      tpu.yield
    }) : () -> ()
    %eq3A_153 = arith.constant 0 : i32
    %eq3A_154 = arith.cmpi eq, %arg0, %eq3A_153 : i32
    %convert_element_type3A_155 = arith.extui %eq3A_154 : i1 to i32
    %cond3A_156 = arith.constant 0 : i32
    %cond3A_157 = arith.cmpi ne, %convert_element_type3A_155, %cond3A_156 : i32
    scf.if %cond3A_157 {
      %mul3A_263 = arith.constant 640 : i32
      %mul3A_264 = arith.muli %arg1, %mul3A_263 : i32
      %mul3A_265 = arith.constant 640 : i32
      %mul3A_266 = arith.muli %arg1, %mul3A_265 : i32
      "tpu.region"() ({
        %run_scoped3A = tpu.sem_alloc : memref<!tpu.dma_semaphore, #tpu.memory_space<semaphore_mem>>
        %dma_start3A_267 = arith.constant 0 : i32
        %dma_start3A_268 = tpu.memref_slice %arg5[%mul3A_266, %dma_start3A_267] : memref<10240x16xf32, #tpu.memory_space<hbm>> -> memref<640x16xf32, #tpu.memory_space<hbm>>
        %dma_start3A_269 = arith.constant 0 : i32
        %dma_start3A_270 = tpu.memref_slice %arg18[%mul3A_264, %dma_start3A_269] : memref<10240x16xf32, #tpu.memory_space<vmem_shared>> -> memref<640x16xf32, #tpu.memory_space<vmem_shared>>
        tpu.enqueue_dma source(%dma_start3A_270 : memref<640x16xf32, #tpu.memory_space<vmem_shared>>) target(%dma_start3A_268 : memref<640x16xf32, #tpu.memory_space<hbm>>) target_semaphore(%run_scoped3A : memref<!tpu.dma_semaphore, #tpu.memory_space<semaphore_mem>>)
        %dma_wait3A_271 = arith.constant 0 : i32
        %dma_wait3A_272 = tpu.memref_slice %arg5[%mul3A_266, %dma_wait3A_271] : memref<10240x16xf32, #tpu.memory_space<hbm>> -> memref<640x16xf32, #tpu.memory_space<hbm>>
        %dma_wait3A_273 = arith.constant 0 : i32
        %dma_wait3A_274 = tpu.memref_slice %arg18[%mul3A_264, %dma_wait3A_273] : memref<10240x16xf32, #tpu.memory_space<vmem_shared>> -> memref<640x16xf32, #tpu.memory_space<vmem_shared>>
        tpu.wait_dma2 semaphore(%run_scoped3A : memref<!tpu.dma_semaphore, #tpu.memory_space<semaphore_mem>>) src(%dma_wait3A_274 : memref<640x16xf32, #tpu.memory_space<vmem_shared>>) dst(%dma_wait3A_272 : memref<640x16xf32, #tpu.memory_space<hbm>>)
        tpu.yield
      }) : () -> ()
    } else {
    }
    %eq3A_158 = arith.constant 1 : i32
    %eq3A_159 = arith.cmpi eq, %arg0, %eq3A_158 : i32
    %convert_element_type3A_160 = arith.extui %eq3A_159 : i1 to i32
    %cond3A_161 = arith.constant 0 : i32
    %cond3A_162 = arith.cmpi ne, %convert_element_type3A_160, %cond3A_161 : i32
    scf.if %cond3A_162 {
      %mul3A_263 = arith.constant 640 : i32
      %mul3A_264 = arith.muli %arg1, %mul3A_263 : i32
      %mul3A_265 = arith.constant 640 : i32
      %mul3A_266 = arith.muli %arg1, %mul3A_265 : i32
      "tpu.region"() ({
        %run_scoped3A = tpu.sem_alloc : memref<!tpu.dma_semaphore, #tpu.memory_space<semaphore_mem>>
        %dma_start3A_267 = arith.constant 0 : i32
        %dma_start3A_268 = tpu.memref_slice %arg6[%mul3A_266, %dma_start3A_267] : memref<10240x16xf32, #tpu.memory_space<hbm>> -> memref<640x16xf32, #tpu.memory_space<hbm>>
        %dma_start3A_269 = arith.constant 0 : i32
        %dma_start3A_270 = tpu.memref_slice %arg18[%mul3A_264, %dma_start3A_269] : memref<10240x16xf32, #tpu.memory_space<vmem_shared>> -> memref<640x16xf32, #tpu.memory_space<vmem_shared>>
        tpu.enqueue_dma source(%dma_start3A_270 : memref<640x16xf32, #tpu.memory_space<vmem_shared>>) target(%dma_start3A_268 : memref<640x16xf32, #tpu.memory_space<hbm>>) target_semaphore(%run_scoped3A : memref<!tpu.dma_semaphore, #tpu.memory_space<semaphore_mem>>)
        %dma_wait3A_271 = arith.constant 0 : i32
        %dma_wait3A_272 = tpu.memref_slice %arg6[%mul3A_266, %dma_wait3A_271] : memref<10240x16xf32, #tpu.memory_space<hbm>> -> memref<640x16xf32, #tpu.memory_space<hbm>>
        %dma_wait3A_273 = arith.constant 0 : i32
        %dma_wait3A_274 = tpu.memref_slice %arg18[%mul3A_264, %dma_wait3A_273] : memref<10240x16xf32, #tpu.memory_space<vmem_shared>> -> memref<640x16xf32, #tpu.memory_space<vmem_shared>>
        tpu.wait_dma2 semaphore(%run_scoped3A : memref<!tpu.dma_semaphore, #tpu.memory_space<semaphore_mem>>) src(%dma_wait3A_274 : memref<640x16xf32, #tpu.memory_space<vmem_shared>>) dst(%dma_wait3A_272 : memref<640x16xf32, #tpu.memory_space<hbm>>)
        tpu.yield
      }) : () -> ()
    } else {
    }
    %scan3A_163 = arith.constant 0 : i32
    %scan3A_164 = arith.constant 0 : i32
    %scan3A_165 = arith.constant 20 : i32
    %scan3A_166 = arith.addi %scan3A_164, %scan3A_165 : i32
    %scan3A_167 = arith.constant 1 : i32
    %scan3A_168 = scf.for %scan3A_263 = %scan3A_164 to %scan3A_166 step %scan3A_167 iter_args(%scan3A_264 = %scan3A_163) -> (i32)  : i32 {
      %mul3A_265 = arith.constant 640 : i32
      %mul3A_266 = arith.muli %arg1, %mul3A_265 : i32
      %mul3A_267 = arith.constant 32 : i32
      %mul3A_268 = arith.muli %scan3A_263, %mul3A_267 : i32
      %add3A_269 = arith.addi %mul3A_266, %mul3A_268 : i32
      "tpu.region"() ({
        %run_scoped3A = tpu.sem_alloc : memref<!tpu.dma_semaphore, #tpu.memory_space<semaphore_mem>>
        %dma_start3A_271 = arith.constant 0 : i32
        %dma_start3A_272 = tpu.memref_slice %arg17[%add3A_269, %dma_start3A_271] : memref<10240x64xf32, #tpu.memory_space<vmem_shared>> -> memref<32x64xf32, #tpu.memory_space<vmem_shared>>
        %dma_start3A_273 = arith.constant 0 : i32
        %dma_start3A_274 = tpu.memref_slice %arg17[%add3A_269, %dma_start3A_273] : memref<10240x64xf32, #tpu.memory_space<vmem_shared>> -> memref<32x64xf32, #tpu.memory_space<vmem_shared>>
        tpu.enqueue_dma source(%arg15 : memref<32x64xf32, #tpu.memory_space<vmem>>) target(%dma_start3A_274 : memref<32x64xf32, #tpu.memory_space<vmem_shared>>) target_semaphore(%run_scoped3A : memref<!tpu.dma_semaphore, #tpu.memory_space<semaphore_mem>>)
        %dma_wait3A_275 = arith.constant 0 : i32
        %dma_wait3A_276 = tpu.memref_slice %arg17[%add3A_269, %dma_wait3A_275] : memref<10240x64xf32, #tpu.memory_space<vmem_shared>> -> memref<32x64xf32, #tpu.memory_space<vmem_shared>>
        %dma_wait3A_277 = arith.constant 0 : i32
        %dma_wait3A_278 = tpu.memref_slice %arg17[%add3A_269, %dma_wait3A_277] : memref<10240x64xf32, #tpu.memory_space<vmem_shared>> -> memref<32x64xf32, #tpu.memory_space<vmem_shared>>
        tpu.wait_dma2 semaphore(%run_scoped3A : memref<!tpu.dma_semaphore, #tpu.memory_space<semaphore_mem>>) src(%arg15 : memref<32x64xf32, #tpu.memory_space<vmem>>) dst(%dma_wait3A_278 : memref<32x64xf32, #tpu.memory_space<vmem_shared>>)
        tpu.yield
      }) : () -> ()
      %scan3A_270 = arith.constant 0 : i32
      scf.yield %scan3A_270 : i32
    }
    %scan3A_169 = arith.constant 20 : i32
    %barrier3A_170 = arith.constant 0 : index
    tpu.barrier barrier_id(%barrier3A_170)
    %mul3A_171 = arith.constant 2 : i32
    %mul3A_172 = arith.muli %mul3A_171, %arg0 : i32
    %add3A_173 = arith.constant 1 : i32
    %add3A_174 = arith.addi %mul3A_172, %add3A_173 : i32
    %while3A_175 = arith.constant 0 : i32
    %while3A_176 = arith.constant 0 : i32
    %while3A_177 = arith.subi %select_n3A, %while3A_175 : i32
    %while3A_178 = arith.addi %while3A_175, %while3A_177 : i32
    %while3A_179 = arith.constant 1 : i32
    %while3A_180 = arith.divsi %while3A_177, %while3A_179 : i32
    %while3A_181 = arith.muli %while3A_180, %while3A_179 : i32
    %while3A_182 = arith.addi %while3A_175, %while3A_181 : i32
    %while3A_183 = arith.constant 1 : i32
    %while3A_184 = scf.for %while3A_263 = %while3A_175 to %while3A_182 step %while3A_183 iter_args(%while3A_264 = %while3A_176) -> (i32)  : i32 {
      %get3A = arith.index_cast %while3A_263 : i32 to index
      %get3A_265 = arith.constant 0 : index
      %get3A_266 = tpu.vector_load %arg7[%get3A, %get3A_265] {strides = array<i32>} : memref<79x128xi32, #tpu.memory_space<vmem>>, vector<1x16xi32>,
      %get3A_267 = vector.shape_cast %get3A_266 : vector<1x16xi32> to vector<16xi32>
      %shift_left3A = arith.constant 2 : i32
      %shift_left3A_268 = vector.broadcast %shift_left3A : i32 to vector<16xi32>
      %shift_left3A_269 = arith.shli %get3A_267, %shift_left3A_268 : vector<16xi32>
      %add3A_270 = vector.broadcast %add3A_174 : i32 to vector<16xi32>
      %add3A_271 = arith.addi %shift_left3A_269, %add3A_270 : vector<16xi32>
      %swap3A = arith.index_cast %while3A_263 : i32 to index
      %swap3A_272 = arith.constant 0 : index
      %swap3A_273 = tpu.vector_load %arg9[%swap3A, %swap3A_272] {strides = array<i32>} : memref<79x128xi32, #tpu.memory_space<vmem>>, vector<1x16xi32>,
      %swap3A_274 = vector.shape_cast %swap3A_273 : vector<1x16xi32> to vector<16xi32>
      %swap3A_275 = vector.shape_cast %add3A_271 : vector<16xi32> to vector<1x16xi32>
      tpu.vector_store %arg9[%swap3A, %swap3A_272], %swap3A_275 {strides = array<i32>} : memref<79x128xi32, #tpu.memory_space<vmem>>, vector<1x16xi32>,
      %get3A_276 = arith.index_cast %while3A_263 : i32 to index
      %get3A_277 = arith.constant 16 : index
      %get3A_278 = tpu.vector_load %arg7[%get3A_276, %get3A_277] {strides = array<i32>} : memref<79x128xi32, #tpu.memory_space<vmem>>, vector<1x16xi32>,
      %get3A_279 = vector.shape_cast %get3A_278 : vector<1x16xi32> to vector<16xi32>
      %shift_left3A_280 = arith.constant 2 : i32
      %shift_left3A_281 = vector.broadcast %shift_left3A_280 : i32 to vector<16xi32>
      %shift_left3A_282 = arith.shli %get3A_279, %shift_left3A_281 : vector<16xi32>
      %add3A_283 = vector.broadcast %add3A_174 : i32 to vector<16xi32>
      %add3A_284 = arith.addi %shift_left3A_282, %add3A_283 : vector<16xi32>
      %swap3A_285 = arith.index_cast %while3A_263 : i32 to index
      %swap3A_286 = arith.constant 16 : index
      %swap3A_287 = tpu.vector_load %arg9[%swap3A_285, %swap3A_286] {strides = array<i32>} : memref<79x128xi32, #tpu.memory_space<vmem>>, vector<1x16xi32>,
      %swap3A_288 = vector.shape_cast %swap3A_287 : vector<1x16xi32> to vector<16xi32>
      %swap3A_289 = vector.shape_cast %add3A_284 : vector<16xi32> to vector<1x16xi32>
      tpu.vector_store %arg9[%swap3A_285, %swap3A_286], %swap3A_289 {strides = array<i32>} : memref<79x128xi32, #tpu.memory_space<vmem>>, vector<1x16xi32>,
      %get3A_290 = arith.index_cast %while3A_263 : i32 to index
      %get3A_291 = arith.constant 32 : index
      %get3A_292 = tpu.vector_load %arg7[%get3A_290, %get3A_291] {strides = array<i32>} : memref<79x128xi32, #tpu.memory_space<vmem>>, vector<1x16xi32>,
      %get3A_293 = vector.shape_cast %get3A_292 : vector<1x16xi32> to vector<16xi32>
      %shift_left3A_294 = arith.constant 2 : i32
      %shift_left3A_295 = vector.broadcast %shift_left3A_294 : i32 to vector<16xi32>
      %shift_left3A_296 = arith.shli %get3A_293, %shift_left3A_295 : vector<16xi32>
      %add3A_297 = vector.broadcast %add3A_174 : i32 to vector<16xi32>
      %add3A_298 = arith.addi %shift_left3A_296, %add3A_297 : vector<16xi32>
      %swap3A_299 = arith.index_cast %while3A_263 : i32 to index
      %swap3A_300 = arith.constant 32 : index
      %swap3A_301 = tpu.vector_load %arg9[%swap3A_299, %swap3A_300] {strides = array<i32>} : memref<79x128xi32, #tpu.memory_space<vmem>>, vector<1x16xi32>,
      %swap3A_302 = vector.shape_cast %swap3A_301 : vector<1x16xi32> to vector<16xi32>
      %swap3A_303 = vector.shape_cast %add3A_298 : vector<16xi32> to vector<1x16xi32>
      tpu.vector_store %arg9[%swap3A_299, %swap3A_300], %swap3A_303 {strides = array<i32>} : memref<79x128xi32, #tpu.memory_space<vmem>>, vector<1x16xi32>,
      %get3A_304 = arith.index_cast %while3A_263 : i32 to index
      %get3A_305 = arith.constant 48 : index
      %get3A_306 = tpu.vector_load %arg7[%get3A_304, %get3A_305] {strides = array<i32>} : memref<79x128xi32, #tpu.memory_space<vmem>>, vector<1x16xi32>,
      %get3A_307 = vector.shape_cast %get3A_306 : vector<1x16xi32> to vector<16xi32>
      %shift_left3A_308 = arith.constant 2 : i32
      %shift_left3A_309 = vector.broadcast %shift_left3A_308 : i32 to vector<16xi32>
      %shift_left3A_310 = arith.shli %get3A_307, %shift_left3A_309 : vector<16xi32>
      %add3A_311 = vector.broadcast %add3A_174 : i32 to vector<16xi32>
      %add3A_312 = arith.addi %shift_left3A_310, %add3A_311 : vector<16xi32>
      %swap3A_313 = arith.index_cast %while3A_263 : i32 to index
      %swap3A_314 = arith.constant 48 : index
      %swap3A_315 = tpu.vector_load %arg9[%swap3A_313, %swap3A_314] {strides = array<i32>} : memref<79x128xi32, #tpu.memory_space<vmem>>, vector<1x16xi32>,
      %swap3A_316 = vector.shape_cast %swap3A_315 : vector<1x16xi32> to vector<16xi32>
      %swap3A_317 = vector.shape_cast %add3A_312 : vector<16xi32> to vector<1x16xi32>
      tpu.vector_store %arg9[%swap3A_313, %swap3A_314], %swap3A_317 {strides = array<i32>} : memref<79x128xi32, #tpu.memory_space<vmem>>, vector<1x16xi32>,
      %get3A_318 = arith.index_cast %while3A_263 : i32 to index
      %get3A_319 = arith.constant 64 : index
      %get3A_320 = tpu.vector_load %arg7[%get3A_318, %get3A_319] {strides = array<i32>} : memref<79x128xi32, #tpu.memory_space<vmem>>, vector<1x16xi32>,
      %get3A_321 = vector.shape_cast %get3A_320 : vector<1x16xi32> to vector<16xi32>
      %shift_left3A_322 = arith.constant 2 : i32
      %shift_left3A_323 = vector.broadcast %shift_left3A_322 : i32 to vector<16xi32>
      %shift_left3A_324 = arith.shli %get3A_321, %shift_left3A_323 : vector<16xi32>
      %add3A_325 = vector.broadcast %add3A_174 : i32 to vector<16xi32>
      %add3A_326 = arith.addi %shift_left3A_324, %add3A_325 : vector<16xi32>
      %swap3A_327 = arith.index_cast %while3A_263 : i32 to index
      %swap3A_328 = arith.constant 64 : index
      %swap3A_329 = tpu.vector_load %arg9[%swap3A_327, %swap3A_328] {strides = array<i32>} : memref<79x128xi32, #tpu.memory_space<vmem>>, vector<1x16xi32>,
      %swap3A_330 = vector.shape_cast %swap3A_329 : vector<1x16xi32> to vector<16xi32>
      %swap3A_331 = vector.shape_cast %add3A_326 : vector<16xi32> to vector<1x16xi32>
      tpu.vector_store %arg9[%swap3A_327, %swap3A_328], %swap3A_331 {strides = array<i32>} : memref<79x128xi32, #tpu.memory_space<vmem>>, vector<1x16xi32>,
      %get3A_332 = arith.index_cast %while3A_263 : i32 to index
      %get3A_333 = arith.constant 80 : index
      %get3A_334 = tpu.vector_load %arg7[%get3A_332, %get3A_333] {strides = array<i32>} : memref<79x128xi32, #tpu.memory_space<vmem>>, vector<1x16xi32>,
      %get3A_335 = vector.shape_cast %get3A_334 : vector<1x16xi32> to vector<16xi32>
      %shift_left3A_336 = arith.constant 2 : i32
      %shift_left3A_337 = vector.broadcast %shift_left3A_336 : i32 to vector<16xi32>
      %shift_left3A_338 = arith.shli %get3A_335, %shift_left3A_337 : vector<16xi32>
      %add3A_339 = vector.broadcast %add3A_174 : i32 to vector<16xi32>
      %add3A_340 = arith.addi %shift_left3A_338, %add3A_339 : vector<16xi32>
      %swap3A_341 = arith.index_cast %while3A_263 : i32 to index
      %swap3A_342 = arith.constant 80 : index
      %swap3A_343 = tpu.vector_load %arg9[%swap3A_341, %swap3A_342] {strides = array<i32>} : memref<79x128xi32, #tpu.memory_space<vmem>>, vector<1x16xi32>,
      %swap3A_344 = vector.shape_cast %swap3A_343 : vector<1x16xi32> to vector<16xi32>
      %swap3A_345 = vector.shape_cast %add3A_340 : vector<16xi32> to vector<1x16xi32>
      tpu.vector_store %arg9[%swap3A_341, %swap3A_342], %swap3A_345 {strides = array<i32>} : memref<79x128xi32, #tpu.memory_space<vmem>>, vector<1x16xi32>,
      %get3A_346 = arith.index_cast %while3A_263 : i32 to index
      %get3A_347 = arith.constant 96 : index
      %get3A_348 = tpu.vector_load %arg7[%get3A_346, %get3A_347] {strides = array<i32>} : memref<79x128xi32, #tpu.memory_space<vmem>>, vector<1x16xi32>,
      %get3A_349 = vector.shape_cast %get3A_348 : vector<1x16xi32> to vector<16xi32>
      %shift_left3A_350 = arith.constant 2 : i32
      %shift_left3A_351 = vector.broadcast %shift_left3A_350 : i32 to vector<16xi32>
      %shift_left3A_352 = arith.shli %get3A_349, %shift_left3A_351 : vector<16xi32>
      %add3A_353 = vector.broadcast %add3A_174 : i32 to vector<16xi32>
      %add3A_354 = arith.addi %shift_left3A_352, %add3A_353 : vector<16xi32>
      %swap3A_355 = arith.index_cast %while3A_263 : i32 to index
      %swap3A_356 = arith.constant 96 : index
      %swap3A_357 = tpu.vector_load %arg9[%swap3A_355, %swap3A_356] {strides = array<i32>} : memref<79x128xi32, #tpu.memory_space<vmem>>, vector<1x16xi32>,
      %swap3A_358 = vector.shape_cast %swap3A_357 : vector<1x16xi32> to vector<16xi32>
      %swap3A_359 = vector.shape_cast %add3A_354 : vector<16xi32> to vector<1x16xi32>
      tpu.vector_store %arg9[%swap3A_355, %swap3A_356], %swap3A_359 {strides = array<i32>} : memref<79x128xi32, #tpu.memory_space<vmem>>, vector<1x16xi32>,
      %get3A_360 = arith.index_cast %while3A_263 : i32 to index
      %get3A_361 = arith.constant 112 : index
      %get3A_362 = tpu.vector_load %arg7[%get3A_360, %get3A_361] {strides = array<i32>} : memref<79x128xi32, #tpu.memory_space<vmem>>, vector<1x16xi32>,
      %get3A_363 = vector.shape_cast %get3A_362 : vector<1x16xi32> to vector<16xi32>
      %shift_left3A_364 = arith.constant 2 : i32
      %shift_left3A_365 = vector.broadcast %shift_left3A_364 : i32 to vector<16xi32>
      %shift_left3A_366 = arith.shli %get3A_363, %shift_left3A_365 : vector<16xi32>
      %add3A_367 = vector.broadcast %add3A_174 : i32 to vector<16xi32>
      %add3A_368 = arith.addi %shift_left3A_366, %add3A_367 : vector<16xi32>
      %swap3A_369 = arith.index_cast %while3A_263 : i32 to index
      %swap3A_370 = arith.constant 112 : index
      %swap3A_371 = tpu.vector_load %arg9[%swap3A_369, %swap3A_370] {strides = array<i32>} : memref<79x128xi32, #tpu.memory_space<vmem>>, vector<1x16xi32>,
      %swap3A_372 = vector.shape_cast %swap3A_371 : vector<1x16xi32> to vector<16xi32>
      %swap3A_373 = vector.shape_cast %add3A_368 : vector<16xi32> to vector<1x16xi32>
      tpu.vector_store %arg9[%swap3A_369, %swap3A_370], %swap3A_373 {strides = array<i32>} : memref<79x128xi32, #tpu.memory_space<vmem>>, vector<1x16xi32>,
      %while3A_374 = arith.constant 0 : i32
      scf.yield %while3A_374 : i32
    }
    %while3A_185 = arith.constant 1 : i32
    %while3A_186 = scf.for %while3A_263 = %while3A_182 to %while3A_178 step %while3A_185 iter_args(%while3A_264 = %while3A_184) -> (i32)  : i32 {
      %get3A = arith.index_cast %while3A_263 : i32 to index
      %get3A_265 = arith.constant 0 : index
      %get3A_266 = tpu.vector_load %arg7[%get3A, %get3A_265] {strides = array<i32>} : memref<79x128xi32, #tpu.memory_space<vmem>>, vector<1x16xi32>,
      %get3A_267 = vector.shape_cast %get3A_266 : vector<1x16xi32> to vector<16xi32>
      %shift_left3A = arith.constant 2 : i32
      %shift_left3A_268 = vector.broadcast %shift_left3A : i32 to vector<16xi32>
      %shift_left3A_269 = arith.shli %get3A_267, %shift_left3A_268 : vector<16xi32>
      %add3A_270 = vector.broadcast %add3A_174 : i32 to vector<16xi32>
      %add3A_271 = arith.addi %shift_left3A_269, %add3A_270 : vector<16xi32>
      %swap3A = arith.index_cast %while3A_263 : i32 to index
      %swap3A_272 = arith.constant 0 : index
      %swap3A_273 = tpu.vector_load %arg9[%swap3A, %swap3A_272] {strides = array<i32>} : memref<79x128xi32, #tpu.memory_space<vmem>>, vector<1x16xi32>,
      %swap3A_274 = vector.shape_cast %swap3A_273 : vector<1x16xi32> to vector<16xi32>
      %swap3A_275 = vector.shape_cast %add3A_271 : vector<16xi32> to vector<1x16xi32>
      tpu.vector_store %arg9[%swap3A, %swap3A_272], %swap3A_275 {strides = array<i32>} : memref<79x128xi32, #tpu.memory_space<vmem>>, vector<1x16xi32>,
      %get3A_276 = arith.index_cast %while3A_263 : i32 to index
      %get3A_277 = arith.constant 16 : index
      %get3A_278 = tpu.vector_load %arg7[%get3A_276, %get3A_277] {strides = array<i32>} : memref<79x128xi32, #tpu.memory_space<vmem>>, vector<1x16xi32>,
      %get3A_279 = vector.shape_cast %get3A_278 : vector<1x16xi32> to vector<16xi32>
      %shift_left3A_280 = arith.constant 2 : i32
      %shift_left3A_281 = vector.broadcast %shift_left3A_280 : i32 to vector<16xi32>
      %shift_left3A_282 = arith.shli %get3A_279, %shift_left3A_281 : vector<16xi32>
      %add3A_283 = vector.broadcast %add3A_174 : i32 to vector<16xi32>
      %add3A_284 = arith.addi %shift_left3A_282, %add3A_283 : vector<16xi32>
      %swap3A_285 = arith.index_cast %while3A_263 : i32 to index
      %swap3A_286 = arith.constant 16 : index
      %swap3A_287 = tpu.vector_load %arg9[%swap3A_285, %swap3A_286] {strides = array<i32>} : memref<79x128xi32, #tpu.memory_space<vmem>>, vector<1x16xi32>,
      %swap3A_288 = vector.shape_cast %swap3A_287 : vector<1x16xi32> to vector<16xi32>
      %swap3A_289 = vector.shape_cast %add3A_284 : vector<16xi32> to vector<1x16xi32>
      tpu.vector_store %arg9[%swap3A_285, %swap3A_286], %swap3A_289 {strides = array<i32>} : memref<79x128xi32, #tpu.memory_space<vmem>>, vector<1x16xi32>,
      %get3A_290 = arith.index_cast %while3A_263 : i32 to index
      %get3A_291 = arith.constant 32 : index
      %get3A_292 = tpu.vector_load %arg7[%get3A_290, %get3A_291] {strides = array<i32>} : memref<79x128xi32, #tpu.memory_space<vmem>>, vector<1x16xi32>,
      %get3A_293 = vector.shape_cast %get3A_292 : vector<1x16xi32> to vector<16xi32>
      %shift_left3A_294 = arith.constant 2 : i32
      %shift_left3A_295 = vector.broadcast %shift_left3A_294 : i32 to vector<16xi32>
      %shift_left3A_296 = arith.shli %get3A_293, %shift_left3A_295 : vector<16xi32>
      %add3A_297 = vector.broadcast %add3A_174 : i32 to vector<16xi32>
      %add3A_298 = arith.addi %shift_left3A_296, %add3A_297 : vector<16xi32>
      %swap3A_299 = arith.index_cast %while3A_263 : i32 to index
      %swap3A_300 = arith.constant 32 : index
      %swap3A_301 = tpu.vector_load %arg9[%swap3A_299, %swap3A_300] {strides = array<i32>} : memref<79x128xi32, #tpu.memory_space<vmem>>, vector<1x16xi32>,
      %swap3A_302 = vector.shape_cast %swap3A_301 : vector<1x16xi32> to vector<16xi32>
      %swap3A_303 = vector.shape_cast %add3A_298 : vector<16xi32> to vector<1x16xi32>
      tpu.vector_store %arg9[%swap3A_299, %swap3A_300], %swap3A_303 {strides = array<i32>} : memref<79x128xi32, #tpu.memory_space<vmem>>, vector<1x16xi32>,
      %get3A_304 = arith.index_cast %while3A_263 : i32 to index
      %get3A_305 = arith.constant 48 : index
      %get3A_306 = tpu.vector_load %arg7[%get3A_304, %get3A_305] {strides = array<i32>} : memref<79x128xi32, #tpu.memory_space<vmem>>, vector<1x16xi32>,
      %get3A_307 = vector.shape_cast %get3A_306 : vector<1x16xi32> to vector<16xi32>
      %shift_left3A_308 = arith.constant 2 : i32
      %shift_left3A_309 = vector.broadcast %shift_left3A_308 : i32 to vector<16xi32>
      %shift_left3A_310 = arith.shli %get3A_307, %shift_left3A_309 : vector<16xi32>
      %add3A_311 = vector.broadcast %add3A_174 : i32 to vector<16xi32>
      %add3A_312 = arith.addi %shift_left3A_310, %add3A_311 : vector<16xi32>
      %swap3A_313 = arith.index_cast %while3A_263 : i32 to index
      %swap3A_314 = arith.constant 48 : index
      %swap3A_315 = tpu.vector_load %arg9[%swap3A_313, %swap3A_314] {strides = array<i32>} : memref<79x128xi32, #tpu.memory_space<vmem>>, vector<1x16xi32>,
      %swap3A_316 = vector.shape_cast %swap3A_315 : vector<1x16xi32> to vector<16xi32>
      %swap3A_317 = vector.shape_cast %add3A_312 : vector<16xi32> to vector<1x16xi32>
      tpu.vector_store %arg9[%swap3A_313, %swap3A_314], %swap3A_317 {strides = array<i32>} : memref<79x128xi32, #tpu.memory_space<vmem>>, vector<1x16xi32>,
      %get3A_318 = arith.index_cast %while3A_263 : i32 to index
      %get3A_319 = arith.constant 64 : index
      %get3A_320 = tpu.vector_load %arg7[%get3A_318, %get3A_319] {strides = array<i32>} : memref<79x128xi32, #tpu.memory_space<vmem>>, vector<1x16xi32>,
      %get3A_321 = vector.shape_cast %get3A_320 : vector<1x16xi32> to vector<16xi32>
      %shift_left3A_322 = arith.constant 2 : i32
      %shift_left3A_323 = vector.broadcast %shift_left3A_322 : i32 to vector<16xi32>
      %shift_left3A_324 = arith.shli %get3A_321, %shift_left3A_323 : vector<16xi32>
      %add3A_325 = vector.broadcast %add3A_174 : i32 to vector<16xi32>
      %add3A_326 = arith.addi %shift_left3A_324, %add3A_325 : vector<16xi32>
      %swap3A_327 = arith.index_cast %while3A_263 : i32 to index
      %swap3A_328 = arith.constant 64 : index
      %swap3A_329 = tpu.vector_load %arg9[%swap3A_327, %swap3A_328] {strides = array<i32>} : memref<79x128xi32, #tpu.memory_space<vmem>>, vector<1x16xi32>,
      %swap3A_330 = vector.shape_cast %swap3A_329 : vector<1x16xi32> to vector<16xi32>
      %swap3A_331 = vector.shape_cast %add3A_326 : vector<16xi32> to vector<1x16xi32>
      tpu.vector_store %arg9[%swap3A_327, %swap3A_328], %swap3A_331 {strides = array<i32>} : memref<79x128xi32, #tpu.memory_space<vmem>>, vector<1x16xi32>,
      %get3A_332 = arith.index_cast %while3A_263 : i32 to index
      %get3A_333 = arith.constant 80 : index
      %get3A_334 = tpu.vector_load %arg7[%get3A_332, %get3A_333] {strides = array<i32>} : memref<79x128xi32, #tpu.memory_space<vmem>>, vector<1x16xi32>,
      %get3A_335 = vector.shape_cast %get3A_334 : vector<1x16xi32> to vector<16xi32>
      %shift_left3A_336 = arith.constant 2 : i32
      %shift_left3A_337 = vector.broadcast %shift_left3A_336 : i32 to vector<16xi32>
      %shift_left3A_338 = arith.shli %get3A_335, %shift_left3A_337 : vector<16xi32>
      %add3A_339 = vector.broadcast %add3A_174 : i32 to vector<16xi32>
      %add3A_340 = arith.addi %shift_left3A_338, %add3A_339 : vector<16xi32>
      %swap3A_341 = arith.index_cast %while3A_263 : i32 to index
      %swap3A_342 = arith.constant 80 : index
      %swap3A_343 = tpu.vector_load %arg9[%swap3A_341, %swap3A_342] {strides = array<i32>} : memref<79x128xi32, #tpu.memory_space<vmem>>, vector<1x16xi32>,
      %swap3A_344 = vector.shape_cast %swap3A_343 : vector<1x16xi32> to vector<16xi32>
      %swap3A_345 = vector.shape_cast %add3A_340 : vector<16xi32> to vector<1x16xi32>
      tpu.vector_store %arg9[%swap3A_341, %swap3A_342], %swap3A_345 {strides = array<i32>} : memref<79x128xi32, #tpu.memory_space<vmem>>, vector<1x16xi32>,
      %get3A_346 = arith.index_cast %while3A_263 : i32 to index
      %get3A_347 = arith.constant 96 : index
      %get3A_348 = tpu.vector_load %arg7[%get3A_346, %get3A_347] {strides = array<i32>} : memref<79x128xi32, #tpu.memory_space<vmem>>, vector<1x16xi32>,
      %get3A_349 = vector.shape_cast %get3A_348 : vector<1x16xi32> to vector<16xi32>
      %shift_left3A_350 = arith.constant 2 : i32
      %shift_left3A_351 = vector.broadcast %shift_left3A_350 : i32 to vector<16xi32>
      %shift_left3A_352 = arith.shli %get3A_349, %shift_left3A_351 : vector<16xi32>
      %add3A_353 = vector.broadcast %add3A_174 : i32 to vector<16xi32>
      %add3A_354 = arith.addi %shift_left3A_352, %add3A_353 : vector<16xi32>
      %swap3A_355 = arith.index_cast %while3A_263 : i32 to index
      %swap3A_356 = arith.constant 96 : index
      %swap3A_357 = tpu.vector_load %arg9[%swap3A_355, %swap3A_356] {strides = array<i32>} : memref<79x128xi32, #tpu.memory_space<vmem>>, vector<1x16xi32>,
      %swap3A_358 = vector.shape_cast %swap3A_357 : vector<1x16xi32> to vector<16xi32>
      %swap3A_359 = vector.shape_cast %add3A_354 : vector<16xi32> to vector<1x16xi32>
      tpu.vector_store %arg9[%swap3A_355, %swap3A_356], %swap3A_359 {strides = array<i32>} : memref<79x128xi32, #tpu.memory_space<vmem>>, vector<1x16xi32>,
      %get3A_360 = arith.index_cast %while3A_263 : i32 to index
      %get3A_361 = arith.constant 112 : index
      %get3A_362 = tpu.vector_load %arg7[%get3A_360, %get3A_361] {strides = array<i32>} : memref<79x128xi32, #tpu.memory_space<vmem>>, vector<1x16xi32>,
      %get3A_363 = vector.shape_cast %get3A_362 : vector<1x16xi32> to vector<16xi32>
      %shift_left3A_364 = arith.constant 2 : i32
      %shift_left3A_365 = vector.broadcast %shift_left3A_364 : i32 to vector<16xi32>
      %shift_left3A_366 = arith.shli %get3A_363, %shift_left3A_365 : vector<16xi32>
      %add3A_367 = vector.broadcast %add3A_174 : i32 to vector<16xi32>
      %add3A_368 = arith.addi %shift_left3A_366, %add3A_367 : vector<16xi32>
      %swap3A_369 = arith.index_cast %while3A_263 : i32 to index
      %swap3A_370 = arith.constant 112 : index
      %swap3A_371 = tpu.vector_load %arg9[%swap3A_369, %swap3A_370] {strides = array<i32>} : memref<79x128xi32, #tpu.memory_space<vmem>>, vector<1x16xi32>,
      %swap3A_372 = vector.shape_cast %swap3A_371 : vector<1x16xi32> to vector<16xi32>
      %swap3A_373 = vector.shape_cast %add3A_368 : vector<16xi32> to vector<1x16xi32>
      tpu.vector_store %arg9[%swap3A_369, %swap3A_370], %swap3A_373 {strides = array<i32>} : memref<79x128xi32, #tpu.memory_space<vmem>>, vector<1x16xi32>,
      %while3A_374 = arith.constant 0 : i32
      scf.yield %while3A_374 : i32
    }
    %dma_start3A_187 = arith.constant 0 : i32
    %dma_start3A_188 = arith.constant 0 : i32
    %dma_start3A_189 = tpu.memref_slice %arg9[%dma_start3A_187, %dma_start3A_188] : memref<79x128xi32, #tpu.memory_space<vmem>> -> memref<1x128xi32, #tpu.memory_space<vmem>>
    %dma_start3A_190 = tpu.memref_squeeze %dma_start3A_189 : memref<1x128xi32, #tpu.memory_space<vmem>> -> memref<128xi32, #tpu.memory_space<vmem>>
    %dma_start3A_191 = arith.constant 0 : i32
    %dma_start3A_192 = arith.constant 0 : i32
    %dma_start3A_193 = tpu.memref_slice %arg2[%dma_start3A_191, %dma_start3A_192] : memref<40000x64xf32, #tpu.memory_space<hbm>> -> memref<40000x64xf32, #tpu.memory_space<hbm>>
    tpu.enqueue_indirect_dma source(%dma_start3A_193 : memref<40000x64xf32, #tpu.memory_space<hbm>>) target(%arg10 : memref<128x64xf32, #tpu.memory_space<vmem>>) offsets(%dma_start3A_190 : memref<128xi32, #tpu.memory_space<vmem>>) semaphore(%arg19 : memref<!tpu.dma_semaphore, #tpu.memory_space<semaphore_mem>>)
    %dma_start3A_194 = arith.constant 1 : i32
    %dma_start3A_195 = arith.constant 0 : i32
    %dma_start3A_196 = tpu.memref_slice %arg9[%dma_start3A_194, %dma_start3A_195] : memref<79x128xi32, #tpu.memory_space<vmem>> -> memref<1x128xi32, #tpu.memory_space<vmem>>
    %dma_start3A_197 = tpu.memref_squeeze %dma_start3A_196 : memref<1x128xi32, #tpu.memory_space<vmem>> -> memref<128xi32, #tpu.memory_space<vmem>>
    %dma_start3A_198 = arith.constant 0 : i32
    %dma_start3A_199 = arith.constant 0 : i32
    %dma_start3A_200 = tpu.memref_slice %arg2[%dma_start3A_198, %dma_start3A_199] : memref<40000x64xf32, #tpu.memory_space<hbm>> -> memref<40000x64xf32, #tpu.memory_space<hbm>>
    tpu.enqueue_indirect_dma source(%dma_start3A_200 : memref<40000x64xf32, #tpu.memory_space<hbm>>) target(%arg11 : memref<128x64xf32, #tpu.memory_space<vmem>>) offsets(%dma_start3A_197 : memref<128xi32, #tpu.memory_space<vmem>>) semaphore(%arg20 : memref<!tpu.dma_semaphore, #tpu.memory_space<semaphore_mem>>)
    %dma_start3A_201 = arith.constant 2 : i32
    %dma_start3A_202 = arith.constant 0 : i32
    %dma_start3A_203 = tpu.memref_slice %arg9[%dma_start3A_201, %dma_start3A_202] : memref<79x128xi32, #tpu.memory_space<vmem>> -> memref<1x128xi32, #tpu.memory_space<vmem>>
    %dma_start3A_204 = tpu.memref_squeeze %dma_start3A_203 : memref<1x128xi32, #tpu.memory_space<vmem>> -> memref<128xi32, #tpu.memory_space<vmem>>
    %dma_start3A_205 = arith.constant 0 : i32
    %dma_start3A_206 = arith.constant 0 : i32
    %dma_start3A_207 = tpu.memref_slice %arg2[%dma_start3A_205, %dma_start3A_206] : memref<40000x64xf32, #tpu.memory_space<hbm>> -> memref<40000x64xf32, #tpu.memory_space<hbm>>
    tpu.enqueue_indirect_dma source(%dma_start3A_207 : memref<40000x64xf32, #tpu.memory_space<hbm>>) target(%arg12 : memref<128x64xf32, #tpu.memory_space<vmem>>) offsets(%dma_start3A_204 : memref<128xi32, #tpu.memory_space<vmem>>) semaphore(%arg21 : memref<!tpu.dma_semaphore, #tpu.memory_space<semaphore_mem>>)
    %dma_start3A_208 = arith.constant 3 : i32
    %dma_start3A_209 = arith.constant 0 : i32
    %dma_start3A_210 = tpu.memref_slice %arg9[%dma_start3A_208, %dma_start3A_209] : memref<79x128xi32, #tpu.memory_space<vmem>> -> memref<1x128xi32, #tpu.memory_space<vmem>>
    %dma_start3A_211 = tpu.memref_squeeze %dma_start3A_210 : memref<1x128xi32, #tpu.memory_space<vmem>> -> memref<128xi32, #tpu.memory_space<vmem>>
    %dma_start3A_212 = arith.constant 0 : i32
    %dma_start3A_213 = arith.constant 0 : i32
    %dma_start3A_214 = tpu.memref_slice %arg2[%dma_start3A_212, %dma_start3A_213] : memref<40000x64xf32, #tpu.memory_space<hbm>> -> memref<40000x64xf32, #tpu.memory_space<hbm>>
    tpu.enqueue_indirect_dma source(%dma_start3A_214 : memref<40000x64xf32, #tpu.memory_space<hbm>>) target(%arg13 : memref<128x64xf32, #tpu.memory_space<vmem>>) offsets(%dma_start3A_211 : memref<128xi32, #tpu.memory_space<vmem>>) semaphore(%arg22 : memref<!tpu.dma_semaphore, #tpu.memory_space<semaphore_mem>>)
    %barrier3A_215 = arith.constant 0 : index
    tpu.barrier barrier_id(%barrier3A_215)
    %while3A_216 = arith.constant 0 : i32
    %while3A_217 = arith.constant 0 : i32
    %while3A_218 = arith.subi %select_n3A_19, %while3A_216 : i32
    %while3A_219 = arith.addi %while3A_216, %while3A_218 : i32
    %while3A_220 = arith.constant 1 : i32
    %while3A_221 = arith.divsi %while3A_218, %while3A_220 : i32
    %while3A_222 = arith.muli %while3A_221, %while3A_220 : i32
    %while3A_223 = arith.addi %while3A_216, %while3A_222 : i32
    %while3A_224 = arith.constant 1 : i32
    %while3A_225 = scf.for %while3A_263 = %while3A_216 to %while3A_223 step %while3A_224 iter_args(%while3A_264 = %while3A_217) -> (i32)  : i32 {
      %mul3A_265 = arith.constant 4 : i32
      %mul3A_266 = arith.muli %mul3A_265, %while3A_263 : i32
      %add3A_267 = arith.constant 0 : i32
      %add3A_268 = arith.addi %mul3A_266, %add3A_267 : i32
      %dma_wait3A_269 = arith.constant 0 : i32
      %dma_wait3A_270 = tpu.memref_slice %arg9[%add3A_268, %dma_wait3A_269] : memref<79x128xi32, #tpu.memory_space<vmem>> -> memref<1x128xi32, #tpu.memory_space<vmem>>
      %dma_wait3A_271 = tpu.memref_squeeze %dma_wait3A_270 : memref<1x128xi32, #tpu.memory_space<vmem>> -> memref<128xi32, #tpu.memory_space<vmem>>
      %dma_wait3A_272 = arith.constant 0 : i32
      %dma_wait3A_273 = arith.constant 0 : i32
      %dma_wait3A_274 = tpu.memref_slice %arg2[%dma_wait3A_272, %dma_wait3A_273] : memref<40000x64xf32, #tpu.memory_space<hbm>> -> memref<40000x64xf32, #tpu.memory_space<hbm>>
      tpu.wait_indirect_dma semaphore(%arg19 : memref<!tpu.dma_semaphore, #tpu.memory_space<semaphore_mem>>) src(%dma_wait3A_274 : memref<40000x64xf32, #tpu.memory_space<hbm>>) dst(%arg10 : memref<128x64xf32, #tpu.memory_space<vmem>>)
      %dma_start3A_275 = arith.constant 0 : i32
      %dma_start3A_276 = tpu.memref_slice %arg8[%add3A_268, %dma_start3A_275] : memref<79x128xi32, #tpu.memory_space<vmem>> -> memref<1x128xi32, #tpu.memory_space<vmem>>
      %dma_start3A_277 = tpu.memref_squeeze %dma_start3A_276 : memref<1x128xi32, #tpu.memory_space<vmem>> -> memref<128xi32, #tpu.memory_space<vmem>>
      %dma_start3A_278 = arith.constant 0 : i32
      %dma_start3A_279 = arith.constant 0 : i32
      %dma_start3A_280 = tpu.memref_slice %arg17[%dma_start3A_278, %dma_start3A_279] : memref<10240x64xf32, #tpu.memory_space<vmem_shared>> -> memref<10240x64xf32, #tpu.memory_space<vmem_shared>>
      tpu.enqueue_indirect_dma source(%arg10 : memref<128x64xf32, #tpu.memory_space<vmem>>) target(%dma_start3A_280 : memref<10240x64xf32, #tpu.memory_space<vmem_shared>>) offsets(%dma_start3A_277 : memref<128xi32, #tpu.memory_space<vmem>>) semaphore(%arg23 : memref<!tpu.dma_semaphore, #tpu.memory_space<semaphore_mem>>) {add = true}
      %add3A_281 = arith.constant 1 : i32
      %add3A_282 = arith.addi %mul3A_266, %add3A_281 : i32
      %dma_wait3A_283 = arith.constant 0 : i32
      %dma_wait3A_284 = tpu.memref_slice %arg9[%add3A_282, %dma_wait3A_283] : memref<79x128xi32, #tpu.memory_space<vmem>> -> memref<1x128xi32, #tpu.memory_space<vmem>>
      %dma_wait3A_285 = tpu.memref_squeeze %dma_wait3A_284 : memref<1x128xi32, #tpu.memory_space<vmem>> -> memref<128xi32, #tpu.memory_space<vmem>>
      %dma_wait3A_286 = arith.constant 0 : i32
      %dma_wait3A_287 = arith.constant 0 : i32
      %dma_wait3A_288 = tpu.memref_slice %arg2[%dma_wait3A_286, %dma_wait3A_287] : memref<40000x64xf32, #tpu.memory_space<hbm>> -> memref<40000x64xf32, #tpu.memory_space<hbm>>
      tpu.wait_indirect_dma semaphore(%arg20 : memref<!tpu.dma_semaphore, #tpu.memory_space<semaphore_mem>>) src(%dma_wait3A_288 : memref<40000x64xf32, #tpu.memory_space<hbm>>) dst(%arg11 : memref<128x64xf32, #tpu.memory_space<vmem>>)
      %dma_start3A_289 = arith.constant 0 : i32
      %dma_start3A_290 = tpu.memref_slice %arg8[%add3A_282, %dma_start3A_289] : memref<79x128xi32, #tpu.memory_space<vmem>> -> memref<1x128xi32, #tpu.memory_space<vmem>>
      %dma_start3A_291 = tpu.memref_squeeze %dma_start3A_290 : memref<1x128xi32, #tpu.memory_space<vmem>> -> memref<128xi32, #tpu.memory_space<vmem>>
      %dma_start3A_292 = arith.constant 0 : i32
      %dma_start3A_293 = arith.constant 0 : i32
      %dma_start3A_294 = tpu.memref_slice %arg17[%dma_start3A_292, %dma_start3A_293] : memref<10240x64xf32, #tpu.memory_space<vmem_shared>> -> memref<10240x64xf32, #tpu.memory_space<vmem_shared>>
      tpu.enqueue_indirect_dma source(%arg11 : memref<128x64xf32, #tpu.memory_space<vmem>>) target(%dma_start3A_294 : memref<10240x64xf32, #tpu.memory_space<vmem_shared>>) offsets(%dma_start3A_291 : memref<128xi32, #tpu.memory_space<vmem>>) semaphore(%arg24 : memref<!tpu.dma_semaphore, #tpu.memory_space<semaphore_mem>>) {add = true}
      %add3A_295 = arith.constant 2 : i32
      %add3A_296 = arith.addi %mul3A_266, %add3A_295 : i32
      %dma_wait3A_297 = arith.constant 0 : i32
      %dma_wait3A_298 = tpu.memref_slice %arg9[%add3A_296, %dma_wait3A_297] : memref<79x128xi32, #tpu.memory_space<vmem>> -> memref<1x128xi32, #tpu.memory_space<vmem>>
      %dma_wait3A_299 = tpu.memref_squeeze %dma_wait3A_298 : memref<1x128xi32, #tpu.memory_space<vmem>> -> memref<128xi32, #tpu.memory_space<vmem>>
      %dma_wait3A_300 = arith.constant 0 : i32
      %dma_wait3A_301 = arith.constant 0 : i32
      %dma_wait3A_302 = tpu.memref_slice %arg2[%dma_wait3A_300, %dma_wait3A_301] : memref<40000x64xf32, #tpu.memory_space<hbm>> -> memref<40000x64xf32, #tpu.memory_space<hbm>>
      tpu.wait_indirect_dma semaphore(%arg21 : memref<!tpu.dma_semaphore, #tpu.memory_space<semaphore_mem>>) src(%dma_wait3A_302 : memref<40000x64xf32, #tpu.memory_space<hbm>>) dst(%arg12 : memref<128x64xf32, #tpu.memory_space<vmem>>)
      %dma_start3A_303 = arith.constant 0 : i32
      %dma_start3A_304 = tpu.memref_slice %arg8[%add3A_296, %dma_start3A_303] : memref<79x128xi32, #tpu.memory_space<vmem>> -> memref<1x128xi32, #tpu.memory_space<vmem>>
      %dma_start3A_305 = tpu.memref_squeeze %dma_start3A_304 : memref<1x128xi32, #tpu.memory_space<vmem>> -> memref<128xi32, #tpu.memory_space<vmem>>
      %dma_start3A_306 = arith.constant 0 : i32
      %dma_start3A_307 = arith.constant 0 : i32
      %dma_start3A_308 = tpu.memref_slice %arg17[%dma_start3A_306, %dma_start3A_307] : memref<10240x64xf32, #tpu.memory_space<vmem_shared>> -> memref<10240x64xf32, #tpu.memory_space<vmem_shared>>
      tpu.enqueue_indirect_dma source(%arg12 : memref<128x64xf32, #tpu.memory_space<vmem>>) target(%dma_start3A_308 : memref<10240x64xf32, #tpu.memory_space<vmem_shared>>) offsets(%dma_start3A_305 : memref<128xi32, #tpu.memory_space<vmem>>) semaphore(%arg25 : memref<!tpu.dma_semaphore, #tpu.memory_space<semaphore_mem>>) {add = true}
      %add3A_309 = arith.constant 3 : i32
      %add3A_310 = arith.addi %mul3A_266, %add3A_309 : i32
      %dma_wait3A_311 = arith.constant 0 : i32
      %dma_wait3A_312 = tpu.memref_slice %arg9[%add3A_310, %dma_wait3A_311] : memref<79x128xi32, #tpu.memory_space<vmem>> -> memref<1x128xi32, #tpu.memory_space<vmem>>
      %dma_wait3A_313 = tpu.memref_squeeze %dma_wait3A_312 : memref<1x128xi32, #tpu.memory_space<vmem>> -> memref<128xi32, #tpu.memory_space<vmem>>
      %dma_wait3A_314 = arith.constant 0 : i32
      %dma_wait3A_315 = arith.constant 0 : i32
      %dma_wait3A_316 = tpu.memref_slice %arg2[%dma_wait3A_314, %dma_wait3A_315] : memref<40000x64xf32, #tpu.memory_space<hbm>> -> memref<40000x64xf32, #tpu.memory_space<hbm>>
      tpu.wait_indirect_dma semaphore(%arg22 : memref<!tpu.dma_semaphore, #tpu.memory_space<semaphore_mem>>) src(%dma_wait3A_316 : memref<40000x64xf32, #tpu.memory_space<hbm>>) dst(%arg13 : memref<128x64xf32, #tpu.memory_space<vmem>>)
      %dma_start3A_317 = arith.constant 0 : i32
      %dma_start3A_318 = tpu.memref_slice %arg8[%add3A_310, %dma_start3A_317] : memref<79x128xi32, #tpu.memory_space<vmem>> -> memref<1x128xi32, #tpu.memory_space<vmem>>
      %dma_start3A_319 = tpu.memref_squeeze %dma_start3A_318 : memref<1x128xi32, #tpu.memory_space<vmem>> -> memref<128xi32, #tpu.memory_space<vmem>>
      %dma_start3A_320 = arith.constant 0 : i32
      %dma_start3A_321 = arith.constant 0 : i32
      %dma_start3A_322 = tpu.memref_slice %arg17[%dma_start3A_320, %dma_start3A_321] : memref<10240x64xf32, #tpu.memory_space<vmem_shared>> -> memref<10240x64xf32, #tpu.memory_space<vmem_shared>>
      tpu.enqueue_indirect_dma source(%arg13 : memref<128x64xf32, #tpu.memory_space<vmem>>) target(%dma_start3A_322 : memref<10240x64xf32, #tpu.memory_space<vmem_shared>>) offsets(%dma_start3A_319 : memref<128xi32, #tpu.memory_space<vmem>>) semaphore(%arg26 : memref<!tpu.dma_semaphore, #tpu.memory_space<semaphore_mem>>) {add = true}
      %add3A_323 = arith.constant 0 : i32
      %add3A_324 = arith.addi %mul3A_266, %add3A_323 : i32
      %dma_wait3A_325 = arith.constant 0 : i32
      %dma_wait3A_326 = tpu.memref_slice %arg8[%add3A_324, %dma_wait3A_325] : memref<79x128xi32, #tpu.memory_space<vmem>> -> memref<1x128xi32, #tpu.memory_space<vmem>>
      %dma_wait3A_327 = tpu.memref_squeeze %dma_wait3A_326 : memref<1x128xi32, #tpu.memory_space<vmem>> -> memref<128xi32, #tpu.memory_space<vmem>>
      %dma_wait3A_328 = arith.constant 0 : i32
      %dma_wait3A_329 = arith.constant 0 : i32
      %dma_wait3A_330 = tpu.memref_slice %arg17[%dma_wait3A_328, %dma_wait3A_329] : memref<10240x64xf32, #tpu.memory_space<vmem_shared>> -> memref<10240x64xf32, #tpu.memory_space<vmem_shared>>
      tpu.wait_indirect_dma semaphore(%arg23 : memref<!tpu.dma_semaphore, #tpu.memory_space<semaphore_mem>>) src(%arg10 : memref<128x64xf32, #tpu.memory_space<vmem>>) dst(%dma_wait3A_330 : memref<10240x64xf32, #tpu.memory_space<vmem_shared>>)
      %add3A_331 = arith.constant 4 : i32
      %add3A_332 = arith.addi %add3A_324, %add3A_331 : i32
      %lt3A_333 = arith.cmpi slt, %add3A_332, %select_n3A : i32
      %convert_element_type3A_334 = arith.extui %lt3A_333 : i1 to i32
      %cond3A_335 = arith.constant 0 : i32
      %cond3A_336 = arith.cmpi ne, %convert_element_type3A_334, %cond3A_335 : i32
      scf.if %cond3A_336 {
        %add3A_380 = arith.constant 4 : i32
        %add3A_381 = arith.addi %add3A_324, %add3A_380 : i32
        %dma_start3A_382 = arith.constant 0 : i32
        %dma_start3A_383 = tpu.memref_slice %arg9[%add3A_381, %dma_start3A_382] : memref<79x128xi32, #tpu.memory_space<vmem>> -> memref<1x128xi32, #tpu.memory_space<vmem>>
        %dma_start3A_384 = tpu.memref_squeeze %dma_start3A_383 : memref<1x128xi32, #tpu.memory_space<vmem>> -> memref<128xi32, #tpu.memory_space<vmem>>
        %dma_start3A_385 = arith.constant 0 : i32
        %dma_start3A_386 = arith.constant 0 : i32
        %dma_start3A_387 = tpu.memref_slice %arg2[%dma_start3A_385, %dma_start3A_386] : memref<40000x64xf32, #tpu.memory_space<hbm>> -> memref<40000x64xf32, #tpu.memory_space<hbm>>
        tpu.enqueue_indirect_dma source(%dma_start3A_387 : memref<40000x64xf32, #tpu.memory_space<hbm>>) target(%arg10 : memref<128x64xf32, #tpu.memory_space<vmem>>) offsets(%dma_start3A_384 : memref<128xi32, #tpu.memory_space<vmem>>) semaphore(%arg19 : memref<!tpu.dma_semaphore, #tpu.memory_space<semaphore_mem>>)
      } else {
      }
      %add3A_337 = arith.constant 1 : i32
      %add3A_338 = arith.addi %mul3A_266, %add3A_337 : i32
      %dma_wait3A_339 = arith.constant 0 : i32
      %dma_wait3A_340 = tpu.memref_slice %arg8[%add3A_338, %dma_wait3A_339] : memref<79x128xi32, #tpu.memory_space<vmem>> -> memref<1x128xi32, #tpu.memory_space<vmem>>
      %dma_wait3A_341 = tpu.memref_squeeze %dma_wait3A_340 : memref<1x128xi32, #tpu.memory_space<vmem>> -> memref<128xi32, #tpu.memory_space<vmem>>
      %dma_wait3A_342 = arith.constant 0 : i32
      %dma_wait3A_343 = arith.constant 0 : i32
      %dma_wait3A_344 = tpu.memref_slice %arg17[%dma_wait3A_342, %dma_wait3A_343] : memref<10240x64xf32, #tpu.memory_space<vmem_shared>> -> memref<10240x64xf32, #tpu.memory_space<vmem_shared>>
      tpu.wait_indirect_dma semaphore(%arg24 : memref<!tpu.dma_semaphore, #tpu.memory_space<semaphore_mem>>) src(%arg11 : memref<128x64xf32, #tpu.memory_space<vmem>>) dst(%dma_wait3A_344 : memref<10240x64xf32, #tpu.memory_space<vmem_shared>>)
      %add3A_345 = arith.constant 4 : i32
      %add3A_346 = arith.addi %add3A_338, %add3A_345 : i32
      %lt3A_347 = arith.cmpi slt, %add3A_346, %select_n3A : i32
      %convert_element_type3A_348 = arith.extui %lt3A_347 : i1 to i32
      %cond3A_349 = arith.constant 0 : i32
      %cond3A_350 = arith.cmpi ne, %convert_element_type3A_348, %cond3A_349 : i32
      scf.if %cond3A_350 {
        %add3A_380 = arith.constant 4 : i32
        %add3A_381 = arith.addi %add3A_338, %add3A_380 : i32
        %dma_start3A_382 = arith.constant 0 : i32
        %dma_start3A_383 = tpu.memref_slice %arg9[%add3A_381, %dma_start3A_382] : memref<79x128xi32, #tpu.memory_space<vmem>> -> memref<1x128xi32, #tpu.memory_space<vmem>>
        %dma_start3A_384 = tpu.memref_squeeze %dma_start3A_383 : memref<1x128xi32, #tpu.memory_space<vmem>> -> memref<128xi32, #tpu.memory_space<vmem>>
        %dma_start3A_385 = arith.constant 0 : i32
        %dma_start3A_386 = arith.constant 0 : i32
        %dma_start3A_387 = tpu.memref_slice %arg2[%dma_start3A_385, %dma_start3A_386] : memref<40000x64xf32, #tpu.memory_space<hbm>> -> memref<40000x64xf32, #tpu.memory_space<hbm>>
        tpu.enqueue_indirect_dma source(%dma_start3A_387 : memref<40000x64xf32, #tpu.memory_space<hbm>>) target(%arg11 : memref<128x64xf32, #tpu.memory_space<vmem>>) offsets(%dma_start3A_384 : memref<128xi32, #tpu.memory_space<vmem>>) semaphore(%arg20 : memref<!tpu.dma_semaphore, #tpu.memory_space<semaphore_mem>>)
      } else {
      }
      %add3A_351 = arith.constant 2 : i32
      %add3A_352 = arith.addi %mul3A_266, %add3A_351 : i32
      %dma_wait3A_353 = arith.constant 0 : i32
      %dma_wait3A_354 = tpu.memref_slice %arg8[%add3A_352, %dma_wait3A_353] : memref<79x128xi32, #tpu.memory_space<vmem>> -> memref<1x128xi32, #tpu.memory_space<vmem>>
      %dma_wait3A_355 = tpu.memref_squeeze %dma_wait3A_354 : memref<1x128xi32, #tpu.memory_space<vmem>> -> memref<128xi32, #tpu.memory_space<vmem>>
      %dma_wait3A_356 = arith.constant 0 : i32
      %dma_wait3A_357 = arith.constant 0 : i32
      %dma_wait3A_358 = tpu.memref_slice %arg17[%dma_wait3A_356, %dma_wait3A_357] : memref<10240x64xf32, #tpu.memory_space<vmem_shared>> -> memref<10240x64xf32, #tpu.memory_space<vmem_shared>>
      tpu.wait_indirect_dma semaphore(%arg25 : memref<!tpu.dma_semaphore, #tpu.memory_space<semaphore_mem>>) src(%arg12 : memref<128x64xf32, #tpu.memory_space<vmem>>) dst(%dma_wait3A_358 : memref<10240x64xf32, #tpu.memory_space<vmem_shared>>)
      %add3A_359 = arith.constant 4 : i32
      %add3A_360 = arith.addi %add3A_352, %add3A_359 : i32
      %lt3A_361 = arith.cmpi slt, %add3A_360, %select_n3A : i32
      %convert_element_type3A_362 = arith.extui %lt3A_361 : i1 to i32
      %cond3A_363 = arith.constant 0 : i32
      %cond3A_364 = arith.cmpi ne, %convert_element_type3A_362, %cond3A_363 : i32
      scf.if %cond3A_364 {
        %add3A_380 = arith.constant 4 : i32
        %add3A_381 = arith.addi %add3A_352, %add3A_380 : i32
        %dma_start3A_382 = arith.constant 0 : i32
        %dma_start3A_383 = tpu.memref_slice %arg9[%add3A_381, %dma_start3A_382] : memref<79x128xi32, #tpu.memory_space<vmem>> -> memref<1x128xi32, #tpu.memory_space<vmem>>
        %dma_start3A_384 = tpu.memref_squeeze %dma_start3A_383 : memref<1x128xi32, #tpu.memory_space<vmem>> -> memref<128xi32, #tpu.memory_space<vmem>>
        %dma_start3A_385 = arith.constant 0 : i32
        %dma_start3A_386 = arith.constant 0 : i32
        %dma_start3A_387 = tpu.memref_slice %arg2[%dma_start3A_385, %dma_start3A_386] : memref<40000x64xf32, #tpu.memory_space<hbm>> -> memref<40000x64xf32, #tpu.memory_space<hbm>>
        tpu.enqueue_indirect_dma source(%dma_start3A_387 : memref<40000x64xf32, #tpu.memory_space<hbm>>) target(%arg12 : memref<128x64xf32, #tpu.memory_space<vmem>>) offsets(%dma_start3A_384 : memref<128xi32, #tpu.memory_space<vmem>>) semaphore(%arg21 : memref<!tpu.dma_semaphore, #tpu.memory_space<semaphore_mem>>)
      } else {
      }
      %add3A_365 = arith.constant 3 : i32
      %add3A_366 = arith.addi %mul3A_266, %add3A_365 : i32
      %dma_wait3A_367 = arith.constant 0 : i32
      %dma_wait3A_368 = tpu.memref_slice %arg8[%add3A_366, %dma_wait3A_367] : memref<79x128xi32, #tpu.memory_space<vmem>> -> memref<1x128xi32, #tpu.memory_space<vmem>>
      %dma_wait3A_369 = tpu.memref_squeeze %dma_wait3A_368 : memref<1x128xi32, #tpu.memory_space<vmem>> -> memref<128xi32, #tpu.memory_space<vmem>>
      %dma_wait3A_370 = arith.constant 0 : i32
      %dma_wait3A_371 = arith.constant 0 : i32
      %dma_wait3A_372 = tpu.memref_slice %arg17[%dma_wait3A_370, %dma_wait3A_371] : memref<10240x64xf32, #tpu.memory_space<vmem_shared>> -> memref<10240x64xf32, #tpu.memory_space<vmem_shared>>
      tpu.wait_indirect_dma semaphore(%arg26 : memref<!tpu.dma_semaphore, #tpu.memory_space<semaphore_mem>>) src(%arg13 : memref<128x64xf32, #tpu.memory_space<vmem>>) dst(%dma_wait3A_372 : memref<10240x64xf32, #tpu.memory_space<vmem_shared>>)
      %add3A_373 = arith.constant 4 : i32
      %add3A_374 = arith.addi %add3A_366, %add3A_373 : i32
      %lt3A_375 = arith.cmpi slt, %add3A_374, %select_n3A : i32
      %convert_element_type3A_376 = arith.extui %lt3A_375 : i1 to i32
      %cond3A_377 = arith.constant 0 : i32
      %cond3A_378 = arith.cmpi ne, %convert_element_type3A_376, %cond3A_377 : i32
      scf.if %cond3A_378 {
        %add3A_380 = arith.constant 4 : i32
        %add3A_381 = arith.addi %add3A_366, %add3A_380 : i32
        %dma_start3A_382 = arith.constant 0 : i32
        %dma_start3A_383 = tpu.memref_slice %arg9[%add3A_381, %dma_start3A_382] : memref<79x128xi32, #tpu.memory_space<vmem>> -> memref<1x128xi32, #tpu.memory_space<vmem>>
        %dma_start3A_384 = tpu.memref_squeeze %dma_start3A_383 : memref<1x128xi32, #tpu.memory_space<vmem>> -> memref<128xi32, #tpu.memory_space<vmem>>
        %dma_start3A_385 = arith.constant 0 : i32
        %dma_start3A_386 = arith.constant 0 : i32
        %dma_start3A_387 = tpu.memref_slice %arg2[%dma_start3A_385, %dma_start3A_386] : memref<40000x64xf32, #tpu.memory_space<hbm>> -> memref<40000x64xf32, #tpu.memory_space<hbm>>
        tpu.enqueue_indirect_dma source(%dma_start3A_387 : memref<40000x64xf32, #tpu.memory_space<hbm>>) target(%arg13 : memref<128x64xf32, #tpu.memory_space<vmem>>) offsets(%dma_start3A_384 : memref<128xi32, #tpu.memory_space<vmem>>) semaphore(%arg22 : memref<!tpu.dma_semaphore, #tpu.memory_space<semaphore_mem>>)
      } else {
      }
      %while3A_379 = arith.constant 0 : i32
      scf.yield %while3A_379 : i32
    }
    %while3A_226 = arith.constant 1 : i32
    %while3A_227 = scf.for %while3A_263 = %while3A_223 to %while3A_219 step %while3A_226 iter_args(%while3A_264 = %while3A_225) -> (i32)  : i32 {
      %mul3A_265 = arith.constant 4 : i32
      %mul3A_266 = arith.muli %mul3A_265, %while3A_263 : i32
      %add3A_267 = arith.constant 0 : i32
      %add3A_268 = arith.addi %mul3A_266, %add3A_267 : i32
      %dma_wait3A_269 = arith.constant 0 : i32
      %dma_wait3A_270 = tpu.memref_slice %arg9[%add3A_268, %dma_wait3A_269] : memref<79x128xi32, #tpu.memory_space<vmem>> -> memref<1x128xi32, #tpu.memory_space<vmem>>
      %dma_wait3A_271 = tpu.memref_squeeze %dma_wait3A_270 : memref<1x128xi32, #tpu.memory_space<vmem>> -> memref<128xi32, #tpu.memory_space<vmem>>
      %dma_wait3A_272 = arith.constant 0 : i32
      %dma_wait3A_273 = arith.constant 0 : i32
      %dma_wait3A_274 = tpu.memref_slice %arg2[%dma_wait3A_272, %dma_wait3A_273] : memref<40000x64xf32, #tpu.memory_space<hbm>> -> memref<40000x64xf32, #tpu.memory_space<hbm>>
      tpu.wait_indirect_dma semaphore(%arg19 : memref<!tpu.dma_semaphore, #tpu.memory_space<semaphore_mem>>) src(%dma_wait3A_274 : memref<40000x64xf32, #tpu.memory_space<hbm>>) dst(%arg10 : memref<128x64xf32, #tpu.memory_space<vmem>>)
      %dma_start3A_275 = arith.constant 0 : i32
      %dma_start3A_276 = tpu.memref_slice %arg8[%add3A_268, %dma_start3A_275] : memref<79x128xi32, #tpu.memory_space<vmem>> -> memref<1x128xi32, #tpu.memory_space<vmem>>
      %dma_start3A_277 = tpu.memref_squeeze %dma_start3A_276 : memref<1x128xi32, #tpu.memory_space<vmem>> -> memref<128xi32, #tpu.memory_space<vmem>>
      %dma_start3A_278 = arith.constant 0 : i32
      %dma_start3A_279 = arith.constant 0 : i32
      %dma_start3A_280 = tpu.memref_slice %arg17[%dma_start3A_278, %dma_start3A_279] : memref<10240x64xf32, #tpu.memory_space<vmem_shared>> -> memref<10240x64xf32, #tpu.memory_space<vmem_shared>>
      tpu.enqueue_indirect_dma source(%arg10 : memref<128x64xf32, #tpu.memory_space<vmem>>) target(%dma_start3A_280 : memref<10240x64xf32, #tpu.memory_space<vmem_shared>>) offsets(%dma_start3A_277 : memref<128xi32, #tpu.memory_space<vmem>>) semaphore(%arg23 : memref<!tpu.dma_semaphore, #tpu.memory_space<semaphore_mem>>) {add = true}
      %add3A_281 = arith.constant 1 : i32
      %add3A_282 = arith.addi %mul3A_266, %add3A_281 : i32
      %dma_wait3A_283 = arith.constant 0 : i32
      %dma_wait3A_284 = tpu.memref_slice %arg9[%add3A_282, %dma_wait3A_283] : memref<79x128xi32, #tpu.memory_space<vmem>> -> memref<1x128xi32, #tpu.memory_space<vmem>>
      %dma_wait3A_285 = tpu.memref_squeeze %dma_wait3A_284 : memref<1x128xi32, #tpu.memory_space<vmem>> -> memref<128xi32, #tpu.memory_space<vmem>>
      %dma_wait3A_286 = arith.constant 0 : i32
      %dma_wait3A_287 = arith.constant 0 : i32
      %dma_wait3A_288 = tpu.memref_slice %arg2[%dma_wait3A_286, %dma_wait3A_287] : memref<40000x64xf32, #tpu.memory_space<hbm>> -> memref<40000x64xf32, #tpu.memory_space<hbm>>
      tpu.wait_indirect_dma semaphore(%arg20 : memref<!tpu.dma_semaphore, #tpu.memory_space<semaphore_mem>>) src(%dma_wait3A_288 : memref<40000x64xf32, #tpu.memory_space<hbm>>) dst(%arg11 : memref<128x64xf32, #tpu.memory_space<vmem>>)
      %dma_start3A_289 = arith.constant 0 : i32
      %dma_start3A_290 = tpu.memref_slice %arg8[%add3A_282, %dma_start3A_289] : memref<79x128xi32, #tpu.memory_space<vmem>> -> memref<1x128xi32, #tpu.memory_space<vmem>>
      %dma_start3A_291 = tpu.memref_squeeze %dma_start3A_290 : memref<1x128xi32, #tpu.memory_space<vmem>> -> memref<128xi32, #tpu.memory_space<vmem>>
      %dma_start3A_292 = arith.constant 0 : i32
      %dma_start3A_293 = arith.constant 0 : i32
      %dma_start3A_294 = tpu.memref_slice %arg17[%dma_start3A_292, %dma_start3A_293] : memref<10240x64xf32, #tpu.memory_space<vmem_shared>> -> memref<10240x64xf32, #tpu.memory_space<vmem_shared>>
      tpu.enqueue_indirect_dma source(%arg11 : memref<128x64xf32, #tpu.memory_space<vmem>>) target(%dma_start3A_294 : memref<10240x64xf32, #tpu.memory_space<vmem_shared>>) offsets(%dma_start3A_291 : memref<128xi32, #tpu.memory_space<vmem>>) semaphore(%arg24 : memref<!tpu.dma_semaphore, #tpu.memory_space<semaphore_mem>>) {add = true}
      %add3A_295 = arith.constant 2 : i32
      %add3A_296 = arith.addi %mul3A_266, %add3A_295 : i32
      %dma_wait3A_297 = arith.constant 0 : i32
      %dma_wait3A_298 = tpu.memref_slice %arg9[%add3A_296, %dma_wait3A_297] : memref<79x128xi32, #tpu.memory_space<vmem>> -> memref<1x128xi32, #tpu.memory_space<vmem>>
      %dma_wait3A_299 = tpu.memref_squeeze %dma_wait3A_298 : memref<1x128xi32, #tpu.memory_space<vmem>> -> memref<128xi32, #tpu.memory_space<vmem>>
      %dma_wait3A_300 = arith.constant 0 : i32
      %dma_wait3A_301 = arith.constant 0 : i32
      %dma_wait3A_302 = tpu.memref_slice %arg2[%dma_wait3A_300, %dma_wait3A_301] : memref<40000x64xf32, #tpu.memory_space<hbm>> -> memref<40000x64xf32, #tpu.memory_space<hbm>>
      tpu.wait_indirect_dma semaphore(%arg21 : memref<!tpu.dma_semaphore, #tpu.memory_space<semaphore_mem>>) src(%dma_wait3A_302 : memref<40000x64xf32, #tpu.memory_space<hbm>>) dst(%arg12 : memref<128x64xf32, #tpu.memory_space<vmem>>)
      %dma_start3A_303 = arith.constant 0 : i32
      %dma_start3A_304 = tpu.memref_slice %arg8[%add3A_296, %dma_start3A_303] : memref<79x128xi32, #tpu.memory_space<vmem>> -> memref<1x128xi32, #tpu.memory_space<vmem>>
      %dma_start3A_305 = tpu.memref_squeeze %dma_start3A_304 : memref<1x128xi32, #tpu.memory_space<vmem>> -> memref<128xi32, #tpu.memory_space<vmem>>
      %dma_start3A_306 = arith.constant 0 : i32
      %dma_start3A_307 = arith.constant 0 : i32
      %dma_start3A_308 = tpu.memref_slice %arg17[%dma_start3A_306, %dma_start3A_307] : memref<10240x64xf32, #tpu.memory_space<vmem_shared>> -> memref<10240x64xf32, #tpu.memory_space<vmem_shared>>
      tpu.enqueue_indirect_dma source(%arg12 : memref<128x64xf32, #tpu.memory_space<vmem>>) target(%dma_start3A_308 : memref<10240x64xf32, #tpu.memory_space<vmem_shared>>) offsets(%dma_start3A_305 : memref<128xi32, #tpu.memory_space<vmem>>) semaphore(%arg25 : memref<!tpu.dma_semaphore, #tpu.memory_space<semaphore_mem>>) {add = true}
      %add3A_309 = arith.constant 3 : i32
      %add3A_310 = arith.addi %mul3A_266, %add3A_309 : i32
      %dma_wait3A_311 = arith.constant 0 : i32
      %dma_wait3A_312 = tpu.memref_slice %arg9[%add3A_310, %dma_wait3A_311] : memref<79x128xi32, #tpu.memory_space<vmem>> -> memref<1x128xi32, #tpu.memory_space<vmem>>
      %dma_wait3A_313 = tpu.memref_squeeze %dma_wait3A_312 : memref<1x128xi32, #tpu.memory_space<vmem>> -> memref<128xi32, #tpu.memory_space<vmem>>
      %dma_wait3A_314 = arith.constant 0 : i32
      %dma_wait3A_315 = arith.constant 0 : i32
      %dma_wait3A_316 = tpu.memref_slice %arg2[%dma_wait3A_314, %dma_wait3A_315] : memref<40000x64xf32, #tpu.memory_space<hbm>> -> memref<40000x64xf32, #tpu.memory_space<hbm>>
      tpu.wait_indirect_dma semaphore(%arg22 : memref<!tpu.dma_semaphore, #tpu.memory_space<semaphore_mem>>) src(%dma_wait3A_316 : memref<40000x64xf32, #tpu.memory_space<hbm>>) dst(%arg13 : memref<128x64xf32, #tpu.memory_space<vmem>>)
      %dma_start3A_317 = arith.constant 0 : i32
      %dma_start3A_318 = tpu.memref_slice %arg8[%add3A_310, %dma_start3A_317] : memref<79x128xi32, #tpu.memory_space<vmem>> -> memref<1x128xi32, #tpu.memory_space<vmem>>
      %dma_start3A_319 = tpu.memref_squeeze %dma_start3A_318 : memref<1x128xi32, #tpu.memory_space<vmem>> -> memref<128xi32, #tpu.memory_space<vmem>>
      %dma_start3A_320 = arith.constant 0 : i32
      %dma_start3A_321 = arith.constant 0 : i32
      %dma_start3A_322 = tpu.memref_slice %arg17[%dma_start3A_320, %dma_start3A_321] : memref<10240x64xf32, #tpu.memory_space<vmem_shared>> -> memref<10240x64xf32, #tpu.memory_space<vmem_shared>>
      tpu.enqueue_indirect_dma source(%arg13 : memref<128x64xf32, #tpu.memory_space<vmem>>) target(%dma_start3A_322 : memref<10240x64xf32, #tpu.memory_space<vmem_shared>>) offsets(%dma_start3A_319 : memref<128xi32, #tpu.memory_space<vmem>>) semaphore(%arg26 : memref<!tpu.dma_semaphore, #tpu.memory_space<semaphore_mem>>) {add = true}
      %add3A_323 = arith.constant 0 : i32
      %add3A_324 = arith.addi %mul3A_266, %add3A_323 : i32
      %dma_wait3A_325 = arith.constant 0 : i32
      %dma_wait3A_326 = tpu.memref_slice %arg8[%add3A_324, %dma_wait3A_325] : memref<79x128xi32, #tpu.memory_space<vmem>> -> memref<1x128xi32, #tpu.memory_space<vmem>>
      %dma_wait3A_327 = tpu.memref_squeeze %dma_wait3A_326 : memref<1x128xi32, #tpu.memory_space<vmem>> -> memref<128xi32, #tpu.memory_space<vmem>>
      %dma_wait3A_328 = arith.constant 0 : i32
      %dma_wait3A_329 = arith.constant 0 : i32
      %dma_wait3A_330 = tpu.memref_slice %arg17[%dma_wait3A_328, %dma_wait3A_329] : memref<10240x64xf32, #tpu.memory_space<vmem_shared>> -> memref<10240x64xf32, #tpu.memory_space<vmem_shared>>
      tpu.wait_indirect_dma semaphore(%arg23 : memref<!tpu.dma_semaphore, #tpu.memory_space<semaphore_mem>>) src(%arg10 : memref<128x64xf32, #tpu.memory_space<vmem>>) dst(%dma_wait3A_330 : memref<10240x64xf32, #tpu.memory_space<vmem_shared>>)
      %add3A_331 = arith.constant 4 : i32
      %add3A_332 = arith.addi %add3A_324, %add3A_331 : i32
      %lt3A_333 = arith.cmpi slt, %add3A_332, %select_n3A : i32
      %convert_element_type3A_334 = arith.extui %lt3A_333 : i1 to i32
      %cond3A_335 = arith.constant 0 : i32
      %cond3A_336 = arith.cmpi ne, %convert_element_type3A_334, %cond3A_335 : i32
      scf.if %cond3A_336 {
        %add3A_380 = arith.constant 4 : i32
        %add3A_381 = arith.addi %add3A_324, %add3A_380 : i32
        %dma_start3A_382 = arith.constant 0 : i32
        %dma_start3A_383 = tpu.memref_slice %arg9[%add3A_381, %dma_start3A_382] : memref<79x128xi32, #tpu.memory_space<vmem>> -> memref<1x128xi32, #tpu.memory_space<vmem>>
        %dma_start3A_384 = tpu.memref_squeeze %dma_start3A_383 : memref<1x128xi32, #tpu.memory_space<vmem>> -> memref<128xi32, #tpu.memory_space<vmem>>
        %dma_start3A_385 = arith.constant 0 : i32
        %dma_start3A_386 = arith.constant 0 : i32
        %dma_start3A_387 = tpu.memref_slice %arg2[%dma_start3A_385, %dma_start3A_386] : memref<40000x64xf32, #tpu.memory_space<hbm>> -> memref<40000x64xf32, #tpu.memory_space<hbm>>
        tpu.enqueue_indirect_dma source(%dma_start3A_387 : memref<40000x64xf32, #tpu.memory_space<hbm>>) target(%arg10 : memref<128x64xf32, #tpu.memory_space<vmem>>) offsets(%dma_start3A_384 : memref<128xi32, #tpu.memory_space<vmem>>) semaphore(%arg19 : memref<!tpu.dma_semaphore, #tpu.memory_space<semaphore_mem>>)
      } else {
      }
      %add3A_337 = arith.constant 1 : i32
      %add3A_338 = arith.addi %mul3A_266, %add3A_337 : i32
      %dma_wait3A_339 = arith.constant 0 : i32
      %dma_wait3A_340 = tpu.memref_slice %arg8[%add3A_338, %dma_wait3A_339] : memref<79x128xi32, #tpu.memory_space<vmem>> -> memref<1x128xi32, #tpu.memory_space<vmem>>
      %dma_wait3A_341 = tpu.memref_squeeze %dma_wait3A_340 : memref<1x128xi32, #tpu.memory_space<vmem>> -> memref<128xi32, #tpu.memory_space<vmem>>
      %dma_wait3A_342 = arith.constant 0 : i32
      %dma_wait3A_343 = arith.constant 0 : i32
      %dma_wait3A_344 = tpu.memref_slice %arg17[%dma_wait3A_342, %dma_wait3A_343] : memref<10240x64xf32, #tpu.memory_space<vmem_shared>> -> memref<10240x64xf32, #tpu.memory_space<vmem_shared>>
      tpu.wait_indirect_dma semaphore(%arg24 : memref<!tpu.dma_semaphore, #tpu.memory_space<semaphore_mem>>) src(%arg11 : memref<128x64xf32, #tpu.memory_space<vmem>>) dst(%dma_wait3A_344 : memref<10240x64xf32, #tpu.memory_space<vmem_shared>>)
      %add3A_345 = arith.constant 4 : i32
      %add3A_346 = arith.addi %add3A_338, %add3A_345 : i32
      %lt3A_347 = arith.cmpi slt, %add3A_346, %select_n3A : i32
      %convert_element_type3A_348 = arith.extui %lt3A_347 : i1 to i32
      %cond3A_349 = arith.constant 0 : i32
      %cond3A_350 = arith.cmpi ne, %convert_element_type3A_348, %cond3A_349 : i32
      scf.if %cond3A_350 {
        %add3A_380 = arith.constant 4 : i32
        %add3A_381 = arith.addi %add3A_338, %add3A_380 : i32
        %dma_start3A_382 = arith.constant 0 : i32
        %dma_start3A_383 = tpu.memref_slice %arg9[%add3A_381, %dma_start3A_382] : memref<79x128xi32, #tpu.memory_space<vmem>> -> memref<1x128xi32, #tpu.memory_space<vmem>>
        %dma_start3A_384 = tpu.memref_squeeze %dma_start3A_383 : memref<1x128xi32, #tpu.memory_space<vmem>> -> memref<128xi32, #tpu.memory_space<vmem>>
        %dma_start3A_385 = arith.constant 0 : i32
        %dma_start3A_386 = arith.constant 0 : i32
        %dma_start3A_387 = tpu.memref_slice %arg2[%dma_start3A_385, %dma_start3A_386] : memref<40000x64xf32, #tpu.memory_space<hbm>> -> memref<40000x64xf32, #tpu.memory_space<hbm>>
        tpu.enqueue_indirect_dma source(%dma_start3A_387 : memref<40000x64xf32, #tpu.memory_space<hbm>>) target(%arg11 : memref<128x64xf32, #tpu.memory_space<vmem>>) offsets(%dma_start3A_384 : memref<128xi32, #tpu.memory_space<vmem>>) semaphore(%arg20 : memref<!tpu.dma_semaphore, #tpu.memory_space<semaphore_mem>>)
      } else {
      }
      %add3A_351 = arith.constant 2 : i32
      %add3A_352 = arith.addi %mul3A_266, %add3A_351 : i32
      %dma_wait3A_353 = arith.constant 0 : i32
      %dma_wait3A_354 = tpu.memref_slice %arg8[%add3A_352, %dma_wait3A_353] : memref<79x128xi32, #tpu.memory_space<vmem>> -> memref<1x128xi32, #tpu.memory_space<vmem>>
      %dma_wait3A_355 = tpu.memref_squeeze %dma_wait3A_354 : memref<1x128xi32, #tpu.memory_space<vmem>> -> memref<128xi32, #tpu.memory_space<vmem>>
      %dma_wait3A_356 = arith.constant 0 : i32
      %dma_wait3A_357 = arith.constant 0 : i32
      %dma_wait3A_358 = tpu.memref_slice %arg17[%dma_wait3A_356, %dma_wait3A_357] : memref<10240x64xf32, #tpu.memory_space<vmem_shared>> -> memref<10240x64xf32, #tpu.memory_space<vmem_shared>>
      tpu.wait_indirect_dma semaphore(%arg25 : memref<!tpu.dma_semaphore, #tpu.memory_space<semaphore_mem>>) src(%arg12 : memref<128x64xf32, #tpu.memory_space<vmem>>) dst(%dma_wait3A_358 : memref<10240x64xf32, #tpu.memory_space<vmem_shared>>)
      %add3A_359 = arith.constant 4 : i32
      %add3A_360 = arith.addi %add3A_352, %add3A_359 : i32
      %lt3A_361 = arith.cmpi slt, %add3A_360, %select_n3A : i32
      %convert_element_type3A_362 = arith.extui %lt3A_361 : i1 to i32
      %cond3A_363 = arith.constant 0 : i32
      %cond3A_364 = arith.cmpi ne, %convert_element_type3A_362, %cond3A_363 : i32
      scf.if %cond3A_364 {
        %add3A_380 = arith.constant 4 : i32
        %add3A_381 = arith.addi %add3A_352, %add3A_380 : i32
        %dma_start3A_382 = arith.constant 0 : i32
        %dma_start3A_383 = tpu.memref_slice %arg9[%add3A_381, %dma_start3A_382] : memref<79x128xi32, #tpu.memory_space<vmem>> -> memref<1x128xi32, #tpu.memory_space<vmem>>
        %dma_start3A_384 = tpu.memref_squeeze %dma_start3A_383 : memref<1x128xi32, #tpu.memory_space<vmem>> -> memref<128xi32, #tpu.memory_space<vmem>>
        %dma_start3A_385 = arith.constant 0 : i32
        %dma_start3A_386 = arith.constant 0 : i32
        %dma_start3A_387 = tpu.memref_slice %arg2[%dma_start3A_385, %dma_start3A_386] : memref<40000x64xf32, #tpu.memory_space<hbm>> -> memref<40000x64xf32, #tpu.memory_space<hbm>>
        tpu.enqueue_indirect_dma source(%dma_start3A_387 : memref<40000x64xf32, #tpu.memory_space<hbm>>) target(%arg12 : memref<128x64xf32, #tpu.memory_space<vmem>>) offsets(%dma_start3A_384 : memref<128xi32, #tpu.memory_space<vmem>>) semaphore(%arg21 : memref<!tpu.dma_semaphore, #tpu.memory_space<semaphore_mem>>)
      } else {
      }
      %add3A_365 = arith.constant 3 : i32
      %add3A_366 = arith.addi %mul3A_266, %add3A_365 : i32
      %dma_wait3A_367 = arith.constant 0 : i32
      %dma_wait3A_368 = tpu.memref_slice %arg8[%add3A_366, %dma_wait3A_367] : memref<79x128xi32, #tpu.memory_space<vmem>> -> memref<1x128xi32, #tpu.memory_space<vmem>>
      %dma_wait3A_369 = tpu.memref_squeeze %dma_wait3A_368 : memref<1x128xi32, #tpu.memory_space<vmem>> -> memref<128xi32, #tpu.memory_space<vmem>>
      %dma_wait3A_370 = arith.constant 0 : i32
      %dma_wait3A_371 = arith.constant 0 : i32
      %dma_wait3A_372 = tpu.memref_slice %arg17[%dma_wait3A_370, %dma_wait3A_371] : memref<10240x64xf32, #tpu.memory_space<vmem_shared>> -> memref<10240x64xf32, #tpu.memory_space<vmem_shared>>
      tpu.wait_indirect_dma semaphore(%arg26 : memref<!tpu.dma_semaphore, #tpu.memory_space<semaphore_mem>>) src(%arg13 : memref<128x64xf32, #tpu.memory_space<vmem>>) dst(%dma_wait3A_372 : memref<10240x64xf32, #tpu.memory_space<vmem_shared>>)
      %add3A_373 = arith.constant 4 : i32
      %add3A_374 = arith.addi %add3A_366, %add3A_373 : i32
      %lt3A_375 = arith.cmpi slt, %add3A_374, %select_n3A : i32
      %convert_element_type3A_376 = arith.extui %lt3A_375 : i1 to i32
      %cond3A_377 = arith.constant 0 : i32
      %cond3A_378 = arith.cmpi ne, %convert_element_type3A_376, %cond3A_377 : i32
      scf.if %cond3A_378 {
        %add3A_380 = arith.constant 4 : i32
        %add3A_381 = arith.addi %add3A_366, %add3A_380 : i32
        %dma_start3A_382 = arith.constant 0 : i32
        %dma_start3A_383 = tpu.memref_slice %arg9[%add3A_381, %dma_start3A_382] : memref<79x128xi32, #tpu.memory_space<vmem>> -> memref<1x128xi32, #tpu.memory_space<vmem>>
        %dma_start3A_384 = tpu.memref_squeeze %dma_start3A_383 : memref<1x128xi32, #tpu.memory_space<vmem>> -> memref<128xi32, #tpu.memory_space<vmem>>
        %dma_start3A_385 = arith.constant 0 : i32
        %dma_start3A_386 = arith.constant 0 : i32
        %dma_start3A_387 = tpu.memref_slice %arg2[%dma_start3A_385, %dma_start3A_386] : memref<40000x64xf32, #tpu.memory_space<hbm>> -> memref<40000x64xf32, #tpu.memory_space<hbm>>
        tpu.enqueue_indirect_dma source(%dma_start3A_387 : memref<40000x64xf32, #tpu.memory_space<hbm>>) target(%arg13 : memref<128x64xf32, #tpu.memory_space<vmem>>) offsets(%dma_start3A_384 : memref<128xi32, #tpu.memory_space<vmem>>) semaphore(%arg22 : memref<!tpu.dma_semaphore, #tpu.memory_space<semaphore_mem>>)
      } else {
      }
      %while3A_379 = arith.constant 0 : i32
      scf.yield %while3A_379 : i32
    }
    %mul3A_228 = arith.constant 4 : i32
    %mul3A_229 = arith.muli %mul3A_228, %select_n3A_19 : i32
    %add3A_230 = arith.constant 0 : i32
    %add3A_231 = arith.addi %mul3A_229, %add3A_230 : i32
    %lt3A_232 = arith.cmpi slt, %add3A_231, %select_n3A : i32
    %convert_element_type3A_233 = arith.extui %lt3A_232 : i1 to i32
    %cond3A_234 = arith.constant 0 : i32
    %cond3A_235 = arith.cmpi ne, %convert_element_type3A_233, %cond3A_234 : i32
    scf.if %cond3A_235 {
      %mul3A_263 = arith.constant 4 : i32
      %mul3A_264 = arith.muli %mul3A_263, %select_n3A_19 : i32
      %add3A_265 = arith.constant 0 : i32
      %add3A_266 = arith.addi %mul3A_264, %add3A_265 : i32
      %dma_wait3A_267 = arith.constant 0 : i32
      %dma_wait3A_268 = tpu.memref_slice %arg9[%add3A_266, %dma_wait3A_267] : memref<79x128xi32, #tpu.memory_space<vmem>> -> memref<1x128xi32, #tpu.memory_space<vmem>>
      %dma_wait3A_269 = tpu.memref_squeeze %dma_wait3A_268 : memref<1x128xi32, #tpu.memory_space<vmem>> -> memref<128xi32, #tpu.memory_space<vmem>>
      %dma_wait3A_270 = arith.constant 0 : i32
      %dma_wait3A_271 = arith.constant 0 : i32
      %dma_wait3A_272 = tpu.memref_slice %arg2[%dma_wait3A_270, %dma_wait3A_271] : memref<40000x64xf32, #tpu.memory_space<hbm>> -> memref<40000x64xf32, #tpu.memory_space<hbm>>
      tpu.wait_indirect_dma semaphore(%arg19 : memref<!tpu.dma_semaphore, #tpu.memory_space<semaphore_mem>>) src(%dma_wait3A_272 : memref<40000x64xf32, #tpu.memory_space<hbm>>) dst(%arg10 : memref<128x64xf32, #tpu.memory_space<vmem>>)
      "tpu.region"() ({
        %run_scoped3A = tpu.sem_alloc : memref<!tpu.dma_semaphore, #tpu.memory_space<semaphore_mem>>
        %dma_start3A_273 = arith.constant 0 : i32
        %dma_start3A_274 = tpu.memref_slice %arg8[%add3A_266, %dma_start3A_273] : memref<79x128xi32, #tpu.memory_space<vmem>> -> memref<1x128xi32, #tpu.memory_space<vmem>>
        %dma_start3A_275 = tpu.memref_squeeze %dma_start3A_274 : memref<1x128xi32, #tpu.memory_space<vmem>> -> memref<128xi32, #tpu.memory_space<vmem>>
        %dma_start3A_276 = arith.constant 0 : i32
        %dma_start3A_277 = arith.constant 0 : i32
        %dma_start3A_278 = tpu.memref_slice %arg17[%dma_start3A_276, %dma_start3A_277] : memref<10240x64xf32, #tpu.memory_space<vmem_shared>> -> memref<10240x64xf32, #tpu.memory_space<vmem_shared>>
        tpu.enqueue_indirect_dma source(%arg10 : memref<128x64xf32, #tpu.memory_space<vmem>>) target(%dma_start3A_278 : memref<10240x64xf32, #tpu.memory_space<vmem_shared>>) offsets(%dma_start3A_275 : memref<128xi32, #tpu.memory_space<vmem>>) semaphore(%run_scoped3A : memref<!tpu.dma_semaphore, #tpu.memory_space<semaphore_mem>>) {add = true}
        %dma_wait3A_279 = arith.constant 0 : i32
        %dma_wait3A_280 = tpu.memref_slice %arg8[%add3A_266, %dma_wait3A_279] : memref<79x128xi32, #tpu.memory_space<vmem>> -> memref<1x128xi32, #tpu.memory_space<vmem>>
        %dma_wait3A_281 = tpu.memref_squeeze %dma_wait3A_280 : memref<1x128xi32, #tpu.memory_space<vmem>> -> memref<128xi32, #tpu.memory_space<vmem>>
        %dma_wait3A_282 = arith.constant 0 : i32
        %dma_wait3A_283 = arith.constant 0 : i32
        %dma_wait3A_284 = tpu.memref_slice %arg17[%dma_wait3A_282, %dma_wait3A_283] : memref<10240x64xf32, #tpu.memory_space<vmem_shared>> -> memref<10240x64xf32, #tpu.memory_space<vmem_shared>>
        tpu.wait_indirect_dma semaphore(%run_scoped3A : memref<!tpu.dma_semaphore, #tpu.memory_space<semaphore_mem>>) src(%arg10 : memref<128x64xf32, #tpu.memory_space<vmem>>) dst(%dma_wait3A_284 : memref<10240x64xf32, #tpu.memory_space<vmem_shared>>)
        tpu.yield
      }) : () -> ()
    } else {
    }
    %mul3A_236 = arith.constant 4 : i32
    %mul3A_237 = arith.muli %mul3A_236, %select_n3A_19 : i32
    %add3A_238 = arith.constant 1 : i32
    %add3A_239 = arith.addi %mul3A_237, %add3A_238 : i32
    %lt3A_240 = arith.cmpi slt, %add3A_239, %select_n3A : i32
    %convert_element_type3A_241 = arith.extui %lt3A_240 : i1 to i32
    %cond3A_242 = arith.constant 0 : i32
    %cond3A_243 = arith.cmpi ne, %convert_element_type3A_241, %cond3A_242 : i32
    scf.if %cond3A_243 {
      %mul3A_263 = arith.constant 4 : i32
      %mul3A_264 = arith.muli %mul3A_263, %select_n3A_19 : i32
      %add3A_265 = arith.constant 1 : i32
      %add3A_266 = arith.addi %mul3A_264, %add3A_265 : i32
      %dma_wait3A_267 = arith.constant 0 : i32
      %dma_wait3A_268 = tpu.memref_slice %arg9[%add3A_266, %dma_wait3A_267] : memref<79x128xi32, #tpu.memory_space<vmem>> -> memref<1x128xi32, #tpu.memory_space<vmem>>
      %dma_wait3A_269 = tpu.memref_squeeze %dma_wait3A_268 : memref<1x128xi32, #tpu.memory_space<vmem>> -> memref<128xi32, #tpu.memory_space<vmem>>
      %dma_wait3A_270 = arith.constant 0 : i32
      %dma_wait3A_271 = arith.constant 0 : i32
      %dma_wait3A_272 = tpu.memref_slice %arg2[%dma_wait3A_270, %dma_wait3A_271] : memref<40000x64xf32, #tpu.memory_space<hbm>> -> memref<40000x64xf32, #tpu.memory_space<hbm>>
      tpu.wait_indirect_dma semaphore(%arg20 : memref<!tpu.dma_semaphore, #tpu.memory_space<semaphore_mem>>) src(%dma_wait3A_272 : memref<40000x64xf32, #tpu.memory_space<hbm>>) dst(%arg11 : memref<128x64xf32, #tpu.memory_space<vmem>>)
      "tpu.region"() ({
        %run_scoped3A = tpu.sem_alloc : memref<!tpu.dma_semaphore, #tpu.memory_space<semaphore_mem>>
        %dma_start3A_273 = arith.constant 0 : i32
        %dma_start3A_274 = tpu.memref_slice %arg8[%add3A_266, %dma_start3A_273] : memref<79x128xi32, #tpu.memory_space<vmem>> -> memref<1x128xi32, #tpu.memory_space<vmem>>
        %dma_start3A_275 = tpu.memref_squeeze %dma_start3A_274 : memref<1x128xi32, #tpu.memory_space<vmem>> -> memref<128xi32, #tpu.memory_space<vmem>>
        %dma_start3A_276 = arith.constant 0 : i32
        %dma_start3A_277 = arith.constant 0 : i32
        %dma_start3A_278 = tpu.memref_slice %arg17[%dma_start3A_276, %dma_start3A_277] : memref<10240x64xf32, #tpu.memory_space<vmem_shared>> -> memref<10240x64xf32, #tpu.memory_space<vmem_shared>>
        tpu.enqueue_indirect_dma source(%arg11 : memref<128x64xf32, #tpu.memory_space<vmem>>) target(%dma_start3A_278 : memref<10240x64xf32, #tpu.memory_space<vmem_shared>>) offsets(%dma_start3A_275 : memref<128xi32, #tpu.memory_space<vmem>>) semaphore(%run_scoped3A : memref<!tpu.dma_semaphore, #tpu.memory_space<semaphore_mem>>) {add = true}
        %dma_wait3A_279 = arith.constant 0 : i32
        %dma_wait3A_280 = tpu.memref_slice %arg8[%add3A_266, %dma_wait3A_279] : memref<79x128xi32, #tpu.memory_space<vmem>> -> memref<1x128xi32, #tpu.memory_space<vmem>>
        %dma_wait3A_281 = tpu.memref_squeeze %dma_wait3A_280 : memref<1x128xi32, #tpu.memory_space<vmem>> -> memref<128xi32, #tpu.memory_space<vmem>>
        %dma_wait3A_282 = arith.constant 0 : i32
        %dma_wait3A_283 = arith.constant 0 : i32
        %dma_wait3A_284 = tpu.memref_slice %arg17[%dma_wait3A_282, %dma_wait3A_283] : memref<10240x64xf32, #tpu.memory_space<vmem_shared>> -> memref<10240x64xf32, #tpu.memory_space<vmem_shared>>
        tpu.wait_indirect_dma semaphore(%run_scoped3A : memref<!tpu.dma_semaphore, #tpu.memory_space<semaphore_mem>>) src(%arg11 : memref<128x64xf32, #tpu.memory_space<vmem>>) dst(%dma_wait3A_284 : memref<10240x64xf32, #tpu.memory_space<vmem_shared>>)
        tpu.yield
      }) : () -> ()
    } else {
    }
    %mul3A_244 = arith.constant 4 : i32
    %mul3A_245 = arith.muli %mul3A_244, %select_n3A_19 : i32
    %add3A_246 = arith.constant 2 : i32
    %add3A_247 = arith.addi %mul3A_245, %add3A_246 : i32
    %lt3A_248 = arith.cmpi slt, %add3A_247, %select_n3A : i32
    %convert_element_type3A_249 = arith.extui %lt3A_248 : i1 to i32
    %cond3A_250 = arith.constant 0 : i32
    %cond3A_251 = arith.cmpi ne, %convert_element_type3A_249, %cond3A_250 : i32
    scf.if %cond3A_251 {
      %mul3A_263 = arith.constant 4 : i32
      %mul3A_264 = arith.muli %mul3A_263, %select_n3A_19 : i32
      %add3A_265 = arith.constant 2 : i32
      %add3A_266 = arith.addi %mul3A_264, %add3A_265 : i32
      %dma_wait3A_267 = arith.constant 0 : i32
      %dma_wait3A_268 = tpu.memref_slice %arg9[%add3A_266, %dma_wait3A_267] : memref<79x128xi32, #tpu.memory_space<vmem>> -> memref<1x128xi32, #tpu.memory_space<vmem>>
      %dma_wait3A_269 = tpu.memref_squeeze %dma_wait3A_268 : memref<1x128xi32, #tpu.memory_space<vmem>> -> memref<128xi32, #tpu.memory_space<vmem>>
      %dma_wait3A_270 = arith.constant 0 : i32
      %dma_wait3A_271 = arith.constant 0 : i32
      %dma_wait3A_272 = tpu.memref_slice %arg2[%dma_wait3A_270, %dma_wait3A_271] : memref<40000x64xf32, #tpu.memory_space<hbm>> -> memref<40000x64xf32, #tpu.memory_space<hbm>>
      tpu.wait_indirect_dma semaphore(%arg21 : memref<!tpu.dma_semaphore, #tpu.memory_space<semaphore_mem>>) src(%dma_wait3A_272 : memref<40000x64xf32, #tpu.memory_space<hbm>>) dst(%arg12 : memref<128x64xf32, #tpu.memory_space<vmem>>)
      "tpu.region"() ({
        %run_scoped3A = tpu.sem_alloc : memref<!tpu.dma_semaphore, #tpu.memory_space<semaphore_mem>>
        %dma_start3A_273 = arith.constant 0 : i32
        %dma_start3A_274 = tpu.memref_slice %arg8[%add3A_266, %dma_start3A_273] : memref<79x128xi32, #tpu.memory_space<vmem>> -> memref<1x128xi32, #tpu.memory_space<vmem>>
        %dma_start3A_275 = tpu.memref_squeeze %dma_start3A_274 : memref<1x128xi32, #tpu.memory_space<vmem>> -> memref<128xi32, #tpu.memory_space<vmem>>
        %dma_start3A_276 = arith.constant 0 : i32
        %dma_start3A_277 = arith.constant 0 : i32
        %dma_start3A_278 = tpu.memref_slice %arg17[%dma_start3A_276, %dma_start3A_277] : memref<10240x64xf32, #tpu.memory_space<vmem_shared>> -> memref<10240x64xf32, #tpu.memory_space<vmem_shared>>
        tpu.enqueue_indirect_dma source(%arg12 : memref<128x64xf32, #tpu.memory_space<vmem>>) target(%dma_start3A_278 : memref<10240x64xf32, #tpu.memory_space<vmem_shared>>) offsets(%dma_start3A_275 : memref<128xi32, #tpu.memory_space<vmem>>) semaphore(%run_scoped3A : memref<!tpu.dma_semaphore, #tpu.memory_space<semaphore_mem>>) {add = true}
        %dma_wait3A_279 = arith.constant 0 : i32
        %dma_wait3A_280 = tpu.memref_slice %arg8[%add3A_266, %dma_wait3A_279] : memref<79x128xi32, #tpu.memory_space<vmem>> -> memref<1x128xi32, #tpu.memory_space<vmem>>
        %dma_wait3A_281 = tpu.memref_squeeze %dma_wait3A_280 : memref<1x128xi32, #tpu.memory_space<vmem>> -> memref<128xi32, #tpu.memory_space<vmem>>
        %dma_wait3A_282 = arith.constant 0 : i32
        %dma_wait3A_283 = arith.constant 0 : i32
        %dma_wait3A_284 = tpu.memref_slice %arg17[%dma_wait3A_282, %dma_wait3A_283] : memref<10240x64xf32, #tpu.memory_space<vmem_shared>> -> memref<10240x64xf32, #tpu.memory_space<vmem_shared>>
        tpu.wait_indirect_dma semaphore(%run_scoped3A : memref<!tpu.dma_semaphore, #tpu.memory_space<semaphore_mem>>) src(%arg12 : memref<128x64xf32, #tpu.memory_space<vmem>>) dst(%dma_wait3A_284 : memref<10240x64xf32, #tpu.memory_space<vmem_shared>>)
        tpu.yield
      }) : () -> ()
    } else {
    }
    %barrier3A_252 = arith.constant 0 : index
    tpu.barrier barrier_id(%barrier3A_252)
    %mul3A_253 = arith.constant 2 : i32
    %mul3A_254 = arith.muli %mul3A_253, %arg0 : i32
    %add3A_255 = arith.constant 1 : i32
    %add3A_256 = arith.addi %mul3A_254, %add3A_255 : i32
    %mul3A_257 = arith.constant 640 : i32
    %mul3A_258 = arith.muli %arg1, %mul3A_257 : i32
    %mul3A_259 = arith.constant 640 : i32
    %mul3A_260 = arith.muli %arg1, %mul3A_259 : i32
    %mul3A_261 = arith.constant 64 : i32
    %mul3A_262 = arith.muli %add3A_256, %mul3A_261 : i32
    "tpu.region"() ({
      %run_scoped3A = tpu.sem_alloc : memref<!tpu.dma_semaphore, #tpu.memory_space<semaphore_mem>>
      %dma_start3A_263 = tpu.memref_slice %arg4[%mul3A_260, %mul3A_262] : memref<10240x256xf32, #tpu.memory_space<hbm>> -> memref<640x64xf32, #tpu.memory_space<hbm>>
      %dma_start3A_264 = arith.constant 0 : i32
      %dma_start3A_265 = tpu.memref_slice %arg17[%mul3A_258, %dma_start3A_264] : memref<10240x64xf32, #tpu.memory_space<vmem_shared>> -> memref<640x64xf32, #tpu.memory_space<vmem_shared>>
      tpu.enqueue_dma source(%dma_start3A_265 : memref<640x64xf32, #tpu.memory_space<vmem_shared>>) target(%dma_start3A_263 : memref<640x64xf32, #tpu.memory_space<hbm>>) target_semaphore(%run_scoped3A : memref<!tpu.dma_semaphore, #tpu.memory_space<semaphore_mem>>)
      %dma_wait3A_266 = tpu.memref_slice %arg4[%mul3A_260, %mul3A_262] : memref<10240x256xf32, #tpu.memory_space<hbm>> -> memref<640x64xf32, #tpu.memory_space<hbm>>
      %dma_wait3A_267 = arith.constant 0 : i32
      %dma_wait3A_268 = tpu.memref_slice %arg17[%mul3A_258, %dma_wait3A_267] : memref<10240x64xf32, #tpu.memory_space<vmem_shared>> -> memref<640x64xf32, #tpu.memory_space<vmem_shared>>
      tpu.wait_dma2 semaphore(%run_scoped3A : memref<!tpu.dma_semaphore, #tpu.memory_space<semaphore_mem>>) src(%dma_wait3A_268 : memref<640x64xf32, #tpu.memory_space<vmem_shared>>) dst(%dma_wait3A_266 : memref<640x64xf32, #tpu.memory_space<hbm>>)
      tpu.yield
    }) : () -> ()
    return
  }
}

module attributes {stable_mosaic.version = 14 : i64} {
  func.func @_tc_body(%arg0: i32, %arg1: memref<2000x256xf32, #tpu.memory_space<vmem>>, %arg2: memref<2000x16xf32, #tpu.memory_space<vmem>>, %arg3: memref<2000x16xf32, #tpu.memory_space<vmem>>, %arg4: memref<2000x256xf32, #tpu.memory_space<vmem>>, %arg5: memref<256x256xf32, #tpu.memory_space<vmem>>, %arg6: memref<256x256xf32, #tpu.memory_space<vmem>>, %arg7: memref<2000x256xf32, #tpu.memory_space<vmem>>) attributes {dimension_semantics = [#tpu.dimension_semantics<arbitrary>], iteration_bounds = array<i64: 5>, scalar_prefetch = 0 : i64, scratch_operands = 0 : i64, tpu.core_type = #tpu.core_type<tc>, window_params = [{transform_indices = @transform_0, window_bounds = array<i64: 2000, 256>}, {transform_indices = @transform_1, window_bounds = array<i64: 2000, 16>}, {transform_indices = @transform_2, window_bounds = array<i64: 2000, 16>}, {transform_indices = @transform_3, window_bounds = array<i64: 2000, 256>}, {pipeline_mode = #tpu.pipeline_mode<synchronous>, transform_indices = @transform_4, window_bounds = array<i64: 256, 256>}, {pipeline_mode = #tpu.pipeline_mode<synchronous>, transform_indices = @transform_5, window_bounds = array<i64: 256, 256>}, {transform_indices = @transform_6, window_bounds = array<i64: 2000, 256>}]} {
    %get3A = arith.constant 0 : index
    %get3A_0 = arith.constant 0 : index
    %get3A_1 = vector.load %arg2[%get3A, %get3A_0] : memref<2000x16xf32, #tpu.memory_space<vmem>>, vector<2000x1xf32>
    %get3A_2 = arith.constant 0 : index
    %get3A_3 = arith.constant 0 : index
    %get3A_4 = vector.load %arg3[%get3A_2, %get3A_3] : memref<2000x16xf32, #tpu.memory_space<vmem>>, vector<2000x1xf32>
    %add3A = arith.addf %get3A_1, %get3A_4 : vector<2000x1xf32>
    %max3A = arith.constant 1.000000e+00 : f32
    %max3A_5 = vector.broadcast %max3A : f32 to vector<2000x1xf32>
    %max3A_6 = arith.maximumf %add3A, %max3A_5 : vector<2000x1xf32>
    %get3A_7 = arith.constant 0 : index
    %get3A_8 = arith.constant 0 : index
    %get3A_9 = vector.load %arg4[%get3A_7, %get3A_8] : memref<2000x256xf32, #tpu.memory_space<vmem>>, vector<2000x256xf32>
    %get3A_10 = arith.constant 0 : index
    %get3A_11 = arith.constant 0 : index
    %get3A_12 = vector.load %arg6[%get3A_10, %get3A_11] : memref<256x256xf32, #tpu.memory_space<vmem>>, vector<256x256xf32>
    %dot_general3A = arith.constant dense<0.000000e+00> : vector<2000x256xf32>
    %dot_general3A_13 = tpu.matmul %get3A_9, %get3A_12, %dot_general3A {dimension_numbers = #tpu.dot_dimension_numbers<[1], [0], [0], [1], [0, 0, 1, 1], [], []>, transpose_lhs_hint = false} : vector<2000x256xf32>, vector<256x256xf32>, vector<2000x256xf32> -> vector<2000x256xf32>
    %get3A_14 = arith.constant 0 : index
    %get3A_15 = arith.constant 0 : index
    %get3A_16 = vector.load %arg1[%get3A_14, %get3A_15] : memref<2000x256xf32, #tpu.memory_space<vmem>>, vector<2000x256xf32>
    %get3A_17 = arith.constant 0 : index
    %get3A_18 = arith.constant 0 : index
    %get3A_19 = vector.load %arg5[%get3A_17, %get3A_18] : memref<256x256xf32, #tpu.memory_space<vmem>>, vector<256x256xf32>
    %dot_general3A_20 = arith.constant dense<0.000000e+00> : vector<2000x256xf32>
    %dot_general3A_21 = tpu.matmul %get3A_16, %get3A_19, %dot_general3A_20 {dimension_numbers = #tpu.dot_dimension_numbers<[1], [0], [0], [1], [0, 0, 1, 1], [], []>, transpose_lhs_hint = false} : vector<2000x256xf32>, vector<256x256xf32>, vector<2000x256xf32> -> vector<2000x256xf32>
    %div3A = vector.broadcast %max3A_6 : vector<2000x1xf32> to vector<2000x256xf32>
    %div3A_22 = arith.divf %dot_general3A_21, %div3A : vector<2000x256xf32>
    %add3A_23 = arith.addf %dot_general3A_13, %div3A_22 : vector<2000x256xf32>
    %swap3A = arith.constant 0 : index
    %swap3A_24 = arith.constant 0 : index
    %swap3A_25 = vector.load %arg7[%swap3A, %swap3A_24] : memref<2000x256xf32, #tpu.memory_space<vmem>>, vector<2000x256xf32>
    tpu.vector_store %arg7[%swap3A, %swap3A_24], %add3A_23 {strides = array<i32>} : memref<2000x256xf32, #tpu.memory_space<vmem>>, vector<2000x256xf32>,
    return
  }
  func.func @transform_0(%arg0: i32) -> (i32, i32) {
    %c0_i32 = arith.constant 0 : i32
    %c0_i32_0 = arith.constant 0 : i32
    return %arg0, %c0_i32 : i32, i32
  }
  func.func @transform_1(%arg0: i32) -> (i32, i32) {
    %c0_i32 = arith.constant 0 : i32
    %c0_i32_0 = arith.constant 0 : i32
    return %arg0, %c0_i32 : i32, i32
  }
  func.func @transform_2(%arg0: i32) -> (i32, i32) {
    %c0_i32 = arith.constant 0 : i32
    %c0_i32_0 = arith.constant 0 : i32
    return %arg0, %c0_i32 : i32, i32
  }
  func.func @transform_3(%arg0: i32) -> (i32, i32) {
    %c0_i32 = arith.constant 0 : i32
    %c0_i32_0 = arith.constant 0 : i32
    return %arg0, %c0_i32 : i32, i32
  }
  func.func @transform_4(%arg0: i32) -> (i32, i32) {
    %c0_i32 = arith.constant 0 : i32
    %c0_i32_0 = arith.constant 0 : i32
    %c0_i32_1 = arith.constant 0 : i32
    return %c0_i32, %c0_i32_0 : i32, i32
  }
  func.func @transform_5(%arg0: i32) -> (i32, i32) {
    %c0_i32 = arith.constant 0 : i32
    %c0_i32_0 = arith.constant 0 : i32
    %c0_i32_1 = arith.constant 0 : i32
    return %c0_i32, %c0_i32_0 : i32, i32
  }
  func.func @transform_6(%arg0: i32) -> (i32, i32) {
    %c0_i32 = arith.constant 0 : i32
    %c0_i32_0 = arith.constant 0 : i32
    return %arg0, %c0_i32 : i32, i32
  }
}

</mosaic_0001>

<sc_bundles>
// kernel: kernel.4.cloned.1.call-start
scs
__scs_entry_jumppad:
0x0: {  	(pc) =	sbr.rel $0x88, $3  }
0x1: {  	(tag) =	ssettag $0x0;
	lr =	simm.s32 $0x1  }
0x2: {  	[smem:$0x3F9D] =	sst lr;
	_ =	strace $0xD0000000  }
0x3: {  	_ = 	snop  }
0x4: {  	_ = 	snop  }
0x5: {  	_ = 	snop  }
0x6: {  	_ = 	snop  }
0x7: {  	_ = 	snop  }
__scs_overlays_trampoline_lowered:
0x8: {  	[smem:$0x3FAC] =	sst s0  }
0x9: {  	[smem:$0x3FAD] =	sst s1  }
0xa: {  	[smem:$0x3FAE] =	sst s2  }
0xb: {  	[smem:$0x3FAF] =	sst s3  }
0xc: {  	[smem:$0x3FB0] =	sst s4  }
0xd: {  	[smem:$0x3FB1] =	sst s5  }
0xe: {  	[smem:$0x3FB2] =	sst s6  }
0xf: {  	[smem:$0x3FB3] =	sst s7  }
0x10: {  	[smem:$0x3FB4] =	sst s8  }
0x11: {  	[smem:$0x3FB5] =	sst s9;
	s0 =	simm.s32 @!p0 $0x0  }
0x12: {  	s1 =	sld [smem:$0x3F9B];
	s0 =	simm.s32 @p0 $0x1  }
0x13: {  	[smem:$0x3FB6] =	sst s0;
	s0 =	simm.s32 @!p1 $0x0  }
0x14: {  	s2 =	sld [smem:$0x3F9A];
	s0 =	simm.s32 @p1 $0x1  }
0x15: {  	[smem:$0x3FB7] =	sst s0;
	s0 =	simm.s32 @!p2 $0x0  }
0x16: {  	s3 =	sld [smem:$0x3FDB];
	s0 =	simm.s32 @p2 $0x1  }
0x17: {  	s4 =	simm.s32 $0x1BF5;
	[smem:$0x3FB9] =	sst s0  }
0x18: {  	s0 =	sld [smem:$0x3F9C];
	_ =	swait.ge [sflag:s4], $0x0  }
0x19: {  	s7 =	sld [smem:$0x3F9D]  }
0x1a: {  	s8 =	sadd.s32 $0xFFFFE003, lr  }
0x1b: {  	s9 =	sadd.s32 $0xFFFFFEF7, lr;
	s5 =	simm.s32 $0xFFFFFFFF;
	p2 =	slt.u32 s8, $0xFFFFF086  }
0x1c: {  	p1 =	slt.u32 s9, $0xF7A;
	s5 =	simm.s32 @!p2 $0x0  }
0x1d: {  	s5 =	simm.s32 @p1 $0x1;
	p0 =	seq.s32 s7, s2  }
0x1e: {  	s7 =	smul.u32 @!p0 $0xF7A, s2;
	p2 =	seq.s32 @!p0 s5, $0x0  }
0x1f: {  	s9 =	smul.u32 $0xF7A, s1;
	s8 =	simm.s32 @!p0 $0x1BF5;
	p2 =	por !p2, p0  }
0x20: {  	[sflag:s8] =	ssyncset.s32 @!p0 $0xFFFFF086;
	s6 =	sadd.s32 @!p0 s3, s7;
	s7 =	simm.s32 @!p0 $0x108  }
0x21: {  	s3 =	sadd.s32 s3, s9;
	s6 =	sadd.s32 @!p0 $0x88, s6;
	s7 =	simm.s32 @p2 $0x1082  }
0x22: {  	[simem:s7], [sflag:s8] =	dma.local @!p0 [hbm:s6], $0xF7A  }
0x23: {  	s9 =	sor.u32 $0xD0000000, s2;
	s6 =	simm.s32 $0x108;
	_ =	swait.ge @!p0 [sflag:s8], $0x0  }
0x24: {  	s3 =	sadd.s32 $0x88, s3;
	s6 =	simm.s32 @!p1 $0x1082;
	[sflag:s4] =	ssyncset.s32 $0xFFFFF086  }
0x25: {  	[simem:s6], [sflag:s4] =	dma.local [hbm:s3], $0xF7A  }
0x26: {  	[smem:$0x3F9D] =	sst s1;
	(tag) =	ssettag s2;
	_ =	strace s9  }
0x27: {  	s1 =	sld [smem:$0x3FAD]  }
0x28: {  	s2 =	sld [smem:$0x3FAE]  }
0x29: {  	s4 =	sld [smem:$0x3FB0]  }
0x2a: {  	p0 =	seq.s32 s5, $0x0;
	s5 =	sld [smem:$0x3FB1]  }
0x2b: {  	s6 =	sld [smem:$0x3FB2]  }
0x2c: {  	s7 =	sld [smem:$0x3FB3]  }
0x2d: {  	s3 =	simm.s32 $0x108;
	s8 =	sld [smem:$0x3FB4]  }
0x2e: {  	s3 =	simm.s32 @!p0 $0x1082;
	s9 =	sld [smem:$0x3FB5]  }
0x2f: {  	lr =	sadd.s32 s0, s3;
	s0 =	sld [smem:$0x3FAC]  }
0x30: {  	s3 =	sld [smem:$0x3FAF]  }
0x31: {  	[smem:$0x3FB8] =	sst s10  }
0x32: {  	s10 =	sld [smem:$0x3FB6];
	_ =	sdelay $0x3  }
0x33: {  	p0 =	seq.s32 s10, $0x1;
	s10 =	sld [smem:$0x3FB8];
	_ =	sdelay $0x3  }
0x34: {  	[smem:$0x3FB8] =	sst s10  }
0x35: {  	s10 =	sld [smem:$0x3FB7];
	_ =	sdelay $0x3  }
0x36: {  	p1 =	seq.s32 s10, $0x1;
	s10 =	sld [smem:$0x3FB8];
	_ =	sdelay $0x3  }
0x37: {  	[smem:$0x3FB8] =	sst s10  }
0x38: {  	s10 =	sld [smem:$0x3FB9]  }
0x39: {  	_ = 	snop;
	(pc) =	sbr.ind lr, $3  }
0x3a: {  	_ = 	snop  }
0x3b: {  	_ = 	snop  }
0x3c: {  	p2 =	seq.s32 s10, $0x1;
	s10 =	sld [smem:$0x3FB8]  }
0x3d: {  	_ =	shalt  }
0x3e: {  	_ =	shalt  }
0x3f: {  	_ =	shalt  }
0x40: {  	_ =	shalt  }
0x41: {  	_ =	shalt  }
0x42: {  	_ =	shalt  }
0x43: {  	_ =	shalt  }
0x44: {  	_ =	shalt  }
0x45: {  	_ =	shalt  }
0x46: {  	_ =	shalt  }
0x47: {  	_ =	shalt  }
0x48: {  	_ =	shalt  }
0x49: {  	_ =	shalt  }
0x4a: {  	_ =	shalt  }
0x4b: {  	_ =	shalt  }
0x4c: {  	_ =	shalt  }
0x4d: {  	_ =	shalt  }
0x4e: {  	_ =	shalt  }
0x4f: {  	_ =	shalt  }
0x50: {  	_ =	shalt  }
0x51: {  	_ =	shalt  }
0x52: {  	_ =	shalt  }
0x53: {  	_ =	shalt  }
0x54: {  	_ =	shalt  }
0x55: {  	_ =	shalt  }
0x56: {  	_ =	shalt  }
0x57: {  	_ =	shalt  }
0x58: {  	_ =	shalt  }
0x59: {  	_ =	shalt  }
0x5a: {  	_ =	shalt  }
0x5b: {  	_ =	shalt  }
0x5c: {  	_ =	shalt  }
0x5d: {  	_ =	shalt  }
0x5e: {  	_ =	shalt  }
0x5f: {  	_ =	shalt  }
0x60: {  	_ =	shalt  }
0x61: {  	_ =	shalt  }
0x62: {  	_ =	shalt  }
0x63: {  	_ =	shalt  }
0x64: {  	_ =	shalt  }
0x65: {  	_ =	shalt  }
0x66: {  	_ =	shalt  }
0x67: {  	_ =	shalt  }
0x68: {  	_ =	shalt  }
0x69: {  	_ =	shalt  }
0x6a: {  	_ =	shalt  }
0x6b: {  	_ =	shalt  }
0x6c: {  	_ =	shalt  }
0x6d: {  	_ =	shalt  }
0x6e: {  	_ =	shalt  }
0x6f: {  	_ =	shalt  }
0x70: {  	_ =	shalt  }
0x71: {  	_ =	shalt  }
0x72: {  	_ =	shalt  }
0x73: {  	_ =	shalt  }
0x74: {  	_ =	shalt  }
0x75: {  	_ =	shalt  }
0x76: {  	_ =	shalt  }
0x77: {  	_ =	shalt  }
0x78: {  	_ =	shalt  }
0x79: {  	_ =	shalt  }
0x7a: {  	_ =	shalt  }
0x7b: {  	_ =	shalt  }
0x7c: {  	_ =	shalt  }
0x7d: {  	_ =	shalt  }
0x7e: {  	_ =	shalt  }
0x7f: {  	_ =	shalt  }
0x80: {  	_ =	shalt  }
0x81: {  	_ =	shalt  }
0x82: {  	_ =	shalt  }
0x83: {  	_ =	shalt  }
0x84: {  	_ =	shalt  }
0x85: {  	_ =	shalt  }
0x86: {  	_ =	shalt  }
0x87: {  	_ =	shalt  }
.Lfunc_end0:
.L_simem_size_0:
called_computation_lowered:
.L_overlay_start_0:
0x88: {  	s2 =	sld [smem:$0x3FD9]  }
0x89: {  	s3 =	sld [smem:$0x3FFE];
	_ =	sdelay $0x1  }
0x8a: {  	s1 =	srdreg.scid  }
0x8b: {  	s0 =	sand.u32 $0x1, s1  }
0x8c: {  	s17 =	sshll.u32 s0, $0xA;
	s2 =	sadd.s32 s3, s2  }
0x8d: {  	s2 =	sadd.s32 s2, s17  }
0x8e: {  	[smem:$0x3FC4] =	sst s2  }
0x8f: {  	_ = 	snop  }
0x90: {  	s2 =	sld [smem:$0x3FD0];
	(tm) =	ssettm $0x1  }
0x91: {  	s18 =	sld [smem:$0x3FFB];
	_ =	sdelay $0x3  }
0x92: {  	_ =	strace s18  }
0x93: {  	s3 =	sld [smem:$0x3FFC];
	_ =	sdelay $0x3  }
0x94: {  	_ =	strace s3  }
0x95: {  	s3 =	sld [smem:$0x3FFD];
	_ =	sdelay $0x3  }
0x96: {  	_ =	strace s3  }
0x97: {  	_ =	strace $0x8FFFFFFF  }
0x98: {  	s19 =	sld [smem:$0x3FDB];
	_ =	sdelay $0x1  }
0x99: {  	s4 =	simm.s32 $_scs_section_size  }
0x9a: {  	s5 =	simm.s32 $_size__tile_overlayer_lowered;
	s6 =	simm.s32 $_tile_overlayer_lowered  }
0x9b: {  	s22 =	simm.s32 $0x1BFF;
	s21 =	sshll.u32 s6, $0x1;
	s3 =	sadd.s32 s4, s19  }
0x9c: {  	s7 =	simm.s32 $0x0;
	s20 =	sshll.u32 s5, $0x1;
	s5 =	sadd.s32 s21, s3  }
0x9d: {  	[timem:s7], [sflag:s22] =	dma.local [hbm:s5], s20  }
0x9e: {  	_ =	swait.ge [sflag:s22], s20  }
0x9f: {  	s4 =	ssub.s32 $0x0, s20;
	[sflag:s22] =	ssyncset.done $0x0  }
0xa0: {  	[sflag:s22] =	ssyncadd.s32 s4;
	_ =	sdelay $0x1  }
0xa1: {  	s23 =	simm.s32 $0x1B8B  }
0xa2: {  	_ =	swait.ge [sflag:s23], $0x1  }
0xa3: {  	[sflag:s23] =	ssyncset.done $0x0  }
0xa4: {  	s25 =	simm.s32 $0x1B8E;
	s24 =	sld [smem:$0x3FFE];
	[sflag:s23] =	ssyncadd.s32 $0xFFFFFFFF  }
0xa5: {  	s26 =	simm.s32 $execute0_lowered;
	[smem:$0x3FD2] =	sst s25  }
0xa6: {  	s5 =	sshll.u32 s26, $0x1;
	_ =	strace $0x80000046;
	[dreg:$0x1] =	wrdreg $0xFFFFFFFF  }
0xa7: {  	s28 =	simm.s32 $_size_execute0_lowered;
	s3 =	sadd.s32 s3, s5;
	[dreg:$0x0] =	wrdreg $0x0  }
0xa8: {  	s5 =	sshll.u32 s28, $0x1;
	[dreg:$0x2] =	wrdreg s3  }
0xa9: {  	[dreg:$0x3] =	wrdreg s5  }
0xaa: {  	[dreg:$0x4] =	wrdreg $0xC0  }
0xab: {  	_ =	task [dreg:s7], $0x5FFFF  }
0xac: {  	[dreg:$0x1] =	wrdreg $0xFFFFFFFF  }
0xad: {  	[dreg:$0x0] =	wrdreg $0x60  }
0xae: {  	[dreg:$0x2] =	wrdreg s2  }
0xaf: {  	[dreg:$0x3] =	wrdreg s24  }
0xb0: {  	[dreg:$0x4] =	wrdreg $0x109000  }
0xb1: {  	[dreg:$0x5] =	wrdreg $0x1A9000  }
0xb2: {  	[dreg:$0x6] =	wrdreg $0x9  }
0xb3: {  	_ =	task.clear_ibuf [dreg:s7], $0x7FFFF;
	_ =	strace $0x90000046  }
0xb4: {  	s29 =	simm.s32 $0x9;
	_ =	strace $0x80000048  }
0xb5: {  	_ =	swait.ge [sflag:s29], $0x1  }
0xb6: {  	[sflag:s29] =	ssyncadd.s32 $0xFFFFFFFF  }
0xb7: {  	_ =	strace $0x90000048  }
0xb8: {  	_ =	sfence  }
0xb9: {  	s30 =	sld [smem:$0x0];
	_ =	sdelay $0x2  }
0xba: {  	s31 =	sshll.u32 s1, $0xD;
	s1 =	sshrl.u32 s1, $0x2  }
0xbb: {  	s3 =	sand.u32 $0x4000, s31;
	s1 =	sadd.s32 s1, s30  }
0xbc: {  	s0 =	sor.u32 s3, s0;
	s1 =	sshll.u32 s1, $0x11  }
0xbd: {  	s0 =	sor.u32 s1, s0  }
0xbe: {  	s0 =	sadd.s32 $0x8F2B, s0  }
0xbf: {  	[sflag:s0] =	ssyncadd.remote.s32 $0x1  }
0xc0: {  	_ =	sfence.sel $0xFFFF  }
0xc1: {  	[dreg:$0x0] =	wrdreg $0xFFFFFFFF;
	(pc) =	sbr.abs _section_cstart, $3  }
0xc2: {  	[dreg:$0x1] =	wrdreg $0xFFFFFFFF  }
0xc3: {  	_ =	task.clear_ibuf [dreg:s7], $0x2FFFF;
	_ =	strace $0x9FFFFFFF  }
0xc4: {  	(tm) =	ssettm $0x7FFFFFFF  }
0xc5: {  	_ =	shalt  }
tec
execute0_lowered:
.L_overlay_start_1:
0x0: {  	(tag) =	ssettag $0x1  }
0x1: {  	s1 =	rddreg [dreg:$0x0]  }
0x2: {  	s0 =	rddreg [dreg:$0x1]  }
0x3: {  	s2 =	rddreg [dreg:$0x2]  }
0x4: {  	s3 =	rddreg [dreg:$0x3]  }
0x5: {  	s18 =	simm.s32 $0x0;
	s4 =	srdreg.scid;
	s16 =	stileid.u32  }
0x6: {  	[smem:$0x7FF] =	sst s18;
	s8 =	smul.u32 $0x28000, s16  }
0x7: {  	s7 =	sand.u32 $0x1, s4;
	s25 =	sadd.s32 $0x1C00, s0;
	s10 =	smul.u32 $0x2780, s16  }
0x8: {  	s9 =	sadd.s32 $0xBA00, s0;
	p0 =	seq.s32 s16, $0xF;
	s12 =	smul.u32 $0x4F0, s16  }
0x9: {  	s17 =	sadd.s32 $0x6610, s0;
	s20 =	sadd.s32 $0xB430, s0;
	_ =	strace $0x80000047  }
0xa: {  	s5 =	ssub.s32 $0x2, s7;
	s13 =	simm.s32 @!p0 $0x0;
	[dreg:$0x9] =	wrdreg s17  }
0xb: {  	[dreg:$0xa] =	wrdreg s20;
	p1 =	seq.s32 s7, $0x1;
	s17 =	smul.u32 $0xA000, s16  }
0xc: {  	s6 =	sshrl.u32 s5, $0x1;
	s26 =	sshrl.u32 s8, $0x2;
	s10 =	sshrl.u32 s10, $0x3  }
0xd: {  	s13 =	simm.s32 @p0 $0x1;
	s4 =	sadd.s32 s25, s12;
	s11 =	ssub.s32 s5, s6  }
0xe: {  	s6 =	simm.s32 $0x41;
	[smem:$0x7E5] =	sst s13;
	s19 =	sadd.s32 s26, s2  }
0xf: {  	s14 =	sadd.s32 s25, s10;
	[dreg:$0x7] =	wrdreg s4;
	s25 =	sshll.u32 s7, $0x7  }
0x10: {  	s5 =	sshllo.u32 s7, $0x1;
	s6 =	simm.s32 @!p0 $0x4F;
	s15 =	sadd.s32 $0x4E20, s14  }
0x11: {  	s14 =	sshll.u32 s5, $0x6;
	s13 =	sadd.s32 $0x3800, s19;
	[dreg:$0x6] =	wrdreg s19  }
0x12: {  	[dreg:$0x8] =	wrdreg s15;
	s21 =	sand.u32 $0x4C, s6;
	s10 =	sand.u32 $0x4D, s6  }
0x13: {  	s15 =	smul.u32 $0x2800, s16;
	[dreg:$0x1a] =	wrdreg s13;
	s16 =	sadd.s32 $0x5000, s19  }
0x14: {  	s22 =	sshll.u32 s21, $0x7;
	s23 =	sshll.u32 s10, $0x7;
	s26 =	sor.u32 $0x2, s21  }
0x15: {  	[dreg:$0x1d] =	wrdreg s16;
	s12 =	sadd.s32 $0x2780, s22;
	s24 =	sadd.s32 $0x2780, s23  }
0x16: {  	s23 =	smax.u32 s11, $0x1;
	p2 =	sge.u32 s26, s6;
	[dreg:$0xb] =	wrdreg s12  }
0x17: {  	s11 =	sadd.s32 $0x2800, s19;
	[dreg:$0xc] =	wrdreg s24;
	s12 =	sor.u32 s25, s8  }
0x18: {  	s8 =	sor.u32 s8, s14;
	s14 =	simm.s32 $0x60A00;
	[dreg:$0x11] =	wrdreg s23  }
0x19: {  	s24 =	sadd.s32 $0x800, s19;
	s25 =	sshll.u32 s6, $0x9;
	[dreg:$0x18] =	wrdreg s11  }
0x1a: {  	s23 =	sadd.s32 $0x7000, s19;
	s14 =	simm.s32 @!p1 $0x5BA00;
	[dreg:$0x12] =	wrdreg s24  }
0x1b: {  	p1 =	seq.s32 s10, s6;
	s10 =	sadd.s32 $0x2000, s19;
	[smem:$0x7E9] =	sst s23  }
0x1c: {  	s12 =	sshrl.u32 s12, $0x3;
	s24 =	sadd.s32 $0x7800, s19;
	[dreg:$0x17] =	wrdreg s10  }
0x1d: {  	s22 =	sand.u32 $0x9800, s25;
	s25 =	sadd.s32 $0x8000, s19;
	[smem:$0x7EA] =	sst s24  }
0x1e: {  	s8 =	sshrl.u32 s8, $0x3;
	s12 =	sadd.s32 s9, s12;
	[smem:$0x7EB] =	sst s25  }
0x1f: {  	s8 =	sadd.s32 s9, s8;
	s0 =	sadd.s32 s14, s0;
	[dreg:$0xd] =	wrdreg s12  }
0x20: {  	s14 =	sshll.u32 s26, $0x7;
	s26 =	sadd.s32 $0x1000, s19;
	[dreg:$0xe] =	wrdreg s8  }
0x21: {  	s9 =	sadd.s32 $0x1800, s19;
	[dreg:$0x13] =	wrdreg s26  }
0x22: {  	s21 =	sadd.s32 s15, s3;
	s20 =	sadd.s32 $0x2780, s14;
	[dreg:$0x16] =	wrdreg s9  }
0x23: {  	s8 =	sshrl.u32 s21, $0x3;
	[dreg:$0x10] =	wrdreg s20  }
0x24: {  	s14 =	sadd.s32 $0x4000, s19;
	[dreg:$0x15] =	wrdreg s8  }
0x25: {  	s12 =	sshrl.u32 s15, $0x3;
	s15 =	sadd.s32 $0x4800, s19;
	[dreg:$0x1b] =	wrdreg s14  }
0x26: {  	p3 =	sne.s32 s7, $0x0;
	s21 =	sadd.s32 $0x6800, s19;
	[dreg:$0x1c] =	wrdreg s15  }
0x27: {  	p4 =	seq.s32 s7, $0x0;
	s26 =	sadd.s32 $0x8800, s19;
	[smem:$0x7E8] =	sst s21  }
0x28: {  	s4 =	sshll.u32 s7, $0x1;
	s9 =	sadd.s32 $0x9800, s19;
	[smem:$0x7EC] =	sst s26  }
0x29: {  	p6 =	sne.s32 @!p2 s7, $0x0;
	s0 =	sadd.s32 s0, s12;
	[smem:$0x7EE] =	sst s9  }
0x2a: {  	p5 =	seq.s32 @!p1 s7, $0x0;
	s12 =	sadd.s32 $0x3000, s19;
	[dreg:$0xf] =	wrdreg s0  }
0x2b: {  	p0 =	por p5, p1;
	s20 =	sadd.s32 $0x6000, s19;
	[dreg:$0x19] =	wrdreg s12  }
0x2c: {  	s7 =	simm.s32 @!p0 $0x0;
	s8 =	sadd.s32 $0x9000, s19;
	[dreg:$0x1f] =	wrdreg s20  }
0x2d: {  	s0 =	sshrl.u32 s17, $0x2;
	s7 =	simm.s32 @p0 $0x1;
	[smem:$0x7ED] =	sst s8  }
0x2e: {  	p0 =	por p6, p2;
	s17 =	sadd.s32 $0x5800, s19;
	[smem:$0x7E6] =	sst s7  }
0x2f: {  	s0 =	sadd.s32 s0, s3;
	s7 =	simm.s32 @!p0 $0x0;
	[dreg:$0x1e] =	wrdreg s17  }
0x30: {  	s7 =	simm.s32 @p0 $0x1;
	[dreg:$0x14] =	wrdreg s0  }
0x31: {  	s10 =	sadd.s32 $0x280, s0;
	[smem:$0x7E7] =	sst s7  }
0x32: {  	s11 =	sadd.s32 $0x500, s0;
	[smem:$0x7EF] =	sst s10  }
0x33: {  	s12 =	sadd.s32 $0x780, s0;
	[smem:$0x7F0] =	sst s11  }
0x34: {  	s13 =	sadd.s32 $0xA00, s0;
	[smem:$0x7F1] =	sst s12  }
0x35: {  	s14 =	sadd.s32 $0xC80, s0;
	[smem:$0x7F2] =	sst s13  }
0x36: {  	s15 =	sadd.s32 $0xF00, s0;
	[smem:$0x7F3] =	sst s14  }
0x37: {  	s16 =	sadd.s32 $0x1180, s0;
	[smem:$0x7F4] =	sst s15  }
0x38: {  	s17 =	sadd.s32 $0x1400, s0;
	[smem:$0x7F5] =	sst s16  }
0x39: {  	s20 =	sadd.s32 $0x1680, s0;
	[smem:$0x7F6] =	sst s17  }
0x3a: {  	s21 =	sadd.s32 $0x1900, s0;
	[smem:$0x7F7] =	sst s20  }
0x3b: {  	s28 =	simm.s32 $0xD680;
	s23 =	sadd.s32 $0x1B80, s0;
	[smem:$0x7F8] =	sst s21  }
0x3c: {  	s29 =	simm.s32 $0x1;
	s24 =	sadd.s32 $0x1E00, s0;
	[smem:$0x7F9] =	sst s23  }
0x3d: {  	s30 =	simm.s32 $0x2;
	s25 =	sadd.s32 $0x2080, s0;
	[smem:$0x7FA] =	sst s24  }
0x3e: {  	s31 =	simm.s32 $0x3;
	s26 =	sadd.s32 $0x2300, s0;
	[smem:$0x7FB] =	sst s25  }
0x3f: {  	v0 =	vmov s4;
	s4 =	simm.s32 $0x5;
	s0 =	sadd.s32 $0x2580, s0;
	[smem:$0x7FC] =	sst s26  }
0x40: {  	s9 =	simm.s32 $0x7;
	s8 =	simm.s32 $0x6;
	[smem:$0x7FD] =	sst s0  }
0x41: {  	s20 =	simm.s32 $0x80;
	s24 =	simm.s32 $0x7680;
	s25 =	simm.s32 $0x9680  }
0x42: {  	v2 =	vimm.f32 $0.0e+00;
	v3 =	vimm.f32 $1.000000000e+00;
	v1 =	vmov s5;
	s26 =	simm.s32 $0xB680;
	s0 =	simm.s32 $0x4;
	s10 =	simm.s32 $0x8  }
.LBB2_1:
0x43: {  	s7 =	simm.s32 $0x100;
	s5 =	simm.s32 $0x0  }
.LBB2_2:
0x44: {  	p5 =	sne.s32 s7, $0x1F00;
	[tilespmem:s5+$0xFEB0] =	vst v2;
	s11 =	smov.u32 s7;
	s7 =	sadd.s32 $0x100, s7  }
.Ltmp0:
0x45: {  	[tilespmem:s5+$0xFEA0] =	vst v2;
	(pc) =	sbr.rel @p5 .LBB2_2-.Ltmp0, $3  }
0x46: {  	[tilespmem:s5+$0xFE80] =	vst v2  }
0x47: {  	[tilespmem:s5+$0xFE90] =	vst v2;
	_ =	sdelay $0x1  }
0x48: {  	s5 =	sshra.s32 s11, $0x2  }
0x49: {  	[tilespmem:s5+$0xFEB0] =	vst v2  }
0x4a: {  	[tilespmem:s5+$0xFEA0] =	vst v2  }
0x4b: {  	[tilespmem:s5+$0xFE80] =	vst v2  }
0x4c: {  	[tilespmem:s5+$0xFE90] =	vst v2  }
0x4d: {  	[tilespmem:$0x10680] =	vst v2  }
0x4e: {  	[tilespmem:$0x10690] =	vst v2  }
0x4f: {  	[tilespmem:$0x106A0] =	vst v2  }
0x50: {  	[tilespmem:$0x106B0] =	vst v2  }
0x51: {  	[tilespmem:$0x106C0] =	vst v2  }
0x52: {  	[tilespmem:$0x106D0] =	vst v2  }
0x53: {  	[tilespmem:$0x106E0] =	vst v2  }
0x54: {  	[tilespmem:$0x106F0] =	vst v2  }
0x55: {  	[tilespmem:$0x10700] =	vst v2  }
0x56: {  	[tilespmem:$0x10710] =	vst v2  }
0x57: {  	[tilespmem:$0x10720] =	vst v2  }
0x58: {  	[tilespmem:$0x10730] =	vst v2  }
0x59: {  	[tilespmem:$0x10740] =	vst v2  }
0x5a: {  	[tilespmem:$0x10750] =	vst v2  }
0x5b: {  	[tilespmem:$0x10760] =	vst v2  }
0x5c: {  	[tilespmem:$0x10770] =	vst v2  }
0x5d: {  	[tilespmem:$0x10780] =	vst v2  }
0x5e: {  	[tilespmem:$0x10790] =	vst v2  }
0x5f: {  	[tilespmem:$0x107A0] =	vst v2  }
0x60: {  	[tilespmem:$0x107B0] =	vst v2  }
0x61: {  	[tilespmem:$0x107C0] =	vst v2  }
0x62: {  	[tilespmem:$0x107D0] =	vst v2  }
0x63: {  	[tilespmem:$0x107E0] =	vst v2  }
0x64: {  	[tilespmem:$0x107F0] =	vst v2  }
0x65: {  	[tilespmem:$0x10800] =	vst v2  }
0x66: {  	[tilespmem:$0x10810] =	vst v2  }
0x67: {  	[tilespmem:$0x10820] =	vst v2  }
0x68: {  	[tilespmem:$0x10830] =	vst v2  }
0x69: {  	[tilespmem:$0x10840] =	vst v2  }
0x6a: {  	[tilespmem:$0x10850] =	vst v2  }
0x6b: {  	[tilespmem:$0x10860] =	vst v2  }
0x6c: {  	[tilespmem:$0x10870] =	vst v2  }
0x6d: {  	[tilespmem:$0x10880] =	vst v2  }
0x6e: {  	[tilespmem:$0x10890] =	vst v2  }
0x6f: {  	[tilespmem:$0x108A0] =	vst v2  }
0x70: {  	[tilespmem:$0x108B0] =	vst v2  }
0x71: {  	[tilespmem:$0x108C0] =	vst v2  }
0x72: {  	[tilespmem:$0x108D0] =	vst v2  }
0x73: {  	[tilespmem:$0x108E0] =	vst v2  }
0x74: {  	s5 =	simm.s32 $0x40;
	s7 =	simm.s32 $0x0;
	[tilespmem:$0x108F0] =	vst v2  }
.LBB2_4:
0x75: {  	p5 =	sne.s32 s5, $0x1FC0;
	[tilespmem:s7+$0xF680] =	vst v3;
	s7 =	smov.u32 s5;
	s5 =	sadd.s32 $0x40, s5  }
.Ltmp1:
0x76: {  	(pc) =	sbr.rel @p5 .LBB2_4-.Ltmp1, $2  }
0x77: {  	_ =	sdelay $0x2  }
0x78: {  	s7 =	sshra.s32 s7, $0x2  }
0x79: {  	[tilespmem:s7+$0xF680] =	vst v3;
	s7 =	simm.s32 $0xFE80;
	s11 =	simm.s32 $0xA  }
0x7a: {  	[spmem:s19] =	stream.linear.scatter [tilespmem:s7], [sflag:$0xA], $0x800, $0x38;
	[tilespmem:$0x1D100] =	vst v63  }
0x7b: {  	_ =	swait.ge [sflag:s11], $0x800  }
0x7c: {  	[sflag:s11] =	ssyncset.done $0x0  }
0x7d: {  	s5 =	rddreg [dreg:$0x12];
	[sflag:s11] =	ssyncadd.s32 $0xFFFFF800  }
0x7e: {  	[spmem:s5] =	stream.linear.scatter [tilespmem:s7], [sflag:$0xA], $0x800, $0x38;
	[tilespmem:$0x1D100] =	vst v63  }
0x7f: {  	_ =	swait.ge [sflag:s11], $0x800  }
0x80: {  	[sflag:s11] =	ssyncset.done $0x0  }
0x81: {  	s13 =	rddreg [dreg:$0x13];
	[sflag:s11] =	ssyncadd.s32 $0xFFFFF800  }
0x82: {  	[spmem:s13] =	stream.linear.scatter [tilespmem:s7], [sflag:$0xA], $0x800, $0x38;
	[tilespmem:$0x1D100] =	vst v63  }
0x83: {  	_ =	swait.ge [sflag:s11], $0x800  }
0x84: {  	[sflag:s11] =	ssyncset.done $0x0  }
0x85: {  	s14 =	rddreg [dreg:$0x16];
	[sflag:s11] =	ssyncadd.s32 $0xFFFFF800  }
0x86: {  	[spmem:s14] =	stream.linear.scatter [tilespmem:s7], [sflag:$0xA], $0x800, $0x38;
	[tilespmem:$0x1D100] =	vst v63  }
0x87: {  	_ =	swait.ge [sflag:s11], $0x800  }
0x88: {  	[sflag:s11] =	ssyncset.done $0x0  }
0x89: {  	s15 =	rddreg [dreg:$0x17];
	[sflag:s11] =	ssyncadd.s32 $0xFFFFF800  }
0x8a: {  	[spmem:s15] =	stream.linear.scatter [tilespmem:s7], [sflag:$0xA], $0x800, $0x38;
	[tilespmem:$0x1D100] =	vst v63  }
0x8b: {  	_ =	swait.ge [sflag:s11], $0x800  }
0x8c: {  	[sflag:s11] =	ssyncset.done $0x0  }
0x8d: {  	s16 =	rddreg [dreg:$0x18];
	[sflag:s11] =	ssyncadd.s32 $0xFFFFF800  }
0x8e: {  	[spmem:s16] =	stream.linear.scatter [tilespmem:s7], [sflag:$0xA], $0x800, $0x38;
	[tilespmem:$0x1D100] =	vst v63  }
0x8f: {  	_ =	swait.ge [sflag:s11], $0x800  }
0x90: {  	[sflag:s11] =	ssyncset.done $0x0  }
0x91: {  	s17 =	rddreg [dreg:$0x19];
	[sflag:s11] =	ssyncadd.s32 $0xFFFFF800  }
0x92: {  	[spmem:s17] =	stream.linear.scatter [tilespmem:s7], [sflag:$0xA], $0x800, $0x38;
	[tilespmem:$0x1D100] =	vst v63  }
0x93: {  	_ =	swait.ge [sflag:s11], $0x800  }
0x94: {  	[sflag:s11] =	ssyncset.done $0x0  }
0x95: {  	s19 =	rddreg [dreg:$0x1a];
	[sflag:s11] =	ssyncadd.s32 $0xFFFFF800  }
0x96: {  	[spmem:s19] =	stream.linear.scatter [tilespmem:s7], [sflag:$0xA], $0x800, $0x38;
	[tilespmem:$0x1D100] =	vst v63  }
0x97: {  	_ =	swait.ge [sflag:s11], $0x800  }
0x98: {  	[sflag:s11] =	ssyncset.done $0x0  }
0x99: {  	s21 =	rddreg [dreg:$0x1b];
	[sflag:s11] =	ssyncadd.s32 $0xFFFFF800  }
0x9a: {  	[spmem:s21] =	stream.linear.scatter [tilespmem:s7], [sflag:$0xA], $0x800, $0x38;
	[tilespmem:$0x1D100] =	vst v63  }
0x9b: {  	_ =	swait.ge [sflag:s11], $0x800  }
0x9c: {  	[sflag:s11] =	ssyncset.done $0x0  }
0x9d: {  	s23 =	rddreg [dreg:$0x1c];
	[sflag:s11] =	ssyncadd.s32 $0xFFFFF800  }
0x9e: {  	[spmem:s23] =	stream.linear.scatter [tilespmem:s7], [sflag:$0xA], $0x800, $0x38;
	[tilespmem:$0x1D100] =	vst v63  }
0x9f: {  	_ =	swait.ge [sflag:s11], $0x800  }
0xa0: {  	[sflag:s11] =	ssyncset.done $0x0  }
0xa1: {  	s12 =	rddreg [dreg:$0x1d];
	[sflag:s11] =	ssyncadd.s32 $0xFFFFF800  }
0xa2: {  	[spmem:s12] =	stream.linear.scatter [tilespmem:s7], [sflag:$0xA], $0x800, $0x38;
	[tilespmem:$0x1D100] =	vst v63  }
0xa3: {  	_ =	swait.ge [sflag:s11], $0x800  }
0xa4: {  	[sflag:s11] =	ssyncset.done $0x0  }
0xa5: {  	s13 =	rddreg [dreg:$0x1e];
	[sflag:s11] =	ssyncadd.s32 $0xFFFFF800  }
0xa6: {  	[spmem:s13] =	stream.linear.scatter [tilespmem:s7], [sflag:$0xA], $0x800, $0x38;
	[tilespmem:$0x1D100] =	vst v63  }
0xa7: {  	_ =	swait.ge [sflag:s11], $0x800  }
0xa8: {  	[sflag:s11] =	ssyncset.done $0x0  }
0xa9: {  	s14 =	rddreg [dreg:$0x1f];
	[sflag:s11] =	ssyncadd.s32 $0xFFFFF800  }
0xaa: {  	[spmem:s14] =	stream.linear.scatter [tilespmem:s7], [sflag:$0xA], $0x800, $0x38;
	[tilespmem:$0x1D100] =	vst v63  }
0xab: {  	_ =	swait.ge [sflag:s11], $0x800  }
0xac: {  	s15 =	sld [smem:$0x7E8]  }
0xad: {  	[sflag:s11] =	ssyncset.done $0x0  }
0xae: {  	[sflag:s11] =	ssyncadd.s32 $0xFFFFF800  }
0xaf: {  	[spmem:s15] =	stream.linear.scatter [tilespmem:s7], [sflag:$0xA], $0x800, $0x38;
	[tilespmem:$0x1D100] =	vst v63  }
0xb0: {  	_ =	swait.ge [sflag:s11], $0x800  }
0xb1: {  	s16 =	sld [smem:$0x7E9]  }
0xb2: {  	[sflag:s11] =	ssyncset.done $0x0  }
0xb3: {  	[sflag:s11] =	ssyncadd.s32 $0xFFFFF800  }
0xb4: {  	[spmem:s16] =	stream.linear.scatter [tilespmem:s7], [sflag:$0xA], $0x800, $0x38;
	[tilespmem:$0x1D100] =	vst v63  }
0xb5: {  	_ =	swait.ge [sflag:s11], $0x800  }
0xb6: {  	s17 =	sld [smem:$0x7EA]  }
0xb7: {  	[sflag:s11] =	ssyncset.done $0x0  }
0xb8: {  	[sflag:s11] =	ssyncadd.s32 $0xFFFFF800  }
0xb9: {  	[spmem:s17] =	stream.linear.scatter [tilespmem:s7], [sflag:$0xA], $0x800, $0x38;
	[tilespmem:$0x1D100] =	vst v63  }
0xba: {  	_ =	swait.ge [sflag:s11], $0x800  }
0xbb: {  	s19 =	sld [smem:$0x7EB]  }
0xbc: {  	[sflag:s11] =	ssyncset.done $0x0  }
0xbd: {  	[sflag:s11] =	ssyncadd.s32 $0xFFFFF800  }
0xbe: {  	[spmem:s19] =	stream.linear.scatter [tilespmem:s7], [sflag:$0xA], $0x800, $0x38;
	[tilespmem:$0x1D100] =	vst v63  }
0xbf: {  	_ =	swait.ge [sflag:s11], $0x800  }
0xc0: {  	s21 =	sld [smem:$0x7EC]  }
0xc1: {  	[sflag:s11] =	ssyncset.done $0x0  }
0xc2: {  	[sflag:s11] =	ssyncadd.s32 $0xFFFFF800  }
0xc3: {  	[spmem:s21] =	stream.linear.scatter [tilespmem:s7], [sflag:$0xA], $0x800, $0x38;
	[tilespmem:$0x1D100] =	vst v63  }
0xc4: {  	_ =	swait.ge [sflag:s11], $0x800  }
0xc5: {  	s23 =	sld [smem:$0x7ED]  }
0xc6: {  	[sflag:s11] =	ssyncset.done $0x0  }
0xc7: {  	[sflag:s11] =	ssyncadd.s32 $0xFFFFF800  }
0xc8: {  	[spmem:s23] =	stream.linear.scatter [tilespmem:s7], [sflag:$0xA], $0x800, $0x38;
	[tilespmem:$0x1D100] =	vst v63  }
0xc9: {  	_ =	swait.ge [sflag:s11], $0x800  }
0xca: {  	s12 =	sld [smem:$0x7EE]  }
0xcb: {  	[sflag:s11] =	ssyncset.done $0x0  }
0xcc: {  	[sflag:s11] =	ssyncadd.s32 $0xFFFFF800  }
0xcd: {  	[spmem:s12] =	stream.linear.scatter [tilespmem:s7], [sflag:$0xA], $0x800, $0x38;
	[tilespmem:$0x1D100] =	vst v63  }
0xce: {  	_ =	swait.ge [sflag:s11], $0x800  }
0xcf: {  	[sflag:s11] =	ssyncset.done $0x0  }
0xd0: {  	s7 =	simm.s32 $0x10680;
	s13 =	rddreg [dreg:$0x14];
	[sflag:s11] =	ssyncadd.s32 $0xFFFFF800  }
0xd1: {  	[spmem:s13] =	stream.linear.scatter [tilespmem:s7], [sflag:$0xA], $0x280, $0x38;
	[tilespmem:$0x1D100] =	vst v63  }
0xd2: {  	_ =	swait.ge [sflag:s11], $0x280  }
0xd3: {  	s14 =	sld [smem:$0x7EF]  }
0xd4: {  	[sflag:s11] =	ssyncset.done $0x0  }
0xd5: {  	[sflag:s11] =	ssyncadd.s32 $0xFFFFFD80  }
0xd6: {  	[spmem:s14] =	stream.linear.scatter [tilespmem:s7], [sflag:$0xA], $0x280, $0x38;
	[tilespmem:$0x1D100] =	vst v63  }
0xd7: {  	_ =	swait.ge [sflag:s11], $0x280  }
0xd8: {  	s15 =	sld [smem:$0x7F0]  }
0xd9: {  	[sflag:s11] =	ssyncset.done $0x0  }
0xda: {  	[sflag:s11] =	ssyncadd.s32 $0xFFFFFD80  }
0xdb: {  	[spmem:s15] =	stream.linear.scatter [tilespmem:s7], [sflag:$0xA], $0x280, $0x38;
	[tilespmem:$0x1D100] =	vst v63  }
0xdc: {  	_ =	swait.ge [sflag:s11], $0x280  }
0xdd: {  	s16 =	sld [smem:$0x7F1]  }
0xde: {  	[sflag:s11] =	ssyncset.done $0x0  }
0xdf: {  	[sflag:s11] =	ssyncadd.s32 $0xFFFFFD80  }
0xe0: {  	[spmem:s16] =	stream.linear.scatter [tilespmem:s7], [sflag:$0xA], $0x280, $0x38;
	[tilespmem:$0x1D100] =	vst v63  }
0xe1: {  	_ =	swait.ge [sflag:s11], $0x280  }
0xe2: {  	s17 =	sld [smem:$0x7F2]  }
0xe3: {  	[sflag:s11] =	ssyncset.done $0x0  }
0xe4: {  	[sflag:s11] =	ssyncadd.s32 $0xFFFFFD80  }
0xe5: {  	[spmem:s17] =	stream.linear.scatter [tilespmem:s7], [sflag:$0xA], $0x280, $0x38;
	[tilespmem:$0x1D100] =	vst v63  }
0xe6: {  	_ =	swait.ge [sflag:s11], $0x280  }
0xe7: {  	s19 =	sld [smem:$0x7F3]  }
0xe8: {  	[sflag:s11] =	ssyncset.done $0x0  }
0xe9: {  	[sflag:s11] =	ssyncadd.s32 $0xFFFFFD80  }
0xea: {  	[spmem:s19] =	stream.linear.scatter [tilespmem:s7], [sflag:$0xA], $0x280, $0x38;
	[tilespmem:$0x1D100] =	vst v63  }
0xeb: {  	_ =	swait.ge [sflag:s11], $0x280  }
0xec: {  	s21 =	sld [smem:$0x7F4]  }
0xed: {  	[sflag:s11] =	ssyncset.done $0x0  }
0xee: {  	[sflag:s11] =	ssyncadd.s32 $0xFFFFFD80  }
0xef: {  	[spmem:s21] =	stream.linear.scatter [tilespmem:s7], [sflag:$0xA], $0x280, $0x38;
	[tilespmem:$0x1D100] =	vst v63  }
0xf0: {  	_ =	swait.ge [sflag:s11], $0x280  }
0xf1: {  	s23 =	sld [smem:$0x7F5]  }
0xf2: {  	[sflag:s11] =	ssyncset.done $0x0  }
0xf3: {  	[sflag:s11] =	ssyncadd.s32 $0xFFFFFD80  }
0xf4: {  	[spmem:s23] =	stream.linear.scatter [tilespmem:s7], [sflag:$0xA], $0x280, $0x38;
	[tilespmem:$0x1D100] =	vst v63  }
0xf5: {  	_ =	swait.ge [sflag:s11], $0x280  }
0xf6: {  	s12 =	sld [smem:$0x7F6]  }
0xf7: {  	[sflag:s11] =	ssyncset.done $0x0  }
0xf8: {  	[sflag:s11] =	ssyncadd.s32 $0xFFFFFD80  }
0xf9: {  	[spmem:s12] =	stream.linear.scatter [tilespmem:s7], [sflag:$0xA], $0x280, $0x38;
	[tilespmem:$0x1D100] =	vst v63  }
0xfa: {  	_ =	swait.ge [sflag:s11], $0x280  }
0xfb: {  	s13 =	sld [smem:$0x7F7]  }
0xfc: {  	[sflag:s11] =	ssyncset.done $0x0  }
0xfd: {  	[sflag:s11] =	ssyncadd.s32 $0xFFFFFD80  }
0xfe: {  	[spmem:s13] =	stream.linear.scatter [tilespmem:s7], [sflag:$0xA], $0x280, $0x38;
	[tilespmem:$0x1D100] =	vst v63  }
0xff: {  	_ =	swait.ge [sflag:s11], $0x280  }
0x100: {  	s14 =	sld [smem:$0x7F8]  }
0x101: {  	[sflag:s11] =	ssyncset.done $0x0  }
0x102: {  	[sflag:s11] =	ssyncadd.s32 $0xFFFFFD80  }
0x103: {  	[spmem:s14] =	stream.linear.scatter [tilespmem:s7], [sflag:$0xA], $0x280, $0x38;
	[tilespmem:$0x1D100] =	vst v63  }
0x104: {  	_ =	swait.ge [sflag:s11], $0x280  }
0x105: {  	s15 =	sld [smem:$0x7F9]  }
0x106: {  	[sflag:s11] =	ssyncset.done $0x0  }
0x107: {  	[sflag:s11] =	ssyncadd.s32 $0xFFFFFD80  }
0x108: {  	[spmem:s15] =	stream.linear.scatter [tilespmem:s7], [sflag:$0xA], $0x280, $0x38;
	[tilespmem:$0x1D100] =	vst v63  }
0x109: {  	_ =	swait.ge [sflag:s11], $0x280  }
0x10a: {  	s16 =	sld [smem:$0x7FA]  }
0x10b: {  	[sflag:s11] =	ssyncset.done $0x0  }
0x10c: {  	[sflag:s11] =	ssyncadd.s32 $0xFFFFFD80  }
0x10d: {  	[spmem:s16] =	stream.linear.scatter [tilespmem:s7], [sflag:$0xA], $0x280, $0x38;
	[tilespmem:$0x1D100] =	vst v63  }
0x10e: {  	_ =	swait.ge [sflag:s11], $0x280  }
0x10f: {  	s17 =	sld [smem:$0x7FB]  }
0x110: {  	[sflag:s11] =	ssyncset.done $0x0  }
0x111: {  	[sflag:s11] =	ssyncadd.s32 $0xFFFFFD80  }
0x112: {  	[spmem:s17] =	stream.linear.scatter [tilespmem:s7], [sflag:$0xA], $0x280, $0x38;
	[tilespmem:$0x1D100] =	vst v63  }
0x113: {  	_ =	swait.ge [sflag:s11], $0x280  }
0x114: {  	s19 =	sld [smem:$0x7FC]  }
0x115: {  	[sflag:s11] =	ssyncset.done $0x0  }
0x116: {  	[sflag:s11] =	ssyncadd.s32 $0xFFFFFD80  }
0x117: {  	[spmem:s19] =	stream.linear.scatter [tilespmem:s7], [sflag:$0xA], $0x280, $0x38;
	[tilespmem:$0x1D100] =	vst v63  }
0x118: {  	_ =	swait.ge [sflag:s11], $0x280  }
0x119: {  	s21 =	sld [smem:$0x7FD]  }
0x11a: {  	[sflag:s11] =	ssyncset.done $0x0  }
0x11b: {  	[sflag:s11] =	ssyncadd.s32 $0xFFFFFD80  }
0x11c: {  	[spmem:s21] =	stream.linear.scatter [tilespmem:s7], [sflag:$0xA], $0x280, $0x38;
	[tilespmem:$0x1D100] =	vst v63  }
0x11d: {  	_ =	swait.ge [sflag:s11], $0x280  }
0x11e: {  	s23 =	sld [smem:$0x7E5];
	_ =	sdelay $0x2  }
0x11f: {  	[sflag:s11] =	ssyncset.done $0x0;
	p0 =	seq.s32 s23, $0x1  }
0x120: {  	s7 =	rddreg [dreg:$0x9];
	[sflag:s11] =	ssyncadd.s32 $0xFFFFFD80;
	s5 =	simm.s32 @p0 $0x0  }
0x121: {  	[tilespmem:s5], [sflag:$0xA] =	stream.linear.gather @p0 [hbm4b:s7+s5], $0x2080, $0x38;
	[tilespmem:$0x1D100] =	vst v63  }
0x122: {  	s7 =	simm.s32 @p0 $0xA  }
0x123: {  	_ =	swait.ge @p0 [sflag:s7], $0x2080  }
0x124: {  	[sflag:s7] =	ssyncset.done @p0 $0x0  }
0x125: {  	s11 =	simm.s32 @p0 $0x2780;
	s12 =	rddreg [dreg:$0xa];
	[sflag:s7] =	ssyncadd.s32 @p0 $0xFFFFDF80  }
0x126: {  	[tilespmem:s11], [sflag:$0xA] =	stream.linear.gather @p0 [hbm4b:s12+s5], $0x2080, $0x38;
	[tilespmem:$0x1D100] =	vst v63  }
0x127: {  	_ =	swait.ge @p0 [sflag:s7], $0x2080  }
0x128: {  	[sflag:s7] =	ssyncset.done @p0 $0x0  }
0x129: {  	s5 =	simm.s32 @!p0 $0x0;
	[sflag:s7] =	ssyncadd.s32 @p0 $0xFFFFDF80;
	s7 =	rddreg [dreg:$0x7]  }
0x12a: {  	[tilespmem:s5], [sflag:$0xA] =	stream.linear.gather @!p0 [hbm4b:s7+s5], $0x2780, $0x38;
	[tilespmem:$0x1D100] =	vst v63  }
0x12b: {  	s7 =	simm.s32 @!p0 $0xA  }
0x12c: {  	_ =	swait.ge @!p0 [sflag:s7], $0x2780  }
0x12d: {  	[sflag:s7] =	ssyncset.done @!p0 $0x0  }
0x12e: {  	s11 =	simm.s32 @!p0 $0x2780;
	s12 =	rddreg [dreg:$0x8];
	[sflag:s7] =	ssyncadd.s32 @!p0 $0xFFFFD880  }
0x12f: {  	[tilespmem:s11], [sflag:$0xA] =	stream.linear.gather @!p0 [hbm4b:s12+s5], $0x2780, $0x38;
	[tilespmem:$0x1D100] =	vst v63  }
0x130: {  	_ =	swait.ge @!p0 [sflag:s7], $0x2780  }
0x131: {  	[sflag:s7] =	ssyncset.done @!p0 $0x0  }
0x132: {  	[sflag:s7] =	ssyncadd.s32 @!p0 $0xFFFFD880;
	p0 =	sne.s32 s6, $0x1  }
.Ltmp2:
0x133: {  	_ = 	snop;
	(pc) =	sbr.rel @!p0 .LBB2_6-.Ltmp2, $4  }
0x134: {  	_ = 	snop  }
0x135: {  	s5 =	sadd.s32 $0xFFFFFFFF, s6;
	[dreg:$0x5] =	wrdreg s18;
	s7 =	simm.s32 @!p0 $0x0  }
0x136: {  	s14 =	simm.s32 $0x40;
	[smem:$0x7E3] =	sst s5;
	s7 =	simm.s32 @p0 $0x1  }
0x137: {  	p5 =	por $0x0, $0x0;
	s12 =	simm.s32 $0x4F40;
	v4 =	vld [tilespmem:s14+$0xFFFFFFC0];
	[smem:$0x7E4] =	sst s7  }
0x138: {  	_ =	sdelay $0x3  }
0x139: {  	v4 =	vshll.u32 v4, $0x2  }
0x13a: {  	v4 =	vor.u32 v0, v4  }
0x13b: {  	[tilespmem:s12+$0xFFFFFFC0] =	vst v4  }
0x13c: {  	v4 =	vld [tilespmem:s14+$0xFFFFFFD0];
	_ =	sdelay $0x4  }
0x13d: {  	v4 =	vshll.u32 v4, $0x2  }
0x13e: {  	v4 =	vor.u32 v0, v4  }
0x13f: {  	[tilespmem:s12+$0xFFFFFFD0] =	vst v4  }
0x140: {  	v4 =	vld [tilespmem:s14+$0xFFFFFFE0];
	_ =	sdelay $0x4  }
0x141: {  	v4 =	vshll.u32 v4, $0x2  }
0x142: {  	v4 =	vor.u32 v0, v4  }
0x143: {  	[tilespmem:s12+$0xFFFFFFE0] =	vst v4  }
0x144: {  	v4 =	vld [tilespmem:s14+$0xFFFFFFF0];
	_ =	sdelay $0x4  }
0x145: {  	v4 =	vshll.u32 v4, $0x2  }
0x146: {  	v4 =	vor.u32 v0, v4  }
0x147: {  	[tilespmem:s12+$0xFFFFFFF0] =	vst v4  }
0x148: {  	v4 =	vld [tilespmem:s14+$0x0];
	_ =	sdelay $0x4  }
0x149: {  	v4 =	vshll.u32 v4, $0x2  }
0x14a: {  	v4 =	vor.u32 v0, v4  }
0x14b: {  	[tilespmem:s12+$0x0] =	vst v4  }
0x14c: {  	v4 =	vld [tilespmem:s14+$0x10];
	_ =	sdelay $0x4  }
0x14d: {  	v4 =	vshll.u32 v4, $0x2  }
0x14e: {  	v4 =	vor.u32 v0, v4  }
0x14f: {  	[tilespmem:s12+$0x10] =	vst v4  }
0x150: {  	v4 =	vld [tilespmem:s14+$0x20];
	_ =	sdelay $0x4  }
0x151: {  	v4 =	vshll.u32 v4, $0x2  }
0x152: {  	v4 =	vor.u32 v0, v4  }
0x153: {  	[tilespmem:s12+$0x20] =	vst v4  }
0x154: {  	v4 =	vld [tilespmem:s14+$0x30];
	_ =	sdelay $0x2  }
0x155: {  	p6 =	sne.s32 s5, $0x1  }
.Ltmp3:
0x156: {  	_ = 	snop;
	(pc) =	sbr.rel @!p6 .LBB2_8-.Ltmp3, $4  }
0x157: {  	v4 =	vshll.u32 v4, $0x2  }
0x158: {  	v4 =	vor.u32 v0, v4  }
0x159: {  	s14 =	simm.s32 $0xC0;
	[tilespmem:s12+$0x30] =	vst v4  }
0x15a: {  	s7 =	sadd.s32 $0xFFFFFFFF, s5;
	p5 =	por $0x1, $0x1;
	s5 =	simm.s32 $0x4F40;
	v4 =	vld [tilespmem:s14+$0xFFFFFFC0]  }
.LBB2_9:
0x15b: {  	p6 =	sne.s32 s7, $0x1;
	_ =	sdelay $0x3  }
0x15c: {  	v4 =	vshll.u32 v4, $0x2  }
0x15d: {  	s5 =	sadd.s32 $0x80, s5;
	v4 =	vor.u32 v0, v4  }
0x15e: {  	[tilespmem:s5+$0xFFFFFFC0] =	vst v4  }
0x15f: {  	v4 =	vld [tilespmem:s14+$0xFFFFFFD0];
	_ =	sdelay $0x4  }
0x160: {  	v4 =	vshll.u32 v4, $0x2  }
0x161: {  	v4 =	vor.u32 v0, v4  }
0x162: {  	[tilespmem:s5+$0xFFFFFFD0] =	vst v4  }
0x163: {  	v4 =	vld [tilespmem:s14+$0xFFFFFFE0];
	_ =	sdelay $0x4  }
0x164: {  	v4 =	vshll.u32 v4, $0x2  }
0x165: {  	v4 =	vor.u32 v0, v4  }
0x166: {  	[tilespmem:s5+$0xFFFFFFE0] =	vst v4  }
0x167: {  	v4 =	vld [tilespmem:s14+$0xFFFFFFF0];
	_ =	sdelay $0x4  }
0x168: {  	v4 =	vshll.u32 v4, $0x2  }
0x169: {  	v4 =	vor.u32 v0, v4  }
0x16a: {  	[tilespmem:s5+$0xFFFFFFF0] =	vst v4  }
0x16b: {  	v4 =	vld [tilespmem:s14+$0x0];
	_ =	sdelay $0x4  }
0x16c: {  	v4 =	vshll.u32 v4, $0x2  }
0x16d: {  	v4 =	vor.u32 v0, v4  }
0x16e: {  	[tilespmem:s5+$0x0] =	vst v4  }
0x16f: {  	v4 =	vld [tilespmem:s14+$0x10];
	_ =	sdelay $0x4  }
0x170: {  	v4 =	vshll.u32 v4, $0x2  }
0x171: {  	v4 =	vor.u32 v0, v4  }
0x172: {  	[tilespmem:s5+$0x10] =	vst v4  }
0x173: {  	v4 =	vld [tilespmem:s14+$0x20];
	_ =	sdelay $0x4  }
0x174: {  	v4 =	vshll.u32 v4, $0x2  }
0x175: {  	v4 =	vor.u32 v0, v4  }
0x176: {  	[tilespmem:s5+$0x20] =	vst v4  }
0x177: {  	v4 =	vld [tilespmem:s14+$0x30];
	_ =	sdelay $0x3  }
.Ltmp4:
0x178: {  	(pc) =	sbr.rel @p6 .LBB2_9-.Ltmp4, $4  }
0x179: {  	v4 =	vshll.u32 v4, $0x2  }
0x17a: {  	v4 =	vor.u32 v0, v4  }
0x17b: {  	s14 =	sadd.s32 $0x80, s14;
	[tilespmem:s5+$0x30] =	vst v4  }
0x17c: {  	s7 =	sadd.s32 $0xFFFFFFFF, s7;
	v4 =	vld [tilespmem:s14+$0xFFFFFFC0]  }
.LBB2_10:
0x17d: {  	_ =	sdelay $0x3  }
0x17e: {  	s5 =	sadd.s32 @p5 $0x80, s5;
	v4 =	vshll.u32 v4, $0x2  }
0x17f: {  	s12 =	smov.u32 @p5 s5;
	v4 =	vor.u32 v0, v4  }
0x180: {  	[tilespmem:s12+$0xFFFFFFC0] =	vst v4  }
0x181: {  	v4 =	vld [tilespmem:s14+$0xFFFFFFD0];
	_ =	sdelay $0x4  }
0x182: {  	v4 =	vshll.u32 v4, $0x2  }
0x183: {  	v4 =	vor.u32 v0, v4  }
0x184: {  	[tilespmem:s12+$0xFFFFFFD0] =	vst v4  }
0x185: {  	v4 =	vld [tilespmem:s14+$0xFFFFFFE0];
	_ =	sdelay $0x4  }
0x186: {  	v4 =	vshll.u32 v4, $0x2  }
0x187: {  	v4 =	vor.u32 v0, v4  }
0x188: {  	[tilespmem:s12+$0xFFFFFFE0] =	vst v4  }
0x189: {  	v4 =	vld [tilespmem:s14+$0xFFFFFFF0];
	_ =	sdelay $0x4  }
0x18a: {  	v4 =	vshll.u32 v4, $0x2  }
0x18b: {  	v4 =	vor.u32 v0, v4  }
0x18c: {  	[tilespmem:s12+$0xFFFFFFF0] =	vst v4  }
0x18d: {  	v4 =	vld [tilespmem:s14+$0x0];
	_ =	sdelay $0x4  }
0x18e: {  	v4 =	vshll.u32 v4, $0x2  }
0x18f: {  	v4 =	vor.u32 v0, v4  }
0x190: {  	[tilespmem:s12+$0x0] =	vst v4  }
0x191: {  	v4 =	vld [tilespmem:s14+$0x10];
	_ =	sdelay $0x4  }
0x192: {  	v4 =	vshll.u32 v4, $0x2  }
0x193: {  	v4 =	vor.u32 v0, v4  }
0x194: {  	[tilespmem:s12+$0x10] =	vst v4  }
0x195: {  	v4 =	vld [tilespmem:s14+$0x20];
	_ =	sdelay $0x4  }
0x196: {  	v4 =	vshll.u32 v4, $0x2  }
0x197: {  	v4 =	vor.u32 v0, v4  }
0x198: {  	[tilespmem:s12+$0x20] =	vst v4  }
0x199: {  	v4 =	vld [tilespmem:s14+$0x30];
	_ =	sdelay $0x4  }
0x19a: {  	v4 =	vshll.u32 v4, $0x2  }
0x19b: {  	v4 =	vor.u32 v0, v4  }
0x19c: {  	s18 =	simm.s32 $0x4F00;
	[tilespmem:s12+$0x30] =	vst v4  }
0x19d: {  	[tilespmem:s24], [sflag:$0x1] =	stream.indirect.gather [hbm4b:s1+s20], $0x40, s18, s20, $0xb8;
	[tilespmem:$0x1D100] =	vst v63  }
0x19e: {  	s19 =	simm.s32 $0x4F80  }
0x19f: {  	[tilespmem:s25], [sflag:$0x2] =	stream.indirect.gather [hbm4b:s1+s20], $0x40, s19, s20, $0xb8;
	[tilespmem:$0x1D100] =	vst v63  }
0x1a0: {  	s21 =	simm.s32 $0x5000  }
0x1a1: {  	[tilespmem:s26], [sflag:$0x3] =	stream.indirect.gather [hbm4b:s1+s20], $0x40, s21, s20, $0xb8;
	[tilespmem:$0x1D100] =	vst v63  }
0x1a2: {  	s23 =	simm.s32 $0x5080  }
0x1a3: {  	[tilespmem:s28], [sflag:$0x4] =	stream.indirect.gather [hbm4b:s1+s20], $0x40, s23, s20, $0xb8;
	[tilespmem:$0x1D100] =	vst v63  }
0x1a4: {  	[bflag:$0x0] =	sbarrier.arrive $0xFFFF  }
0x1a5: {  	p5 =	por @!p3 $0x1, $0x1;
	_ =	swait.ge [sflag:s29], $0x2000  }
0x1a6: {  	p5 =	por p5, p3;
	[sflag:s29] =	ssyncset.done $0x0  }
0x1a7: {  	s5 =	simm.s32 $0x2780;
	s7 =	simm.s32 @!p5 $0x9;
	[sflag:s29] =	ssyncadd.s32 $0xFFFFE000  }
0x1a8: {  	[spmem:s2] =	stream.indirect.scatter.add.f32 [tilespmem:s24], [sflag:$0x5], $0x40, s5, s20, $0xb8;
	[tilespmem:$0x1D100] =	vst v63  }
0x1a9: {  	_ =	swait.ge @!p5 [sflag:s7], $0x800  }
0x1aa: {  	[sflag:s7] =	ssyncset.done @!p5 $0x0  }
0x1ab: {  	s14 =	simm.s32 @!p3 $0x80;
	s18 =	simm.s32 @!p3 $0xF680;
	[sflag:s7] =	ssyncadd.s32 @!p5 $0xFFFFF800  }
0x1ac: {  	[spmem:s3] =	stream.indirect.scatter.add.f32 @!p3 [tilespmem:s18], [sflag:$0x9], $0x10, s5, s14, $0xb8;
	[tilespmem:$0x1D100] =	vst v63  }
0x1ad: {  	p5 =	por @!p4 $0x1, $0x1;
	_ =	swait.ge [sflag:s30], $0x2000  }
0x1ae: {  	p5 =	por p5, p4;
	[sflag:s30] =	ssyncset.done $0x0  }
0x1af: {  	s5 =	simm.s32 $0x2800;
	s7 =	simm.s32 @!p5 $0x9;
	[sflag:s30] =	ssyncadd.s32 $0xFFFFE000  }
0x1b0: {  	[spmem:s2] =	stream.indirect.scatter.add.f32 [tilespmem:s25], [sflag:$0x6], $0x40, s5, s20, $0xb8;
	[tilespmem:$0x1D100] =	vst v63  }
0x1b1: {  	_ =	swait.ge @!p5 [sflag:s7], $0x800  }
0x1b2: {  	[sflag:s7] =	ssyncset.done @!p5 $0x0  }
0x1b3: {  	s15 =	simm.s32 @!p4 $0x80;
	s16 =	simm.s32 @!p4 $0xF680;
	[sflag:s7] =	ssyncadd.s32 @!p5 $0xFFFFF800  }
0x1b4: {  	[spmem:s3] =	stream.indirect.scatter.add.f32 @!p4 [tilespmem:s16], [sflag:$0x9], $0x10, s5, s15, $0xb8;
	[tilespmem:$0x1D100] =	vst v63  }
0x1b5: {  	_ =	swait.ge [sflag:s31], $0x2000  }
0x1b6: {  	[sflag:s31] =	ssyncset.done $0x0  }
0x1b7: {  	s12 =	simm.s32 @!p3 $0x9;
	s5 =	simm.s32 $0x2880;
	[sflag:s31] =	ssyncadd.s32 $0xFFFFE000  }
0x1b8: {  	[spmem:s2] =	stream.indirect.scatter.add.f32 [tilespmem:s26], [sflag:$0x7], $0x40, s5, s20, $0xb8;
	[tilespmem:$0x1D100] =	vst v63  }
0x1b9: {  	_ =	swait.ge @!p3 [sflag:s12], $0x800  }
0x1ba: {  	[sflag:s12] =	ssyncset.done @!p3 $0x0  }
0x1bb: {  	[sflag:s12] =	ssyncadd.s32 @!p3 $0xFFFFF800  }
0x1bc: {  	[spmem:s3] =	stream.indirect.scatter.add.f32 @!p3 [tilespmem:s18], [sflag:$0x9], $0x10, s5, s14, $0xb8;
	[tilespmem:$0x1D100] =	vst v63  }
0x1bd: {  	_ =	swait.ge [sflag:s0], $0x2000  }
0x1be: {  	[sflag:s0] =	ssyncset.done $0x0  }
0x1bf: {  	s13 =	simm.s32 @!p4 $0x9;
	s5 =	simm.s32 $0x2900;
	[sflag:s0] =	ssyncadd.s32 $0xFFFFE000  }
0x1c0: {  	[spmem:s2] =	stream.indirect.scatter.add.f32 [tilespmem:s28], [sflag:$0x8], $0x40, s5, s20, $0xb8;
	[tilespmem:$0x1D100] =	vst v63  }
0x1c1: {  	_ =	swait.ge @!p4 [sflag:s13], $0x800  }
0x1c2: {  	[sflag:s13] =	ssyncset.done @!p4 $0x0  }
0x1c3: {  	[sflag:s13] =	ssyncadd.s32 @!p4 $0xFFFFF800  }
0x1c4: {  	[spmem:s3] =	stream.indirect.scatter.add.f32 @!p4 [tilespmem:s16], [sflag:$0x9], $0x10, s5, s15, $0xb8;
	[tilespmem:$0x1D100] =	vst v63  }
0x1c5: {  	p5 =	sle.u32 s6, $0x4;
	_ =	swait.ge [sflag:s4], $0x2000  }
0x1c6: {  	s7 =	simm.s32 @!p5 $0x5100;
	[sflag:s4] =	ssyncset.done $0x0  }
0x1c7: {  	s17 =	simm.s32 @!p5 $0x80;
	s5 =	simm.s32 @!p5 $0x7680;
	[sflag:s4] =	ssyncadd.s32 $0xFFFFE000  }
0x1c8: {  	[tilespmem:s5], [sflag:$0x1] =	stream.indirect.gather @!p5 [hbm4b:s1+s17], $0x40, s7, s17, $0xb8;
	[tilespmem:$0x1D100] =	vst v63  }
0x1c9: {  	p5 =	sle.u32 s6, $0x5;
	_ =	swait.ge [sflag:s8], $0x2000  }
0x1ca: {  	p0 =	sne.s32 s22, $0x800;
	s5 =	simm.s32 @!p5 $0x80;
	[sflag:s8] =	ssyncset.done $0x0  }
0x1cb: {  	s7 =	simm.s32 @!p5 $0x5180;
	s17 =	simm.s32 @!p5 $0x9680;
	[sflag:s8] =	ssyncadd.s32 $0xFFFFE000  }
0x1cc: {  	[tilespmem:s17], [sflag:$0x2] =	stream.indirect.gather @!p5 [hbm4b:s1+s5], $0x40, s7, s5, $0xb8;
	[tilespmem:$0x1D100] =	vst v63  }
0x1cd: {  	p6 =	sle.u32 s6, $0x7;
	p5 =	sle.u32 s6, $0x6;
	_ =	swait.ge [sflag:s9], $0x2000  }
.Ltmp5:
0x1ce: {  	s5 =	simm.s32 @!p5 $0x80;
	[sflag:s9] =	ssyncset.done $0x0;
	(pc) =	sbr.rel @!p0 .LBB2_12-.Ltmp5, $4  }
0x1cf: {  	s7 =	simm.s32 @!p5 $0x5200;
	s19 =	simm.s32 @!p5 $0xB680;
	[sflag:s9] =	ssyncadd.s32 $0xFFFFE000  }
0x1d0: {  	[tilespmem:s19], [sflag:$0x3] =	stream.indirect.gather @!p5 [hbm4b:s1+s5], $0x40, s7, s5, $0xb8;
	[tilespmem:$0x1D100] =	vst v63  }
0x1d1: {  	s17 =	simm.s32 $0x800;
	s7 =	simm.s32 $0x8;
	_ =	swait.ge [sflag:s10], $0x2000  }
0x1d2: {  	s19 =	simm.s32 @!p6 $0x0;
	s5 =	simm.s32 @!p6 $0xD680;
	[sflag:s10] =	ssyncset.done $0x0  }
.LBB2_11:
0x1d3: {  	[sflag:s10] =	ssyncadd.s32 $0xFFFFE000;
	s14 =	sadd.s32 @!p6 $0x5280, s19;
	s18 =	simm.s32 @!p6 $0x80  }
0x1d4: {  	[tilespmem:s5], [sflag:$0x4] =	stream.indirect.gather @!p6 [hbm4b:s1+s18], $0x40, s14, s18, $0xb8;
	[tilespmem:$0x1D100] =	vst v63  }
0x1d5: {  	s5 =	smov.u32 s17;
	s17 =	sadd.s32 $0x800, s17;
	_ =	swait.ge [sflag:s29], $0x2000  }
0x1d6: {  	s19 =	sshra.s32 s5, $0x2;
	p0 =	seq.s32 @!p3 s5, $0x0;
	[sflag:s29] =	ssyncset.done $0x0  }
0x1d7: {  	s11 =	sadd.s32 $0x2780, s19;
	p0 =	por p0, p3;
	[sflag:s29] =	ssyncadd.s32 $0xFFFFE000  }
0x1d8: {  	[spmem:s2] =	stream.indirect.scatter.add.f32 [tilespmem:s24], [sflag:$0x5], $0x40, s11, s20, $0xb8;
	[tilespmem:$0x1D100] =	vst v63  }
0x1d9: {  	p5 =	sne.s32 s22, s17;
	s23 =	simm.s32 @!p0 $0x9  }
0x1da: {  	_ =	swait.ge @!p0 [sflag:s23], $0x800  }
0x1db: {  	s14 =	simm.s32 @!p3 $0x80;
	s18 =	simm.s32 @!p3 $0xF680;
	[sflag:s23] =	ssyncset.done @!p0 $0x0  }
0x1dc: {  	[sflag:s23] =	ssyncadd.s32 @!p0 $0xFFFFF800  }
0x1dd: {  	[spmem:s3] =	stream.indirect.scatter.add.f32 @!p3 [tilespmem:s18], [sflag:$0x9], $0x10, s11, s14, $0xb8;
	[tilespmem:$0x1D100] =	vst v63  }
0x1de: {  	p0 =	seq.s32 @!p4 s5, $0x0;
	_ =	swait.ge [sflag:s30], $0x2000  }
0x1df: {  	s11 =	sadd.s32 $0x2800, s19;
	p0 =	por p0, p4;
	[sflag:s30] =	ssyncset.done $0x0  }
0x1e0: {  	s23 =	simm.s32 @!p0 $0x9;
	[sflag:s30] =	ssyncadd.s32 $0xFFFFE000  }
0x1e1: {  	[spmem:s2] =	stream.indirect.scatter.add.f32 [tilespmem:s25], [sflag:$0x6], $0x40, s11, s20, $0xb8;
	[tilespmem:$0x1D100] =	vst v63  }
0x1e2: {  	_ =	swait.ge @!p0 [sflag:s23], $0x800  }
0x1e3: {  	[sflag:s23] =	ssyncset.done @!p0 $0x0  }
0x1e4: {  	[sflag:s23] =	ssyncadd.s32 @!p0 $0xFFFFF800  }
0x1e5: {  	[spmem:s3] =	stream.indirect.scatter.add.f32 @!p4 [tilespmem:s16], [sflag:$0x9], $0x10, s11, s15, $0xb8;
	[tilespmem:$0x1D100] =	vst v63  }
0x1e6: {  	_ =	swait.ge [sflag:s31], $0x2000  }
0x1e7: {  	s11 =	sadd.s32 $0x2880, s19;
	[sflag:s31] =	ssyncset.done $0x0  }
0x1e8: {  	[sflag:s31] =	ssyncadd.s32 $0xFFFFE000  }
0x1e9: {  	[spmem:s2] =	stream.indirect.scatter.add.f32 [tilespmem:s26], [sflag:$0x7], $0x40, s11, s20, $0xb8;
	[tilespmem:$0x1D100] =	vst v63  }
0x1ea: {  	_ =	swait.ge @!p3 [sflag:s12], $0x800  }
0x1eb: {  	[sflag:s12] =	ssyncset.done @!p3 $0x0  }
0x1ec: {  	[sflag:s12] =	ssyncadd.s32 @!p3 $0xFFFFF800  }
0x1ed: {  	[spmem:s3] =	stream.indirect.scatter.add.f32 @!p3 [tilespmem:s18], [sflag:$0x9], $0x10, s11, s14, $0xb8;
	[tilespmem:$0x1D100] =	vst v63  }
0x1ee: {  	_ =	swait.ge [sflag:s0], $0x2000  }
0x1ef: {  	s11 =	sadd.s32 $0x2900, s19;
	[sflag:s0] =	ssyncset.done $0x0  }
0x1f0: {  	[sflag:s0] =	ssyncadd.s32 $0xFFFFE000  }
0x1f1: {  	[spmem:s2] =	stream.indirect.scatter.add.f32 [tilespmem:s28], [sflag:$0x8], $0x40, s11, s20, $0xb8;
	[tilespmem:$0x1D100] =	vst v63  }
0x1f2: {  	_ =	swait.ge @!p4 [sflag:s13], $0x800  }
0x1f3: {  	[sflag:s13] =	ssyncset.done @!p4 $0x0  }
0x1f4: {  	p6 =	sge.u32 s7, s6;
	[sflag:s13] =	ssyncadd.s32 @!p4 $0xFFFFF800  }
0x1f5: {  	[spmem:s3] =	stream.indirect.scatter.add.f32 @!p4 [tilespmem:s16], [sflag:$0x9], $0x10, s11, s15, $0xb8;
	[tilespmem:$0x1D100] =	vst v63  }
0x1f6: {  	s19 =	simm.s32 @!p6 $0x7680;
	s11 =	sshra.s32 @!p6 s5, $0x2;
	_ =	swait.ge [sflag:s4], $0x2000  }
0x1f7: {  	s23 =	simm.s32 @!p6 $0x80;
	s11 =	sadd.s32 @!p6 $0x5100, s11;
	[sflag:s4] =	ssyncset.done $0x0  }
0x1f8: {  	s21 =	sadd.s32 $0x1, s7;
	[sflag:s4] =	ssyncadd.s32 $0xFFFFE000  }
0x1f9: {  	[tilespmem:s19], [sflag:$0x1] =	stream.indirect.gather @!p6 [hbm4b:s1+s23], $0x40, s11, s23, $0xb8;
	[tilespmem:$0x1D100] =	vst v63  }
0x1fa: {  	p0 =	sge.u32 s21, s6;
	s11 =	sadd.s32 $0x2, s7;
	_ =	swait.ge [sflag:s8], $0x2000  }
0x1fb: {  	s21 =	simm.s32 @!p0 $0x80;
	s19 =	sshra.s32 @!p0 s5, $0x2;
	[sflag:s8] =	ssyncset.done $0x0  }
0x1fc: {  	s23 =	simm.s32 @!p0 $0x9680;
	s19 =	sadd.s32 @!p0 $0x5180, s19;
	[sflag:s8] =	ssyncadd.s32 $0xFFFFE000  }
0x1fd: {  	[tilespmem:s23], [sflag:$0x2] =	stream.indirect.gather @!p0 [hbm4b:s1+s21], $0x40, s19, s21, $0xb8;
	[tilespmem:$0x1D100] =	vst v63  }
0x1fe: {  	p0 =	sge.u32 s11, s6  }
0x1ff: {  	s11 =	sadd.s32 $0x3, s7;
	_ =	swait.ge [sflag:s9], $0x2000;
	s19 =	sshra.s32 @!p0 s5, $0x2  }
.Ltmp6:
0x200: {  	s21 =	simm.s32 @!p0 $0x80;
	[sflag:s9] =	ssyncset.done $0x0;
	(pc) =	sbr.rel @p5 .LBB2_11-.Ltmp6, $4  }
0x201: {  	s23 =	simm.s32 @!p0 $0xB680;
	s19 =	sadd.s32 @!p0 $0x5200, s19;
	[sflag:s9] =	ssyncadd.s32 $0xFFFFE000  }
0x202: {  	[tilespmem:s23], [sflag:$0x3] =	stream.indirect.gather @!p0 [hbm4b:s1+s21], $0x40, s19, s21, $0xb8;
	[tilespmem:$0x1D100] =	vst v63  }
0x203: {  	s7 =	sadd.s32 $0x4, s7;
	p6 =	sge.u32 s11, s6;
	_ =	swait.ge [sflag:s10], $0x2000  }
0x204: {  	s19 =	sshra.s32 @!p6 s5, $0x2;
	s5 =	simm.s32 @!p6 $0xD680;
	[sflag:s10] =	ssyncset.done $0x0  }
.LBB2_12:
0x205: {  	[sflag:s10] =	ssyncadd.s32 $0xFFFFE000  }
0x206: {  	s7 =	sadd.s32 @!p6 $0x5280, s19;
	s11 =	simm.s32 @!p6 $0x80;
	s17 =	simm.s32 $0x9  }
0x207: {  	[tilespmem:s5], [sflag:$0x4] =	stream.indirect.gather @!p6 [hbm4b:s1+s11], $0x40, s7, s11, $0xb8;
	[tilespmem:$0x1D100] =	vst v63  }
0x208: {  	_ =	swait.ge [sflag:s17], $0x800  }
0x209: {  	[sflag:s17] =	ssyncset.done $0x0  }
0x20a: {  	[sflag:s17] =	ssyncadd.s32 $0xFFFFF800  }
0x20b: {  	_ =	swait.ge [sflag:s29], $0x2000  }
0x20c: {  	[sflag:s29] =	ssyncset.done $0x0  }
0x20d: {  	s12 =	simm.s32 $0xA;
	s21 =	rddreg [dreg:$0xb];
	[sflag:s29] =	ssyncadd.s32 $0xFFFFE000  }
0x20e: {  	[spmem:s2] =	stream.indirect.scatter.add.f32 [tilespmem:s24], [sflag:$0xA], $0x40, s21, s20, $0xb8;
	[tilespmem:$0x1D100] =	vst v63  }
0x20f: {  	_ =	swait.ge [sflag:s12], $0x2000  }
0x210: {  	[sflag:s12] =	ssyncset.done $0x0  }
0x211: {  	s5 =	simm.s32 @!p3 $0xA;
	[sflag:s12] =	ssyncadd.s32 $0xFFFFE000  }
0x212: {  	[spmem:s3] =	stream.indirect.scatter.add.f32 @!p3 [tilespmem:s18], [sflag:$0xA], $0x10, s21, s14, $0xb8;
	[tilespmem:$0x1D100] =	vst v63  }
0x213: {  	_ =	swait.ge @!p3 [sflag:s5], $0x800  }
0x214: {  	[sflag:s5] =	ssyncset.done @!p3 $0x0  }
0x215: {  	[sflag:s5] =	ssyncadd.s32 @!p3 $0xFFFFF800;
	s5 =	simm.s32 @!p1 $0x2  }
0x216: {  	_ =	swait.ge @!p1 [sflag:s5], $0x2000  }
0x217: {  	s7 =	simm.s32 @!p1 $0x9680;
	[sflag:s5] =	ssyncset.done @!p1 $0x0  }
0x218: {  	s23 =	rddreg [dreg:$0xc];
	[sflag:s5] =	ssyncadd.s32 @!p1 $0xFFFFE000;
	s5 =	simm.s32 @!p1 $0x80  }
0x219: {  	[spmem:s2] =	stream.indirect.scatter.add.f32 @!p1 [tilespmem:s7], [sflag:$0xA], $0x40, s23, s5, $0xb8;
	[tilespmem:$0x1D100] =	vst v63  }
0x21a: {  	s5 =	simm.s32 @!p1 $0xA  }
0x21b: {  	_ =	swait.ge @!p1 [sflag:s5], $0x2000  }
0x21c: {  	s19 =	sld [smem:$0x7E6];
	_ =	sdelay $0x2  }
0x21d: {  	[sflag:s5] =	ssyncset.done @!p1 $0x0;
	p0 =	seq.s32 s19, $0x1  }
0x21e: {  	[sflag:s5] =	ssyncadd.s32 @!p1 $0xFFFFE000;
	s5 =	simm.s32 @!p0 $0x80;
	s7 =	simm.s32 @!p0 $0xF680  }
0x21f: {  	[spmem:s3] =	stream.indirect.scatter.add.f32 @!p0 [tilespmem:s7], [sflag:$0xA], $0x10, s23, s5, $0xb8;
	[tilespmem:$0x1D100] =	vst v63  }
0x220: {  	s5 =	simm.s32 @!p0 $0xA  }
0x221: {  	_ =	swait.ge @!p0 [sflag:s5], $0x800  }
0x222: {  	[sflag:s5] =	ssyncset.done @!p0 $0x0  }
0x223: {  	[sflag:s5] =	ssyncadd.s32 @!p0 $0xFFFFF800;
	s5 =	simm.s32 @!p2 $0x3  }
0x224: {  	_ =	swait.ge @!p2 [sflag:s5], $0x2000  }
0x225: {  	s7 =	simm.s32 @!p2 $0xB680;
	[sflag:s5] =	ssyncset.done @!p2 $0x0  }
0x226: {  	s11 =	rddreg [dreg:$0x10];
	[sflag:s5] =	ssyncadd.s32 @!p2 $0xFFFFE000;
	s5 =	simm.s32 @!p2 $0x80  }
0x227: {  	[spmem:s2] =	stream.indirect.scatter.add.f32 @!p2 [tilespmem:s7], [sflag:$0xA], $0x40, s11, s5, $0xb8;
	[tilespmem:$0x1D100] =	vst v63  }
0x228: {  	s5 =	simm.s32 @!p2 $0xA  }
0x229: {  	_ =	swait.ge @!p2 [sflag:s5], $0x2000  }
0x22a: {  	s7 =	sld [smem:$0x7E7];
	_ =	sdelay $0x2  }
0x22b: {  	[sflag:s5] =	ssyncset.done @!p2 $0x0;
	p0 =	seq.s32 s7, $0x1  }
0x22c: {  	[sflag:s5] =	ssyncadd.s32 @!p2 $0xFFFFE000;
	s5 =	simm.s32 @!p0 $0x80;
	s7 =	simm.s32 @!p0 $0xF680  }
0x22d: {  	[spmem:s3] =	stream.indirect.scatter.add.f32 @!p0 [tilespmem:s7], [sflag:$0xA], $0x10, s11, s5, $0xb8;
	[tilespmem:$0x1D100] =	vst v63  }
0x22e: {  	s5 =	simm.s32 @!p0 $0xA  }
0x22f: {  	_ =	swait.ge @!p0 [sflag:s5], $0x800  }
0x230: {  	[sflag:s5] =	ssyncset.done @!p0 $0x0  }
0x231: {  	[sflag:s5] =	ssyncadd.s32 @!p0 $0xFFFFF800  }
0x232: {  	s11 =	stileid.u32;
	[bflag:$0x0] =	sbarrier.arrive $0xFFFF  }
0x233: {  	s16 =	simm.s32 $0x20;
	s5 =	sshll.u32 s11, $0x6;
	s19 =	rddreg [dreg:$0x6]  }
0x234: {  	s14 =	sor.u32 $0x1C0A, s5;
	s13 =	rddreg [dreg:$0xd];
	s15 =	sshrl.u32 s19, $0x3  }
0x235: {  	[hbm:s13@s16], [sflag:s14] =	dma.strided [spmem:s15@s10], $0x1400, s29, $0x8   }
0x236: {  	_ =	swait.ge [sflag:s12], $0x1400  }
0x237: {  	[sflag:s12] =	ssyncset.done $0x0;
	s17 =	rddreg [dreg:$0xf]  }
0x238: {  	s18 =	rddreg [dreg:$0x15];
	[sflag:s12] =	ssyncadd.s32 $0xFFFFEC00  }
0x239: {  	[hbm:s17], [sflag:s14] =	dma.local [spmem:s18], $0x500  }
0x23a: {  	_ =	swait.ge [sflag:s12], $0x500  }
0x23b: {  	[sflag:s12] =	ssyncset.done $0x0  }
0x23c: {  	s7 =	simm.s32 $0xFE80;
	[sflag:s12] =	ssyncadd.s32 $0xFFFFFB00  }
0x23d: {  	[spmem:s19] =	stream.linear.scatter [tilespmem:s7], [sflag:$0xA], $0x800, $0x38;
	[tilespmem:$0x1D100] =	vst v63  }
0x23e: {  	_ =	swait.ge [sflag:s12], $0x800  }
0x23f: {  	[sflag:s12] =	ssyncset.done $0x0  }
0x240: {  	s11 =	rddreg [dreg:$0x12];
	[sflag:s12] =	ssyncadd.s32 $0xFFFFF800  }
0x241: {  	[spmem:s11] =	stream.linear.scatter [tilespmem:s7], [sflag:$0xA], $0x800, $0x38;
	[tilespmem:$0x1D100] =	vst v63  }
0x242: {  	_ =	swait.ge [sflag:s12], $0x800  }
0x243: {  	[sflag:s12] =	ssyncset.done $0x0  }
0x244: {  	s13 =	rddreg [dreg:$0x13];
	[sflag:s12] =	ssyncadd.s32 $0xFFFFF800  }
0x245: {  	[spmem:s13] =	stream.linear.scatter [tilespmem:s7], [sflag:$0xA], $0x800, $0x38;
	[tilespmem:$0x1D100] =	vst v63  }
0x246: {  	_ =	swait.ge [sflag:s12], $0x800  }
0x247: {  	[sflag:s12] =	ssyncset.done $0x0  }
0x248: {  	s16 =	rddreg [dreg:$0x16];
	[sflag:s12] =	ssyncadd.s32 $0xFFFFF800  }
0x249: {  	[spmem:s16] =	stream.linear.scatter [tilespmem:s7], [sflag:$0xA], $0x800, $0x38;
	[tilespmem:$0x1D100] =	vst v63  }
0x24a: {  	_ =	swait.ge [sflag:s12], $0x800  }
0x24b: {  	[sflag:s12] =	ssyncset.done $0x0  }
0x24c: {  	s17 =	rddreg [dreg:$0x17];
	[sflag:s12] =	ssyncadd.s32 $0xFFFFF800  }
0x24d: {  	[spmem:s17] =	stream.linear.scatter [tilespmem:s7], [sflag:$0xA], $0x800, $0x38;
	[tilespmem:$0x1D100] =	vst v63  }
0x24e: {  	_ =	swait.ge [sflag:s12], $0x800  }
0x24f: {  	[sflag:s12] =	ssyncset.done $0x0  }
0x250: {  	s18 =	rddreg [dreg:$0x18];
	[sflag:s12] =	ssyncadd.s32 $0xFFFFF800  }
0x251: {  	[spmem:s18] =	stream.linear.scatter [tilespmem:s7], [sflag:$0xA], $0x800, $0x38;
	[tilespmem:$0x1D100] =	vst v63  }
0x252: {  	_ =	swait.ge [sflag:s12], $0x800  }
0x253: {  	[sflag:s12] =	ssyncset.done $0x0  }
0x254: {  	s11 =	rddreg [dreg:$0x19];
	[sflag:s12] =	ssyncadd.s32 $0xFFFFF800  }
0x255: {  	[spmem:s11] =	stream.linear.scatter [tilespmem:s7], [sflag:$0xA], $0x800, $0x38;
	[tilespmem:$0x1D100] =	vst v63  }
0x256: {  	_ =	swait.ge [sflag:s12], $0x800  }
0x257: {  	[sflag:s12] =	ssyncset.done $0x0  }
0x258: {  	s13 =	rddreg [dreg:$0x1a];
	[sflag:s12] =	ssyncadd.s32 $0xFFFFF800  }
0x259: {  	[spmem:s13] =	stream.linear.scatter [tilespmem:s7], [sflag:$0xA], $0x800, $0x38;
	[tilespmem:$0x1D100] =	vst v63  }
0x25a: {  	_ =	swait.ge [sflag:s12], $0x800  }
0x25b: {  	[sflag:s12] =	ssyncset.done $0x0  }
0x25c: {  	s16 =	rddreg [dreg:$0x1b];
	[sflag:s12] =	ssyncadd.s32 $0xFFFFF800  }
0x25d: {  	[spmem:s16] =	stream.linear.scatter [tilespmem:s7], [sflag:$0xA], $0x800, $0x38;
	[tilespmem:$0x1D100] =	vst v63  }
0x25e: {  	_ =	swait.ge [sflag:s12], $0x800  }
0x25f: {  	[sflag:s12] =	ssyncset.done $0x0  }
0x260: {  	s17 =	rddreg [dreg:$0x1c];
	[sflag:s12] =	ssyncadd.s32 $0xFFFFF800  }
0x261: {  	[spmem:s17] =	stream.linear.scatter [tilespmem:s7], [sflag:$0xA], $0x800, $0x38;
	[tilespmem:$0x1D100] =	vst v63  }
0x262: {  	_ =	swait.ge [sflag:s12], $0x800  }
0x263: {  	[sflag:s12] =	ssyncset.done $0x0  }
0x264: {  	s18 =	rddreg [dreg:$0x1d];
	[sflag:s12] =	ssyncadd.s32 $0xFFFFF800  }
0x265: {  	[spmem:s18] =	stream.linear.scatter [tilespmem:s7], [sflag:$0xA], $0x800, $0x38;
	[tilespmem:$0x1D100] =	vst v63  }
0x266: {  	_ =	swait.ge [sflag:s12], $0x800  }
0x267: {  	[sflag:s12] =	ssyncset.done $0x0  }
0x268: {  	s11 =	rddreg [dreg:$0x1e];
	[sflag:s12] =	ssyncadd.s32 $0xFFFFF800  }
0x269: {  	[spmem:s11] =	stream.linear.scatter [tilespmem:s7], [sflag:$0xA], $0x800, $0x38;
	[tilespmem:$0x1D100] =	vst v63  }
0x26a: {  	_ =	swait.ge [sflag:s12], $0x800  }
0x26b: {  	[sflag:s12] =	ssyncset.done $0x0  }
0x26c: {  	s13 =	rddreg [dreg:$0x1f];
	[sflag:s12] =	ssyncadd.s32 $0xFFFFF800  }
0x26d: {  	[spmem:s13] =	stream.linear.scatter [tilespmem:s7], [sflag:$0xA], $0x800, $0x38;
	[tilespmem:$0x1D100] =	vst v63  }
0x26e: {  	_ =	swait.ge [sflag:s12], $0x800  }
0x26f: {  	s16 =	sld [smem:$0x7E8]  }
0x270: {  	[sflag:s12] =	ssyncset.done $0x0  }
0x271: {  	[sflag:s12] =	ssyncadd.s32 $0xFFFFF800  }
0x272: {  	[spmem:s16] =	stream.linear.scatter [tilespmem:s7], [sflag:$0xA], $0x800, $0x38;
	[tilespmem:$0x1D100] =	vst v63  }
0x273: {  	_ =	swait.ge [sflag:s12], $0x800  }
0x274: {  	s17 =	sld [smem:$0x7E9]  }
0x275: {  	[sflag:s12] =	ssyncset.done $0x0  }
0x276: {  	[sflag:s12] =	ssyncadd.s32 $0xFFFFF800  }
0x277: {  	[spmem:s17] =	stream.linear.scatter [tilespmem:s7], [sflag:$0xA], $0x800, $0x38;
	[tilespmem:$0x1D100] =	vst v63  }
0x278: {  	_ =	swait.ge [sflag:s12], $0x800  }
0x279: {  	s18 =	sld [smem:$0x7EA]  }
0x27a: {  	[sflag:s12] =	ssyncset.done $0x0  }
0x27b: {  	[sflag:s12] =	ssyncadd.s32 $0xFFFFF800  }
0x27c: {  	[spmem:s18] =	stream.linear.scatter [tilespmem:s7], [sflag:$0xA], $0x800, $0x38;
	[tilespmem:$0x1D100] =	vst v63  }
0x27d: {  	_ =	swait.ge [sflag:s12], $0x800  }
0x27e: {  	s11 =	sld [smem:$0x7EB]  }
0x27f: {  	[sflag:s12] =	ssyncset.done $0x0  }
0x280: {  	[sflag:s12] =	ssyncadd.s32 $0xFFFFF800  }
0x281: {  	[spmem:s11] =	stream.linear.scatter [tilespmem:s7], [sflag:$0xA], $0x800, $0x38;
	[tilespmem:$0x1D100] =	vst v63  }
0x282: {  	_ =	swait.ge [sflag:s12], $0x800  }
0x283: {  	s13 =	sld [smem:$0x7EC]  }
0x284: {  	[sflag:s12] =	ssyncset.done $0x0  }
0x285: {  	[sflag:s12] =	ssyncadd.s32 $0xFFFFF800  }
0x286: {  	[spmem:s13] =	stream.linear.scatter [tilespmem:s7], [sflag:$0xA], $0x800, $0x38;
	[tilespmem:$0x1D100] =	vst v63  }
0x287: {  	_ =	swait.ge [sflag:s12], $0x800  }
0x288: {  	s16 =	sld [smem:$0x7ED]  }
0x289: {  	[sflag:s12] =	ssyncset.done $0x0  }
0x28a: {  	[sflag:s12] =	ssyncadd.s32 $0xFFFFF800  }
0x28b: {  	[spmem:s16] =	stream.linear.scatter [tilespmem:s7], [sflag:$0xA], $0x800, $0x38;
	[tilespmem:$0x1D100] =	vst v63  }
0x28c: {  	_ =	swait.ge [sflag:s12], $0x800  }
0x28d: {  	s17 =	sld [smem:$0x7EE]  }
0x28e: {  	[sflag:s12] =	ssyncset.done $0x0  }
0x28f: {  	[sflag:s12] =	ssyncadd.s32 $0xFFFFF800  }
0x290: {  	[spmem:s17] =	stream.linear.scatter [tilespmem:s7], [sflag:$0xA], $0x800, $0x38;
	[tilespmem:$0x1D100] =	vst v63  }
0x291: {  	_ =	swait.ge [sflag:s12], $0x800  }
0x292: {  	[sflag:s12] =	ssyncset.done $0x0  }
0x293: {  	[sflag:s12] =	ssyncadd.s32 $0xFFFFF800  }
0x294: {  	[bflag:$0x0] =	sbarrier.arrive $0xFFFF  }
0x295: {  	s18 =	sld [smem:$0x7E4];
	_ =	sdelay $0x2  }
0x296: {  	p0 =	seq.s32 s18, $0x1  }
.Ltmp7:
0x297: {  	_ = 	snop;
	(pc) =	sbr.rel @!p0 .LBB2_13-.Ltmp7, $3  }
0x298: {  	_ =	sdelay $0x1  }
0x299: {  	s13 =	simm.s32 $0x40  }
0x29a: {  	p5 =	por $0x0, $0x0;
	s12 =	simm.s32 $0x4F40;
	v4 =	vld [tilespmem:s13+$0xFFFFFFC0]  }
0x29b: {  	_ =	sdelay $0x3  }
0x29c: {  	v4 =	vshll.u32 v4, $0x2  }
0x29d: {  	v4 =	vor.u32 v1, v4  }
0x29e: {  	[tilespmem:s12+$0xFFFFFFC0] =	vst v4  }
0x29f: {  	v4 =	vld [tilespmem:s13+$0xFFFFFFD0];
	_ =	sdelay $0x4  }
0x2a0: {  	v4 =	vshll.u32 v4, $0x2  }
0x2a1: {  	v4 =	vor.u32 v1, v4  }
0x2a2: {  	[tilespmem:s12+$0xFFFFFFD0] =	vst v4  }
0x2a3: {  	v4 =	vld [tilespmem:s13+$0xFFFFFFE0];
	_ =	sdelay $0x4  }
0x2a4: {  	v4 =	vshll.u32 v4, $0x2  }
0x2a5: {  	v4 =	vor.u32 v1, v4  }
0x2a6: {  	[tilespmem:s12+$0xFFFFFFE0] =	vst v4  }
0x2a7: {  	v4 =	vld [tilespmem:s13+$0xFFFFFFF0];
	_ =	sdelay $0x4  }
0x2a8: {  	v4 =	vshll.u32 v4, $0x2  }
0x2a9: {  	v4 =	vor.u32 v1, v4  }
0x2aa: {  	[tilespmem:s12+$0xFFFFFFF0] =	vst v4  }
0x2ab: {  	v4 =	vld [tilespmem:s13+$0x0];
	_ =	sdelay $0x4  }
0x2ac: {  	v4 =	vshll.u32 v4, $0x2  }
0x2ad: {  	v4 =	vor.u32 v1, v4  }
0x2ae: {  	[tilespmem:s12+$0x0] =	vst v4  }
0x2af: {  	v4 =	vld [tilespmem:s13+$0x10];
	_ =	sdelay $0x4  }
0x2b0: {  	v4 =	vshll.u32 v4, $0x2  }
0x2b1: {  	v4 =	vor.u32 v1, v4  }
0x2b2: {  	[tilespmem:s12+$0x10] =	vst v4  }
0x2b3: {  	v4 =	vld [tilespmem:s13+$0x20];
	_ =	sdelay $0x4  }
0x2b4: {  	v4 =	vshll.u32 v4, $0x2  }
0x2b5: {  	v4 =	vor.u32 v1, v4  }
0x2b6: {  	[tilespmem:s12+$0x20] =	vst v4  }
0x2b7: {  	s5 =	sld [smem:$0x7E3];
	v4 =	vld [tilespmem:s13+$0x30];
	_ =	sdelay $0x2  }
0x2b8: {  	p0 =	sne.s32 s5, $0x1  }
.Ltmp8:
0x2b9: {  	_ = 	snop;
	(pc) =	sbr.rel @!p0 .LBB2_15-.Ltmp8, $4  }
0x2ba: {  	v4 =	vshll.u32 v4, $0x2  }
0x2bb: {  	v4 =	vor.u32 v1, v4  }
0x2bc: {  	p5 =	por $0x1, $0x1;
	s13 =	simm.s32 $0xC0;
	[tilespmem:s12+$0x30] =	vst v4  }
0x2bd: {  	s18 =	rddreg [dreg:$0x5];
	s7 =	sadd.s32 $0xFFFFFFFF, s5;
	s5 =	simm.s32 $0x4F40;
	v4 =	vld [tilespmem:s13+$0xFFFFFFC0]  }
.LBB2_16:
0x2be: {  	p6 =	sne.s32 s7, $0x1;
	_ =	sdelay $0x3  }
0x2bf: {  	v4 =	vshll.u32 v4, $0x2  }
0x2c0: {  	s5 =	sadd.s32 $0x80, s5;
	v4 =	vor.u32 v1, v4  }
0x2c1: {  	[tilespmem:s5+$0xFFFFFFC0] =	vst v4  }
0x2c2: {  	v4 =	vld [tilespmem:s13+$0xFFFFFFD0];
	_ =	sdelay $0x4  }
0x2c3: {  	v4 =	vshll.u32 v4, $0x2  }
0x2c4: {  	v4 =	vor.u32 v1, v4  }
0x2c5: {  	[tilespmem:s5+$0xFFFFFFD0] =	vst v4  }
0x2c6: {  	v4 =	vld [tilespmem:s13+$0xFFFFFFE0];
	_ =	sdelay $0x4  }
0x2c7: {  	v4 =	vshll.u32 v4, $0x2  }
0x2c8: {  	v4 =	vor.u32 v1, v4  }
0x2c9: {  	[tilespmem:s5+$0xFFFFFFE0] =	vst v4  }
0x2ca: {  	v4 =	vld [tilespmem:s13+$0xFFFFFFF0];
	_ =	sdelay $0x4  }
0x2cb: {  	v4 =	vshll.u32 v4, $0x2  }
0x2cc: {  	v4 =	vor.u32 v1, v4  }
0x2cd: {  	[tilespmem:s5+$0xFFFFFFF0] =	vst v4  }
0x2ce: {  	v4 =	vld [tilespmem:s13+$0x0];
	_ =	sdelay $0x4  }
0x2cf: {  	v4 =	vshll.u32 v4, $0x2  }
0x2d0: {  	v4 =	vor.u32 v1, v4  }
0x2d1: {  	[tilespmem:s5+$0x0] =	vst v4  }
0x2d2: {  	v4 =	vld [tilespmem:s13+$0x10];
	_ =	sdelay $0x4  }
0x2d3: {  	v4 =	vshll.u32 v4, $0x2  }
0x2d4: {  	v4 =	vor.u32 v1, v4  }
0x2d5: {  	[tilespmem:s5+$0x10] =	vst v4  }
0x2d6: {  	v4 =	vld [tilespmem:s13+$0x20];
	_ =	sdelay $0x4  }
0x2d7: {  	v4 =	vshll.u32 v4, $0x2  }
0x2d8: {  	v4 =	vor.u32 v1, v4  }
0x2d9: {  	[tilespmem:s5+$0x20] =	vst v4  }
0x2da: {  	v4 =	vld [tilespmem:s13+$0x30];
	_ =	sdelay $0x3  }
.Ltmp9:
0x2db: {  	(pc) =	sbr.rel @p6 .LBB2_16-.Ltmp9, $4  }
0x2dc: {  	v4 =	vshll.u32 v4, $0x2  }
0x2dd: {  	v4 =	vor.u32 v1, v4  }
0x2de: {  	s13 =	sadd.s32 $0x80, s13;
	[tilespmem:s5+$0x30] =	vst v4  }
0x2df: {  	s7 =	sadd.s32 $0xFFFFFFFF, s7;
	v4 =	vld [tilespmem:s13+$0xFFFFFFC0]  }
.LBB2_17:
0x2e0: {  	_ =	sdelay $0x3  }
0x2e1: {  	s5 =	sadd.s32 @p5 $0x80, s5;
	v4 =	vshll.u32 v4, $0x2  }
0x2e2: {  	s12 =	smov.u32 @p5 s5;
	v4 =	vor.u32 v1, v4  }
0x2e3: {  	[tilespmem:s12+$0xFFFFFFC0] =	vst v4  }
0x2e4: {  	v4 =	vld [tilespmem:s13+$0xFFFFFFD0];
	_ =	sdelay $0x4  }
0x2e5: {  	v4 =	vshll.u32 v4, $0x2  }
0x2e6: {  	v4 =	vor.u32 v1, v4  }
0x2e7: {  	[tilespmem:s12+$0xFFFFFFD0] =	vst v4  }
0x2e8: {  	v4 =	vld [tilespmem:s13+$0xFFFFFFE0];
	_ =	sdelay $0x4  }
0x2e9: {  	v4 =	vshll.u32 v4, $0x2  }
0x2ea: {  	v4 =	vor.u32 v1, v4  }
0x2eb: {  	[tilespmem:s12+$0xFFFFFFE0] =	vst v4  }
0x2ec: {  	v4 =	vld [tilespmem:s13+$0xFFFFFFF0];
	_ =	sdelay $0x4  }
0x2ed: {  	v4 =	vshll.u32 v4, $0x2  }
0x2ee: {  	v4 =	vor.u32 v1, v4  }
0x2ef: {  	[tilespmem:s12+$0xFFFFFFF0] =	vst v4  }
0x2f0: {  	v4 =	vld [tilespmem:s13+$0x0];
	_ =	sdelay $0x4  }
0x2f1: {  	v4 =	vshll.u32 v4, $0x2  }
0x2f2: {  	v4 =	vor.u32 v1, v4  }
0x2f3: {  	[tilespmem:s12+$0x0] =	vst v4  }
0x2f4: {  	v4 =	vld [tilespmem:s13+$0x10];
	_ =	sdelay $0x4  }
0x2f5: {  	v4 =	vshll.u32 v4, $0x2  }
0x2f6: {  	v4 =	vor.u32 v1, v4  }
0x2f7: {  	[tilespmem:s12+$0x10] =	vst v4  }
0x2f8: {  	v4 =	vld [tilespmem:s13+$0x20];
	_ =	sdelay $0x4  }
0x2f9: {  	v4 =	vshll.u32 v4, $0x2  }
0x2fa: {  	v4 =	vor.u32 v1, v4  }
0x2fb: {  	[tilespmem:s12+$0x20] =	vst v4  }
0x2fc: {  	v4 =	vld [tilespmem:s13+$0x30];
	_ =	sdelay $0x4  }
0x2fd: {  	v4 =	vshll.u32 v4, $0x2  }
0x2fe: {  	v4 =	vor.u32 v1, v4  }
0x2ff: {  	s16 =	simm.s32 $0x4F00;
	[tilespmem:s12+$0x30] =	vst v4  }
0x300: {  	[tilespmem:s24], [sflag:$0x1] =	stream.indirect.gather [hbm4b:s1+s20], $0x40, s16, s20, $0xb8;
	[tilespmem:$0x1D100] =	vst v63  }
0x301: {  	s17 =	simm.s32 $0x4F80  }
0x302: {  	[tilespmem:s25], [sflag:$0x2] =	stream.indirect.gather [hbm4b:s1+s20], $0x40, s17, s20, $0xb8;
	[tilespmem:$0x1D100] =	vst v63  }
0x303: {  	s7 =	simm.s32 $0x5000  }
0x304: {  	[tilespmem:s26], [sflag:$0x3] =	stream.indirect.gather [hbm4b:s1+s20], $0x40, s7, s20, $0xb8;
	[tilespmem:$0x1D100] =	vst v63  }
0x305: {  	s11 =	simm.s32 $0x5080  }
0x306: {  	[tilespmem:s28], [sflag:$0x4] =	stream.indirect.gather [hbm4b:s1+s20], $0x40, s11, s20, $0xb8;
	[tilespmem:$0x1D100] =	vst v63  }
0x307: {  	[bflag:$0x0] =	sbarrier.arrive $0xFFFF  }
0x308: {  	_ =	swait.ge [sflag:s29], $0x2000  }
0x309: {  	[sflag:s29] =	ssyncset.done $0x0  }
0x30a: {  	s12 =	simm.s32 $0x2780;
	[sflag:s29] =	ssyncadd.s32 $0xFFFFE000  }
0x30b: {  	[spmem:s2] =	stream.indirect.scatter.add.f32 [tilespmem:s24], [sflag:$0x5], $0x40, s12, s20, $0xb8;
	[tilespmem:$0x1D100] =	vst v63  }
0x30c: {  	_ =	swait.ge [sflag:s30], $0x2000  }
0x30d: {  	[sflag:s30] =	ssyncset.done $0x0  }
0x30e: {  	s13 =	simm.s32 $0x2800;
	[sflag:s30] =	ssyncadd.s32 $0xFFFFE000  }
0x30f: {  	[spmem:s2] =	stream.indirect.scatter.add.f32 [tilespmem:s25], [sflag:$0x6], $0x40, s13, s20, $0xb8;
	[tilespmem:$0x1D100] =	vst v63  }
0x310: {  	_ =	swait.ge [sflag:s31], $0x2000  }
0x311: {  	[sflag:s31] =	ssyncset.done $0x0  }
0x312: {  	s16 =	simm.s32 $0x2880;
	[sflag:s31] =	ssyncadd.s32 $0xFFFFE000  }
0x313: {  	[spmem:s2] =	stream.indirect.scatter.add.f32 [tilespmem:s26], [sflag:$0x7], $0x40, s16, s20, $0xb8;
	[tilespmem:$0x1D100] =	vst v63  }
0x314: {  	_ =	swait.ge [sflag:s0], $0x2000  }
0x315: {  	[sflag:s0] =	ssyncset.done $0x0  }
0x316: {  	s17 =	simm.s32 $0x2900;
	[sflag:s0] =	ssyncadd.s32 $0xFFFFE000  }
0x317: {  	[spmem:s2] =	stream.indirect.scatter.add.f32 [tilespmem:s28], [sflag:$0x8], $0x40, s17, s20, $0xb8;
	[tilespmem:$0x1D100] =	vst v63  }
0x318: {  	p0 =	sle.u32 s6, $0x4;
	_ =	swait.ge [sflag:s4], $0x2000  }
0x319: {  	s5 =	simm.s32 @!p0 $0x7680;
	[sflag:s4] =	ssyncset.done $0x0  }
0x31a: {  	s7 =	simm.s32 @!p0 $0x5100;
	s11 =	simm.s32 @!p0 $0x80;
	[sflag:s4] =	ssyncadd.s32 $0xFFFFE000  }
0x31b: {  	[tilespmem:s5], [sflag:$0x1] =	stream.indirect.gather @!p0 [hbm4b:s1+s11], $0x40, s7, s11, $0xb8;
	[tilespmem:$0x1D100] =	vst v63  }
0x31c: {  	p0 =	sle.u32 s6, $0x5;
	_ =	swait.ge [sflag:s8], $0x2000  }
0x31d: {  	s5 =	simm.s32 @!p0 $0x9680;
	[sflag:s8] =	ssyncset.done $0x0  }
0x31e: {  	s7 =	simm.s32 @!p0 $0x5180;
	s11 =	simm.s32 @!p0 $0x80;
	[sflag:s8] =	ssyncadd.s32 $0xFFFFE000  }
0x31f: {  	[tilespmem:s5], [sflag:$0x2] =	stream.indirect.gather @!p0 [hbm4b:s1+s11], $0x40, s7, s11, $0xb8;
	[tilespmem:$0x1D100] =	vst v63  }
0x320: {  	p0 =	sle.u32 s6, $0x6;
	_ =	swait.ge [sflag:s9], $0x2000  }
0x321: {  	s7 =	simm.s32 @!p0 $0xB680;
	[sflag:s9] =	ssyncset.done $0x0  }
0x322: {  	s11 =	simm.s32 @!p0 $0x5200;
	s12 =	simm.s32 @!p0 $0x80;
	[sflag:s9] =	ssyncadd.s32 $0xFFFFE000  }
0x323: {  	[tilespmem:s7], [sflag:$0x3] =	stream.indirect.gather @!p0 [hbm4b:s1+s12], $0x40, s11, s12, $0xb8;
	[tilespmem:$0x1D100] =	vst v63  }
0x324: {  	p0 =	sne.s32 s22, $0x800  }
.Ltmp10:
0x325: {  	_ = 	snop;
	(pc) =	sbr.rel @!p0 .LBB2_19-.Ltmp10, $4  }
0x326: {  	p6 =	sle.u32 s6, $0x7  }
0x327: {  	s13 =	simm.s32 @!p6 $0x80;
	_ =	swait.ge [sflag:s10], $0x2000  }
0x328: {  	s5 =	simm.s32 $0x800;
	s7 =	simm.s32 $0x8;
	[sflag:s10] =	ssyncset.done $0x0  }
0x329: {  	s11 =	simm.s32 @!p6 $0xD680;
	s12 =	simm.s32 @!p6 $0x5280;
	[sflag:s10] =	ssyncadd.s32 $0xFFFFE000  }
.LBB2_18:
0x32a: {  	[tilespmem:s11], [sflag:$0x4] =	stream.indirect.gather @!p6 [hbm4b:s1+s13], $0x40, s12, s13, $0xb8;
	[tilespmem:$0x1D100] =	vst v63  }
0x32b: {  	s11 =	smov.u32 s5;
	s5 =	sadd.s32 $0x800, s5  }
0x32c: {  	p5 =	sne.s32 s22, s5;
	_ =	swait.ge [sflag:s29], $0x2000  }
0x32d: {  	s12 =	sshra.s32 s11, $0x2;
	[sflag:s29] =	ssyncset.done $0x0  }
0x32e: {  	s13 =	sadd.s32 $0x2780, s12;
	[sflag:s29] =	ssyncadd.s32 $0xFFFFE000  }
0x32f: {  	[spmem:s2] =	stream.indirect.scatter.add.f32 [tilespmem:s24], [sflag:$0x5], $0x40, s13, s20, $0xb8;
	[tilespmem:$0x1D100] =	vst v63  }
0x330: {  	_ =	swait.ge [sflag:s30], $0x2000  }
0x331: {  	[sflag:s30] =	ssyncset.done $0x0  }
0x332: {  	s13 =	sadd.s32 $0x2800, s12;
	[sflag:s30] =	ssyncadd.s32 $0xFFFFE000  }
0x333: {  	[spmem:s2] =	stream.indirect.scatter.add.f32 [tilespmem:s25], [sflag:$0x6], $0x40, s13, s20, $0xb8;
	[tilespmem:$0x1D100] =	vst v63  }
0x334: {  	_ =	swait.ge [sflag:s31], $0x2000  }
0x335: {  	[sflag:s31] =	ssyncset.done $0x0  }
0x336: {  	s13 =	sadd.s32 $0x2880, s12;
	[sflag:s31] =	ssyncadd.s32 $0xFFFFE000  }
0x337: {  	[spmem:s2] =	stream.indirect.scatter.add.f32 [tilespmem:s26], [sflag:$0x7], $0x40, s13, s20, $0xb8;
	[tilespmem:$0x1D100] =	vst v63  }
0x338: {  	_ =	swait.ge [sflag:s0], $0x2000  }
0x339: {  	[sflag:s0] =	ssyncset.done $0x0  }
0x33a: {  	s12 =	sadd.s32 $0x2900, s12;
	[sflag:s0] =	ssyncadd.s32 $0xFFFFE000  }
0x33b: {  	[spmem:s2] =	stream.indirect.scatter.add.f32 [tilespmem:s28], [sflag:$0x8], $0x40, s12, s20, $0xb8;
	[tilespmem:$0x1D100] =	vst v63  }
0x33c: {  	p0 =	sge.u32 s7, s6;
	s12 =	sadd.s32 $0x1, s7;
	_ =	swait.ge [sflag:s4], $0x2000  }
0x33d: {  	s16 =	simm.s32 @!p0 $0x7680;
	s13 =	sshra.s32 @!p0 s11, $0x2;
	[sflag:s4] =	ssyncset.done $0x0  }
0x33e: {  	s17 =	simm.s32 @!p0 $0x80;
	s13 =	sadd.s32 @!p0 $0x5100, s13;
	[sflag:s4] =	ssyncadd.s32 $0xFFFFE000  }
0x33f: {  	[tilespmem:s16], [sflag:$0x1] =	stream.indirect.gather @!p0 [hbm4b:s1+s17], $0x40, s13, s17, $0xb8;
	[tilespmem:$0x1D100] =	vst v63  }
0x340: {  	p0 =	sge.u32 s12, s6;
	s12 =	sadd.s32 $0x2, s7;
	_ =	swait.ge [sflag:s8], $0x2000  }
0x341: {  	s13 =	sshra.s32 @!p0 s11, $0x2;
	s16 =	simm.s32 @!p0 $0x9680;
	[sflag:s8] =	ssyncset.done $0x0  }
0x342: {  	s17 =	simm.s32 @!p0 $0x80;
	s13 =	sadd.s32 @!p0 $0x5180, s13;
	[sflag:s8] =	ssyncadd.s32 $0xFFFFE000  }
0x343: {  	[tilespmem:s16], [sflag:$0x2] =	stream.indirect.gather @!p0 [hbm4b:s1+s17], $0x40, s13, s17, $0xb8;
	[tilespmem:$0x1D100] =	vst v63  }
0x344: {  	p0 =	sge.u32 s12, s6  }
0x345: {  	s12 =	sadd.s32 $0x3, s7;
	_ =	swait.ge [sflag:s9], $0x2000;
	s13 =	sshra.s32 @!p0 s11, $0x2  }
0x346: {  	s16 =	simm.s32 @!p0 $0xB680;
	s17 =	simm.s32 @!p0 $0x80;
	[sflag:s9] =	ssyncset.done $0x0  }
.Ltmp11:
0x347: {  	s13 =	sadd.s32 @!p0 $0x5200, s13;
	[sflag:s9] =	ssyncadd.s32 $0xFFFFE000;
	(pc) =	sbr.rel @p5 .LBB2_18-.Ltmp11, $4  }
0x348: {  	[tilespmem:s16], [sflag:$0x3] =	stream.indirect.gather @!p0 [hbm4b:s1+s17], $0x40, s13, s17, $0xb8;
	[tilespmem:$0x1D100] =	vst v63  }
0x349: {  	s7 =	sadd.s32 $0x4, s7;
	p6 =	sge.u32 s12, s6;
	_ =	swait.ge [sflag:s10], $0x2000  }
0x34a: {  	s12 =	sshra.s32 @!p6 s11, $0x2;
	s11 =	simm.s32 @!p6 $0xD680;
	[sflag:s10] =	ssyncset.done $0x0  }
0x34b: {  	s12 =	sadd.s32 @!p6 $0x5280, s12;
	s13 =	simm.s32 @!p6 $0x80;
	[sflag:s10] =	ssyncadd.s32 $0xFFFFE000  }
.LBB2_19:
0x34c: {  	[tilespmem:s11], [sflag:$0x4] =	stream.indirect.gather @!p6 [hbm4b:s1+s13], $0x40, s12, s13, $0xb8;
	[tilespmem:$0x1D100] =	vst v63  }
0x34d: {  	_ =	swait.ge [sflag:s29], $0x2000  }
0x34e: {  	[sflag:s29] =	ssyncset.done $0x0  }
0x34f: {  	s16 =	simm.s32 $0xA;
	[sflag:s29] =	ssyncadd.s32 $0xFFFFE000  }
0x350: {  	[spmem:s2] =	stream.indirect.scatter.add.f32 [tilespmem:s24], [sflag:$0xA], $0x40, s21, s20, $0xb8;
	[tilespmem:$0x1D100] =	vst v63  }
0x351: {  	_ =	swait.ge [sflag:s16], $0x2000  }
0x352: {  	[sflag:s16] =	ssyncset.done $0x0  }
0x353: {  	s5 =	simm.s32 @!p1 $0x2;
	[sflag:s16] =	ssyncadd.s32 $0xFFFFE000  }
0x354: {  	_ =	swait.ge @!p1 [sflag:s5], $0x2000  }
0x355: {  	[sflag:s5] =	ssyncset.done @!p1 $0x0  }
0x356: {  	s7 =	simm.s32 @!p1 $0x9680;
	[sflag:s5] =	ssyncadd.s32 @!p1 $0xFFFFE000;
	s5 =	simm.s32 @!p1 $0x80  }
0x357: {  	[spmem:s2] =	stream.indirect.scatter.add.f32 @!p1 [tilespmem:s7], [sflag:$0xA], $0x40, s23, s5, $0xb8;
	[tilespmem:$0x1D100] =	vst v63  }
0x358: {  	s5 =	simm.s32 @!p1 $0xA  }
0x359: {  	_ =	swait.ge @!p1 [sflag:s5], $0x2000  }
0x35a: {  	[sflag:s5] =	ssyncset.done @!p1 $0x0  }
0x35b: {  	[sflag:s5] =	ssyncadd.s32 @!p1 $0xFFFFE000;
	s5 =	simm.s32 @!p2 $0x3  }
0x35c: {  	_ =	swait.ge @!p2 [sflag:s5], $0x2000  }
0x35d: {  	s7 =	simm.s32 @!p2 $0xB680;
	[sflag:s5] =	ssyncset.done @!p2 $0x0  }
0x35e: {  	s11 =	rddreg [dreg:$0x10];
	[sflag:s5] =	ssyncadd.s32 @!p2 $0xFFFFE000;
	s5 =	simm.s32 @!p2 $0x80  }
0x35f: {  	[spmem:s2] =	stream.indirect.scatter.add.f32 @!p2 [tilespmem:s7], [sflag:$0xA], $0x40, s11, s5, $0xb8;
	[tilespmem:$0x1D100] =	vst v63  }
0x360: {  	s5 =	simm.s32 @!p2 $0xA  }
0x361: {  	_ =	swait.ge @!p2 [sflag:s5], $0x2000  }
0x362: {  	[sflag:s5] =	ssyncset.done @!p2 $0x0  }
0x363: {  	[sflag:s5] =	ssyncadd.s32 @!p2 $0xFFFFE000  }
0x364: {  	[bflag:$0x0] =	sbarrier.arrive $0xFFFF  }
0x365: {  	s21 =	simm.s32 $0x20;
	s17 =	rddreg [dreg:$0xe]  }
0x366: {  	[hbm:s17@s21], [sflag:s14] =	dma.strided [spmem:s15@s10], $0x1400, s29, $0x8   }
0x367: {  	_ =	swait.ge [sflag:s16], $0x1400  }
0x368: {  	s18 =	sadd.s32 $0x1, s18;
	s23 =	rddreg [dreg:$0x11]  }
0x369: {  	p0 =	sne.s32 s18, s23  }
.Ltmp12:
0x36a: {  	_ = 	snop;
	(pc) =	sbr.rel @p0 .LBB2_1-.Ltmp12, $4  }
.Ltmp13:
0x36b: {  	_ = 	snop;
	(pc) =	sbr.rel @!p0 .LBB2_20-.Ltmp13, $4  }
0x36c: {  	_ = 	snop  }
0x36d: {  	[sflag:s16] =	ssyncset.done $0x0  }
0x36e: {  	[sflag:s16] =	ssyncadd.s32 $0xFFFFEC00  }
0x36f: {  	_ = 	snop  }
.LBB2_6:
.Ltmp14:
0x370: {  	(pc) =	sbr.rel .LBB2_10-.Ltmp14, $2  }
0x371: {  	_ =	sdelay $0x2  }
0x372: {  	s5 =	simm.s32 $0x4F40  }
.LBB2_13:
.Ltmp15:
0x373: {  	(pc) =	sbr.rel .LBB2_17-.Ltmp15, $2  }
0x374: {  	_ =	sdelay $0x2  }
0x375: {  	s5 =	simm.s32 $0x4F40;
	s18 =	rddreg [dreg:$0x5]  }
.LBB2_8:
.Ltmp16:
0x376: {  	(pc) =	sbr.rel .LBB2_10-.Ltmp16, $2  }
0x377: {  	_ =	sdelay $0x2  }
0x378: {  	s5 =	simm.s32 $0x4F40  }
.LBB2_15:
.Ltmp17:
0x379: {  	(pc) =	sbr.rel .LBB2_17-.Ltmp17, $2  }
0x37a: {  	_ =	sdelay $0x2  }
0x37b: {  	s5 =	simm.s32 $0x4F40  }
.LBB2_20:
0x37c: {  	_ =	sfence.sel $0x180000  }
0x37d: {  	[bflag:$0x0] =	sbarrier.arrive $0xFFFF  }
0x37e: {  	_ =	strace $0x90000047  }
0x37f: {  	s0 =	stileid.u32;
	[bflag:$0x2] =	sbarrier.arrive $0xFFFF  }
0x380: {  	p0 =	sne.s32 s0, $0x0;
	s0 =	rddreg [dreg:$0x4]  }
0x381: {  	s0 =	sadd.s32 @!p0 $0x100000, s0  }
0x382: {  	[sflag:s0] =	ssyncadd.tile.s32 @!p0 $0x1;
	_ =	shalt  }
.Lfunc_end2:
_tile_overlayer_lowered:
.L_overlay_start_2:
0x383: {  	(tag) =	ssettag $0x2  }
0x384: {  	s0 =	rddreg [dreg:$0x0];
	s2 =	stileid.u32  }
0x385: {  	s1 =	rddreg [dreg:$0x1];
	p0 =	sne.s32 s2, $0x0  }
0x386: {  	s3 =	rddreg [dreg:$0x2];
	[bflag:$0x3] =	sbarrier.arrive $0xFFFF;
	s2 =	simm.s32 @!p0 $0x1C0A  }
0x387: {  	[timem:s3], [sflag:s2] =	dma.local @!p0 [hbm:s0], s1  }
0x388: {  	s0 =	simm.s32 @!p0 $0xA  }
0x389: {  	_ =	swait.ge @!p0 [sflag:s0], s1  }
0x38a: {  	s1 =	ssub.s32 @!p0 $0x0, s1;
	[sflag:s0] =	ssyncset.done @!p0 $0x0  }
0x38b: {  	[sflag:s0] =	ssyncadd.s32 @!p0 s1  }
0x38c: {  	[bflag:$0x3] =	sbarrier.arrive $0xFFFF  }
0x38d: {  	_ =	shalt  }

</sc_bundles>
